<compile_context>
chip_gen: v7x
topology: tpu7x:2x2x1
jax: 0.10.2.dev20260603
libtpu: 0.0.44.dev20260713+nightly
codegen_flags: <defaults>
</compile_context>

<pallas_src>
import functools

import jax
import jax.numpy as jnp
from jax import lax
from jax.experimental import pallas as pl
from jax.experimental.pallas import tpu as pltpu
from jax.experimental.pallas import tpu_sc as plsc

N = 10000
E = 320000
F_IN = 128
HID = 16
C = 10

NC = 2
NS = 16
NW = NC * NS
CHUNK = 128
TPC = 80
EPAD = NW * TPC * CHUNK
ROWS_PER_TILE = 640
NPAD = NS * ROWS_PER_TILE
LAST = N - (NS - 1) * ROWS_PER_TILE
DEPTH = 8
LAG = 4
NCHUNKS = EPAD // CHUNK
TPC_F = 96
TPC_S = 64
DTPC_F = 144
DTPC_S = 16

PACK = 128 // HID
NF = NPAD // PACK
BLKF = 256
GRID = NF // BLKF
BLKN = BLKF * PACK

_mesh = plsc.VectorSubcoreMesh(core_axis_name="c", subcore_axis_name="s")
_sc_params = pltpu.CompilerParams(use_tc_tiling_on_sc=False)


T_PAD = PACK * (N % NF) + N // NF


def _slot(n):
    a = ((n >> 8) * 52429) >> 18
    r = n - a * NF
    return PACK * r + a


def _prep_body(e_ref, src_ref, dst_ref):
    src_ref[pl.ds(0, E)] = _slot(e_ref[0, :])
    src_ref[pl.ds(E, EPAD - E)] = jnp.full((EPAD - E,), T_PAD, jnp.int32)
    dst_ref[pl.ds(0, E)] = _slot(e_ref[1, :])
    dst_ref[pl.ds(E, EPAD - E)] = jnp.full((EPAD - E,), T_PAD, jnp.int32)


_prep = pl.pallas_call(
    _prep_body,
    out_shape=(
        jax.ShapeDtypeStruct((EPAD,), jnp.int32),
        jax.ShapeDtypeStruct((EPAD,), jnp.int32),
    ),
)


@functools.partial(
    pl.kernel,
    out_type=jax.ShapeDtypeStruct((NC * NPAD, HID), jnp.float32),
    mesh=_mesh,
    scratch_types=[
        pltpu.VMEM_SHARED((NPAD,), jnp.float32),
        pltpu.VMEM((DTPC_F, CHUNK), jnp.int32),
        pltpu.VMEM((CHUNK,), jnp.float32),
        pltpu.VMEM((ROWS_PER_TILE + 16,), jnp.float32),
        pltpu.VMEM((ROWS_PER_TILE, HID), jnp.float32),
        pltpu.SemaphoreType.DMA,
    ],
    compiler_params=_sc_params,
)
def _deg_kernel(dst_hbm, out_hbm, deg_sh, idx_v, ones_v, bounce_v, rep_v, sem):
    c = lax.axis_index("c")
    s = lax.axis_index("s")
    tpc_c = jnp.where(c == 0, DTPC_F, DTPC_S)

    for i in range(CHUNK // 16):
        ones_v[pl.ds(i * 16, 16)] = jnp.ones((16,), jnp.float32)

    def zero_body(i, _):
        bounce_v[pl.ds(i * 16, 16)] = jnp.zeros((16,), jnp.float32)
        return 0

    lax.fori_loop(0, ROWS_PER_TILE // 16 + 1, zero_body, 0)
    pltpu.sync_copy(bounce_v.at[pl.ds(0, ROWS_PER_TILE)],
                    deg_sh.at[pl.ds(s * ROWS_PER_TILE, ROWS_PER_TILE)])

    @pl.when(c == 0)
    def _():
        pltpu.sync_copy(dst_hbm.at[pl.ds(s * DTPC_F, DTPC_F)], idx_v)

    @pl.when(c == 1)
    def _():
        pltpu.sync_copy(dst_hbm.at[pl.ds(NS * DTPC_F + s * DTPC_S, DTPC_S)],
                        idx_v.at[pl.ds(0, DTPC_S)])

    plsc.subcore_barrier()

    def scat(j):
        return pltpu.make_async_copy(ones_v, deg_sh.at[idx_v.at[j]], sem)

    def body(j, _):
        scat(j).start(add=True)

        @pl.when(j >= DEPTH)
        def _():
            scat(0).wait()

        return 0

    lax.fori_loop(0, tpc_c, body, 0)
    for _ in range(DEPTH):
        scat(0).wait()
    plsc.subcore_barrier()

    pltpu.sync_copy(deg_sh.at[pl.ds(s * ROWS_PER_TILE, ROWS_PER_TILE)],
                    bounce_v.at[pl.ds(0, ROWS_PER_TILE)])

    def rep_body(i, _):
        v = bounce_v[pl.ds(i, 16)]
        rep_v[i, :] = jnp.full((HID,), v[0], jnp.float32)
        return 0

    lax.fori_loop(0, ROWS_PER_TILE, rep_body, 0)

    pltpu.sync_copy(
        rep_v, out_hbm.at[pl.ds(c * NPAD + s * ROWS_PER_TILE, ROWS_PER_TILE)]
    )


@functools.partial(
    pl.kernel,
    out_type=jax.ShapeDtypeStruct((NC * NPAD, HID), jnp.float32),
    mesh=_mesh,
    scratch_types=[
        pltpu.VMEM_SHARED((NPAD, HID), jnp.float32),
        pltpu.VMEM_SHARED((NPAD, HID), jnp.float32),
        pltpu.VMEM((TPC_F, CHUNK), jnp.int32),
        pltpu.VMEM((TPC_F, CHUNK), jnp.int32),
        pltpu.VMEM((DEPTH, CHUNK, HID), jnp.float32),
        pltpu.VMEM((ROWS_PER_TILE, HID), jnp.float32),
        pltpu.SemaphoreType.DMA,
        pltpu.SemaphoreType.DMA,
    ],
    compiler_params=_sc_params,
)
def _prop_kernel(table_hbm, src_hbm, dst_hbm, out_hbm,
                 agg_sh, table_sh, isrc_v, idst_v, rows_v, bounce_v,
                 sem_g, sem_s):
    c = lax.axis_index("c")
    s = lax.axis_index("s")
    tpc_c = jnp.where(c == 0, TPC_F, TPC_S)

    pltpu.sync_copy(
        table_hbm.at[pl.ds(s * ROWS_PER_TILE, ROWS_PER_TILE)],
        table_sh.at[pl.ds(s * ROWS_PER_TILE, ROWS_PER_TILE)])

    def zero_body(i, _):
        bounce_v[i, :] = jnp.zeros((HID,), jnp.float32)
        return 0

    lax.fori_loop(0, ROWS_PER_TILE, zero_body, 0)
    pltpu.sync_copy(bounce_v, agg_sh.at[pl.ds(s * ROWS_PER_TILE, ROWS_PER_TILE)])

    @pl.when(c == 0)
    def _():
        pltpu.sync_copy(src_hbm.at[pl.ds(s * TPC_F, TPC_F)], isrc_v)
        pltpu.sync_copy(dst_hbm.at[pl.ds(s * TPC_F, TPC_F)], idst_v)

    @pl.when(c == 1)
    def _():
        base = NS * TPC_F + s * TPC_S
        pltpu.sync_copy(src_hbm.at[pl.ds(base, TPC_S)],
                        isrc_v.at[pl.ds(0, TPC_S)])
        pltpu.sync_copy(dst_hbm.at[pl.ds(base, TPC_S)],
                        idst_v.at[pl.ds(0, TPC_S)])

    plsc.subcore_barrier()

    def gath(j, b):
        return pltpu.make_async_copy(table_sh.at[isrc_v.at[j]], rows_v.at[b],
                                     sem_g)

    def scat(j, b):
        return pltpu.make_async_copy(rows_v.at[b], agg_sh.at[idst_v.at[j]],
                                     sem_s)

    def body(j, _):
        b = lax.rem(j, DEPTH)

        @pl.when(j >= DEPTH)
        def _():
            scat(0, 0).wait()

        gath(j, b).start()

        @pl.when(j >= LAG)
        def _():
            gath(0, 0).wait()
            jj = j - LAG
            scat(jj, lax.rem(jj, DEPTH)).start(add=True)

        return 0

    lax.fori_loop(0, tpc_c, body, 0)

    def tail(j, _):
        gath(0, 0).wait()
        jj = j - LAG
        scat(jj, lax.rem(jj, DEPTH)).start(add=True)
        return 0

    lax.fori_loop(tpc_c, tpc_c + LAG, tail, 0)
    for _ in range(DEPTH):
        scat(0, 0).wait()
    plsc.subcore_barrier()

    pltpu.sync_copy(agg_sh.at[pl.ds(s * ROWS_PER_TILE, ROWS_PER_TILE)], bounce_v)

    pltpu.sync_copy(
        bounce_v, out_hbm.at[pl.ds(c * NPAD + s * ROWS_PER_TILE, ROWS_PER_TILE)]
    )



def _tc1_body(d0_ref, d1_ref, *rest):
    xrefs = rest[:PACK]
    w1s_ref, scaled_ref, dinv_ref = rest[PACK], rest[PACK + 1], rest[PACK + 2]
    dinv = lax.rsqrt(d0_ref[...] + d1_ref[...] + 1.0)
    xcat = jnp.concatenate([xr[...] for xr in xrefs], axis=1)
    ri = lax.broadcasted_iota(jnp.int32, (BLKF, PACK * F_IN), 0) \
        + pl.program_id(0) * BLKF
    ci = lax.broadcasted_iota(jnp.int32, (BLKF, PACK * F_IN), 1)
    pad = (ci >= (PACK - 1) * F_IN) & (ri >= (N % NF))
    xcat = jnp.where(pad, 0.0, xcat)
    hf = jnp.dot(xcat, w1s_ref[...], preferred_element_type=jnp.float32)
    scaled_ref[...] = hf * dinv
    dinv_ref[...] = dinv


def _xa_spec(a):
    return pl.BlockSpec((BLKF, F_IN), lambda g, a=a: (g + a * (NF // BLKF), 0))


_tc1 = pl.pallas_call(
    _tc1_body,
    grid=(GRID,),
    in_specs=[
        pl.BlockSpec((BLKF, 128), lambda g: (g, 0)),
        pl.BlockSpec((BLKF, 128), lambda g: (g + GRID, 0)),
    ] + [_xa_spec(a) for a in range(PACK)] + [
        pl.BlockSpec((PACK * F_IN, 128), lambda g: (0, 0)),
    ],
    out_specs=(
        pl.BlockSpec((BLKF, 128), lambda g: (g, 0)),
        pl.BlockSpec((BLKF, 128), lambda g: (g, 0)),
    ),
    out_shape=(
        jax.ShapeDtypeStruct((NF, 128), jnp.float32),
        jax.ShapeDtypeStruct((NF, 128), jnp.float32),
    ),
)


def _tc2_body(a0_ref, a1_ref, scaled1_ref, dinv_ref, b1_ref, w2blk_ref,
              out_ref):
    dinv = dinv_ref[...]
    h1 = jnp.maximum(
        dinv * (a0_ref[...] + a1_ref[...] + scaled1_ref[...]) + b1_ref[...],
        0.0)
    h2 = jnp.dot(h1, w2blk_ref[...], preferred_element_type=jnp.float32)
    out_ref[...] = h2 * dinv


_tc2 = pl.pallas_call(
    _tc2_body,
    grid=(GRID,),
    in_specs=[
        pl.BlockSpec((BLKF, 128), lambda g: (g, 0)),
        pl.BlockSpec((BLKF, 128), lambda g: (g + GRID, 0)),
        pl.BlockSpec((BLKF, 128), lambda g: (g, 0)),
        pl.BlockSpec((BLKF, 128), lambda g: (g, 0)),
        pl.BlockSpec((1, 128), lambda g: (0, 0)),
        pl.BlockSpec((128, 128), lambda g: (0, 0)),
    ],
    out_specs=pl.BlockSpec((BLKF, 128), lambda g: (g, 0)),
    out_shape=jax.ShapeDtypeStruct((NF, 128), jnp.float32),
)


def _tc3_body(a0_ref, a1_ref, scaled2_ref, dinv_ref, b2_ref, g8_ref, out_ref):
    logits = dinv_ref[...] * (
        a0_ref[...] + a1_ref[...] + scaled2_ref[...]
    ) + b2_ref[...]
    m = jnp.max(logits, axis=1, keepdims=True)
    e = jnp.exp(logits - m)
    s = jnp.dot(e, g8_ref[...], preferred_element_type=jnp.float32)
    out_ref[...] = logits - m - jnp.log(s)


_tc3 = pl.pallas_call(
    _tc3_body,
    grid=(GRID,),
    in_specs=[
        pl.BlockSpec((BLKF, 128), lambda g: (g, 0)),
        pl.BlockSpec((BLKF, 128), lambda g: (g + GRID, 0)),
        pl.BlockSpec((BLKF, 128), lambda g: (g, 0)),
        pl.BlockSpec((BLKF, 128), lambda g: (g, 0)),
        pl.BlockSpec((1, 128), lambda g: (0, 0)),
        pl.BlockSpec((128, 128), lambda g: (0, 0)),
    ],
    out_specs=pl.BlockSpec((BLKF, 128), lambda g: (g, 0)),
    out_shape=jax.ShapeDtypeStruct((NF, 128), jnp.float32),
)


def kernel(x, edge_index, W1, b1, W2, b2):
    srcp, dstp = _prep(edge_index.astype(jnp.int32))
    src2d = srcp.reshape(NCHUNKS, CHUNK)
    dst2d = dstp.reshape(NCHUNKS, CHUNK)

    w2p = jnp.zeros((HID, HID), jnp.float32).at[:, :C].set(W2)
    w2blk = jnp.kron(jnp.eye(PACK, dtype=jnp.float32), w2p)
    g8 = jnp.kron(jnp.eye(PACK, dtype=jnp.float32),
                  jnp.ones((HID, HID), jnp.float32))
    b1f = jnp.tile(b1.reshape(1, HID), (1, PACK))
    b2p = jnp.full((HID,), -1e30, jnp.float32).at[:C].set(b2)
    b2f = jnp.tile(b2p.reshape(1, HID), (1, PACK))

    w1s = jnp.kron(jnp.eye(PACK, dtype=jnp.float32), W1)

    degrep = _deg_kernel(dst2d)
    degf = degrep.reshape(NC * NF, 128)

    scaled1, dinv = _tc1(degf, degf, *([x] * PACK), w1s)

    agg1 = _prop_kernel(scaled1.reshape(NPAD, HID), src2d, dst2d)
    agg1f = agg1.reshape(NC * NF, 128)
    scaled2 = _tc2(agg1f, agg1f, scaled1, dinv, b1f, w2blk)

    agg2 = _prop_kernel(scaled2.reshape(NPAD, HID), src2d, dst2d)
    agg2f = agg2.reshape(NC * NF, 128)
    lp = _tc3(agg2f, agg2f, scaled2, dinv, b2f, g8)

    return lp.reshape(NF, PACK, HID).transpose(1, 0, 2).reshape(NPAD, HID)[:N, :C]

# --- scband reference (transcript-rebuilt; emitter-appended) ---
"""Pipeline reference for scband-net-4715874091339 (READ-ONLY COPY).

The authoritative reference and input builder live on the scoring server;
editing this copy changes nothing except your own understanding.
"""

import jax, jax.numpy as jnp
import numpy as np

N = 10000
E = 320000
F_IN = 128
HID = 16
C = 10


def gcn_conv(x, edge_index, W, b):
    # Faithful PyG GCNConv: linear -> add self-loops -> sym-normalized scatter-add -> bias
    num_nodes = x.shape[0]
    h = x @ W
    loops = jnp.arange(num_nodes, dtype=edge_index.dtype)
    src = jnp.concatenate([edge_index[0], loops])
    dst = jnp.concatenate([edge_index[1], loops])
    deg = jax.ops.segment_sum(jnp.ones_like(dst, dtype=h.dtype), dst, num_segments=num_nodes)
    dinv = jnp.where(deg > 0, deg ** -0.5, 0.0)
    norm = dinv[src] * dinv[dst]
    msgs = jnp.take(h, src, axis=0) * norm[:, None]
    out = jax.ops.segment_sum(msgs, dst, num_segments=num_nodes)
    return out + b


def setup_inputs(seed: int = 0) -> dict:
    key = jax.random.key(seed)
    k1, k2, k3, k4 = jax.random.split(key, 4)
    x = jax.random.normal(k1, (N, F_IN), dtype=jnp.float32)
    edge_index = jax.random.randint(k2, (2, E), 0, N).astype(jnp.int64)
    W1 = jax.random.normal(k3, (F_IN, HID), dtype=jnp.float32) * (1.0 / np.sqrt(F_IN))
    b1 = jnp.zeros((HID,), dtype=jnp.float32)
    W2 = jax.random.normal(k4, (HID, C), dtype=jnp.float32) * (1.0 / np.sqrt(HID))
    b2 = jnp.zeros((C,), dtype=jnp.float32)
    return {"x": x, "edge_index": edge_index, "W1": W1, "b1": b1, "W2": W2, "b2": b2}


def reference(x, edge_index, W1, b1, W2, b2):
    h = jax.nn.relu(gcn_conv(x, edge_index, W1, b1))
    # dropout is identity in eval mode
    h = gcn_conv(h, edge_index, W2, b2)
    return jax.nn.log_softmax(h, axis=1)

if __name__ == "__main__":
    import jax
    _d = setup_inputs()
    print(jax.jit(kernel)(*tuple(_d.values())))

</pallas_src>

<mosaic_0001>
#map = affine_map<(d0, d1) -> (0, 0)>
module attributes {stable_mosaic.version = 14 : i64} {
  func.func @_deg_kernel(%arg0: i32, %arg1: i32, %arg2: memref<2560x128xi32, #tpu.memory_space<hbm>>, %arg3: memref<20480x16xf32, #tpu.memory_space<hbm>>, %arg4: memref<10240xf32, #tpu.memory_space<vmem_shared>>, %arg5: memref<144x128xi32, #tpu.memory_space<vmem>>, %arg6: memref<128xf32, #tpu.memory_space<vmem>>, %arg7: memref<656xf32, #tpu.memory_space<vmem>>, %arg8: memref<640x16xf32, #tpu.memory_space<vmem>>, %arg9: memref<!tpu.dma_semaphore, #tpu.memory_space<semaphore_mem>>) attributes {dimension_semantics = [#tpu.dimension_semantics<core_parallel>, #tpu.dimension_semantics<subcore_parallel>], iteration_bounds = array<i64: 2, 16>, scalar_prefetch = 0 : i64, scratch_operands = 6 : i64, tpu.core_type = #tpu.core_type<sc_vector_subcore>, window_params = [{transform_indices = #map}, {transform_indices = #map}]} {
    %eq3A = arith.constant 0 : i32
    %eq3A_0 = arith.cmpi eq, %arg0, %eq3A : i32
    %jit3A = arith.constant 144 : i32
    %jit3A_1 = arith.constant 16 : i32
    %select_n3A = arith.select %eq3A_0, %jit3A, %jit3A_1 : i32
    %broadcast_in_dim3A = arith.constant 1.000000e+00 : f32
    %broadcast_in_dim3A_2 = vector.broadcast %broadcast_in_dim3A : f32 to vector<16xf32>
    %swap3A = arith.constant 0 : index
    %swap3A_3 = tpu.vector_load %arg6[%swap3A] {strides = array<i32>} : memref<128xf32, #tpu.memory_space<vmem>>, vector<16xf32>,
    %swap3A_4 = vector.shape_cast %swap3A_3 : vector<16xf32> to vector<16xf32>
    %swap3A_5 = vector.shape_cast %broadcast_in_dim3A_2 : vector<16xf32> to vector<16xf32>
    tpu.vector_store %arg6[%swap3A], %swap3A_5 {strides = array<i32>} : memref<128xf32, #tpu.memory_space<vmem>>, vector<16xf32>,
    %broadcast_in_dim3A_6 = arith.constant 1.000000e+00 : f32
    %broadcast_in_dim3A_7 = vector.broadcast %broadcast_in_dim3A_6 : f32 to vector<16xf32>
    %swap3A_8 = arith.constant 16 : index
    %swap3A_9 = tpu.vector_load %arg6[%swap3A_8] {strides = array<i32>} : memref<128xf32, #tpu.memory_space<vmem>>, vector<16xf32>,
    %swap3A_10 = vector.shape_cast %swap3A_9 : vector<16xf32> to vector<16xf32>
    %swap3A_11 = vector.shape_cast %broadcast_in_dim3A_7 : vector<16xf32> to vector<16xf32>
    tpu.vector_store %arg6[%swap3A_8], %swap3A_11 {strides = array<i32>} : memref<128xf32, #tpu.memory_space<vmem>>, vector<16xf32>,
    %broadcast_in_dim3A_12 = arith.constant 1.000000e+00 : f32
    %broadcast_in_dim3A_13 = vector.broadcast %broadcast_in_dim3A_12 : f32 to vector<16xf32>
    %swap3A_14 = arith.constant 32 : index
    %swap3A_15 = tpu.vector_load %arg6[%swap3A_14] {strides = array<i32>} : memref<128xf32, #tpu.memory_space<vmem>>, vector<16xf32>,
    %swap3A_16 = vector.shape_cast %swap3A_15 : vector<16xf32> to vector<16xf32>
    %swap3A_17 = vector.shape_cast %broadcast_in_dim3A_13 : vector<16xf32> to vector<16xf32>
    tpu.vector_store %arg6[%swap3A_14], %swap3A_17 {strides = array<i32>} : memref<128xf32, #tpu.memory_space<vmem>>, vector<16xf32>,
    %broadcast_in_dim3A_18 = arith.constant 1.000000e+00 : f32
    %broadcast_in_dim3A_19 = vector.broadcast %broadcast_in_dim3A_18 : f32 to vector<16xf32>
    %swap3A_20 = arith.constant 48 : index
    %swap3A_21 = tpu.vector_load %arg6[%swap3A_20] {strides = array<i32>} : memref<128xf32, #tpu.memory_space<vmem>>, vector<16xf32>,
    %swap3A_22 = vector.shape_cast %swap3A_21 : vector<16xf32> to vector<16xf32>
    %swap3A_23 = vector.shape_cast %broadcast_in_dim3A_19 : vector<16xf32> to vector<16xf32>
    tpu.vector_store %arg6[%swap3A_20], %swap3A_23 {strides = array<i32>} : memref<128xf32, #tpu.memory_space<vmem>>, vector<16xf32>,
    %broadcast_in_dim3A_24 = arith.constant 1.000000e+00 : f32
    %broadcast_in_dim3A_25 = vector.broadcast %broadcast_in_dim3A_24 : f32 to vector<16xf32>
    %swap3A_26 = arith.constant 64 : index
    %swap3A_27 = tpu.vector_load %arg6[%swap3A_26] {strides = array<i32>} : memref<128xf32, #tpu.memory_space<vmem>>, vector<16xf32>,
    %swap3A_28 = vector.shape_cast %swap3A_27 : vector<16xf32> to vector<16xf32>
    %swap3A_29 = vector.shape_cast %broadcast_in_dim3A_25 : vector<16xf32> to vector<16xf32>
    tpu.vector_store %arg6[%swap3A_26], %swap3A_29 {strides = array<i32>} : memref<128xf32, #tpu.memory_space<vmem>>, vector<16xf32>,
    %broadcast_in_dim3A_30 = arith.constant 1.000000e+00 : f32
    %broadcast_in_dim3A_31 = vector.broadcast %broadcast_in_dim3A_30 : f32 to vector<16xf32>
    %swap3A_32 = arith.constant 80 : index
    %swap3A_33 = tpu.vector_load %arg6[%swap3A_32] {strides = array<i32>} : memref<128xf32, #tpu.memory_space<vmem>>, vector<16xf32>,
    %swap3A_34 = vector.shape_cast %swap3A_33 : vector<16xf32> to vector<16xf32>
    %swap3A_35 = vector.shape_cast %broadcast_in_dim3A_31 : vector<16xf32> to vector<16xf32>
    tpu.vector_store %arg6[%swap3A_32], %swap3A_35 {strides = array<i32>} : memref<128xf32, #tpu.memory_space<vmem>>, vector<16xf32>,
    %broadcast_in_dim3A_36 = arith.constant 1.000000e+00 : f32
    %broadcast_in_dim3A_37 = vector.broadcast %broadcast_in_dim3A_36 : f32 to vector<16xf32>
    %swap3A_38 = arith.constant 96 : index
    %swap3A_39 = tpu.vector_load %arg6[%swap3A_38] {strides = array<i32>} : memref<128xf32, #tpu.memory_space<vmem>>, vector<16xf32>,
    %swap3A_40 = vector.shape_cast %swap3A_39 : vector<16xf32> to vector<16xf32>
    %swap3A_41 = vector.shape_cast %broadcast_in_dim3A_37 : vector<16xf32> to vector<16xf32>
    tpu.vector_store %arg6[%swap3A_38], %swap3A_41 {strides = array<i32>} : memref<128xf32, #tpu.memory_space<vmem>>, vector<16xf32>,
    %broadcast_in_dim3A_42 = arith.constant 1.000000e+00 : f32
    %broadcast_in_dim3A_43 = vector.broadcast %broadcast_in_dim3A_42 : f32 to vector<16xf32>
    %swap3A_44 = arith.constant 112 : index
    %swap3A_45 = tpu.vector_load %arg6[%swap3A_44] {strides = array<i32>} : memref<128xf32, #tpu.memory_space<vmem>>, vector<16xf32>,
    %swap3A_46 = vector.shape_cast %swap3A_45 : vector<16xf32> to vector<16xf32>
    %swap3A_47 = vector.shape_cast %broadcast_in_dim3A_43 : vector<16xf32> to vector<16xf32>
    tpu.vector_store %arg6[%swap3A_44], %swap3A_47 {strides = array<i32>} : memref<128xf32, #tpu.memory_space<vmem>>, vector<16xf32>,
    %scan3A = arith.constant 0 : i32
    %scan3A_48 = arith.constant 0 : i32
    %scan3A_49 = arith.constant 41 : i32
    %scan3A_50 = arith.addi %scan3A_48, %scan3A_49 : i32
    %scan3A_51 = arith.constant 1 : i32
    %scan3A_52 = scf.for %scan3A_135 = %scan3A_48 to %scan3A_50 step %scan3A_51 iter_args(%scan3A_136 = %scan3A) -> (i32)  : i32 {
      %broadcast_in_dim3A_137 = arith.constant 0.000000e+00 : f32
      %broadcast_in_dim3A_138 = vector.broadcast %broadcast_in_dim3A_137 : f32 to vector<16xf32>
      %mul3A_139 = arith.constant 16 : i32
      %mul3A_140 = arith.muli %scan3A_135, %mul3A_139 : i32
      %swap3A_141 = arith.index_cast %mul3A_140 : i32 to index
      %swap3A_142 = tpu.vector_load %arg7[%swap3A_141] {strides = array<i32>} : memref<656xf32, #tpu.memory_space<vmem>>, vector<16xf32>,
      %swap3A_143 = vector.shape_cast %swap3A_142 : vector<16xf32> to vector<16xf32>
      %swap3A_144 = vector.shape_cast %broadcast_in_dim3A_138 : vector<16xf32> to vector<16xf32>
      tpu.vector_store %arg7[%swap3A_141], %swap3A_144 {strides = array<i32>} : memref<656xf32, #tpu.memory_space<vmem>>, vector<16xf32>,
      %scan3A_145 = arith.constant 0 : i32
      scf.yield %scan3A_145 : i32
    }
    %scan3A_53 = arith.constant 41 : i32
    %mul3A = arith.constant 640 : i32
    %mul3A_54 = arith.muli %arg1, %mul3A : i32
    "tpu.region"() ({
      %run_scoped3A = tpu.sem_alloc : memref<!tpu.dma_semaphore, #tpu.memory_space<semaphore_mem>>
      %dma_start3A = arith.constant 0 : i32
      %dma_start3A_135 = tpu.memref_slice %arg7[%dma_start3A] : memref<656xf32, #tpu.memory_space<vmem>> -> memref<640xf32, #tpu.memory_space<vmem>>
      %dma_start3A_136 = tpu.memref_slice %arg4[%mul3A_54] : memref<10240xf32, #tpu.memory_space<vmem_shared>> -> memref<640xf32, #tpu.memory_space<vmem_shared>>
      %dma_start3A_137 = tpu.memref_slice %arg4[%mul3A_54] : memref<10240xf32, #tpu.memory_space<vmem_shared>> -> memref<640xf32, #tpu.memory_space<vmem_shared>>
      %dma_start3A_138 = arith.constant 0 : i32
      %dma_start3A_139 = tpu.memref_slice %arg7[%dma_start3A_138] : memref<656xf32, #tpu.memory_space<vmem>> -> memref<640xf32, #tpu.memory_space<vmem>>
      tpu.enqueue_dma source(%dma_start3A_139 : memref<640xf32, #tpu.memory_space<vmem>>) target(%dma_start3A_137 : memref<640xf32, #tpu.memory_space<vmem_shared>>) target_semaphore(%run_scoped3A : memref<!tpu.dma_semaphore, #tpu.memory_space<semaphore_mem>>)
      %dma_wait3A_140 = arith.constant 0 : i32
      %dma_wait3A_141 = tpu.memref_slice %arg7[%dma_wait3A_140] : memref<656xf32, #tpu.memory_space<vmem>> -> memref<640xf32, #tpu.memory_space<vmem>>
      %dma_wait3A_142 = tpu.memref_slice %arg4[%mul3A_54] : memref<10240xf32, #tpu.memory_space<vmem_shared>> -> memref<640xf32, #tpu.memory_space<vmem_shared>>
      %dma_wait3A_143 = tpu.memref_slice %arg4[%mul3A_54] : memref<10240xf32, #tpu.memory_space<vmem_shared>> -> memref<640xf32, #tpu.memory_space<vmem_shared>>
      %dma_wait3A_144 = arith.constant 0 : i32
      %dma_wait3A_145 = tpu.memref_slice %arg7[%dma_wait3A_144] : memref<656xf32, #tpu.memory_space<vmem>> -> memref<640xf32, #tpu.memory_space<vmem>>
      tpu.wait_dma2 semaphore(%run_scoped3A : memref<!tpu.dma_semaphore, #tpu.memory_space<semaphore_mem>>) src(%dma_wait3A_145 : memref<640xf32, #tpu.memory_space<vmem>>) dst(%dma_wait3A_143 : memref<640xf32, #tpu.memory_space<vmem_shared>>)
      tpu.yield
    }) : () -> ()
    %eq3A_55 = arith.constant 0 : i32
    %eq3A_56 = arith.cmpi eq, %arg0, %eq3A_55 : i32
    %convert_element_type3A = arith.extui %eq3A_56 : i1 to i32
    %cond3A = arith.constant 0 : i32
    %cond3A_57 = arith.cmpi ne, %convert_element_type3A, %cond3A : i32
    scf.if %cond3A_57 {
      %mul3A_135 = arith.constant 144 : i32
      %mul3A_136 = arith.muli %arg1, %mul3A_135 : i32
      "tpu.region"() ({
        %run_scoped3A = tpu.sem_alloc : memref<!tpu.dma_semaphore, #tpu.memory_space<semaphore_mem>>
        %dma_start3A = arith.constant 0 : i32
        %dma_start3A_137 = tpu.memref_slice %arg2[%mul3A_136, %dma_start3A] : memref<2560x128xi32, #tpu.memory_space<hbm>> -> memref<144x128xi32, #tpu.memory_space<hbm>>
        %dma_start3A_138 = arith.constant 0 : i32
        %dma_start3A_139 = tpu.memref_slice %arg2[%mul3A_136, %dma_start3A_138] : memref<2560x128xi32, #tpu.memory_space<hbm>> -> memref<144x128xi32, #tpu.memory_space<hbm>>
        tpu.enqueue_dma source(%dma_start3A_139 : memref<144x128xi32, #tpu.memory_space<hbm>>) target(%arg5 : memref<144x128xi32, #tpu.memory_space<vmem>>) target_semaphore(%run_scoped3A : memref<!tpu.dma_semaphore, #tpu.memory_space<semaphore_mem>>)
        %dma_wait3A_140 = arith.constant 0 : i32
        %dma_wait3A_141 = tpu.memref_slice %arg2[%mul3A_136, %dma_wait3A_140] : memref<2560x128xi32, #tpu.memory_space<hbm>> -> memref<144x128xi32, #tpu.memory_space<hbm>>
        %dma_wait3A_142 = arith.constant 0 : i32
        %dma_wait3A_143 = tpu.memref_slice %arg2[%mul3A_136, %dma_wait3A_142] : memref<2560x128xi32, #tpu.memory_space<hbm>> -> memref<144x128xi32, #tpu.memory_space<hbm>>
        tpu.wait_dma2 semaphore(%run_scoped3A : memref<!tpu.dma_semaphore, #tpu.memory_space<semaphore_mem>>) src(%dma_wait3A_143 : memref<144x128xi32, #tpu.memory_space<hbm>>) dst(%arg5 : memref<144x128xi32, #tpu.memory_space<vmem>>)
        tpu.yield
      }) : () -> ()
    } else {
    }
    %eq3A_58 = arith.constant 1 : i32
    %eq3A_59 = arith.cmpi eq, %arg0, %eq3A_58 : i32
    %convert_element_type3A_60 = arith.extui %eq3A_59 : i1 to i32
    %cond3A_61 = arith.constant 0 : i32
    %cond3A_62 = arith.cmpi ne, %convert_element_type3A_60, %cond3A_61 : i32
    scf.if %cond3A_62 {
      %mul3A_135 = arith.constant 16 : i32
      %mul3A_136 = arith.muli %arg1, %mul3A_135 : i32
      %add3A_137 = arith.constant 2304 : i32
      %add3A_138 = arith.addi %add3A_137, %mul3A_136 : i32
      "tpu.region"() ({
        %run_scoped3A = tpu.sem_alloc : memref<!tpu.dma_semaphore, #tpu.memory_space<semaphore_mem>>
        %dma_start3A = arith.constant 0 : i32
        %dma_start3A_139 = arith.constant 0 : i32
        %dma_start3A_140 = tpu.memref_slice %arg5[%dma_start3A, %dma_start3A_139] : memref<144x128xi32, #tpu.memory_space<vmem>> -> memref<16x128xi32, #tpu.memory_space<vmem>>
        %dma_start3A_141 = arith.constant 0 : i32
        %dma_start3A_142 = tpu.memref_slice %arg2[%add3A_138, %dma_start3A_141] : memref<2560x128xi32, #tpu.memory_space<hbm>> -> memref<16x128xi32, #tpu.memory_space<hbm>>
        %dma_start3A_143 = arith.constant 0 : i32
        %dma_start3A_144 = arith.constant 0 : i32
        %dma_start3A_145 = tpu.memref_slice %arg5[%dma_start3A_143, %dma_start3A_144] : memref<144x128xi32, #tpu.memory_space<vmem>> -> memref<16x128xi32, #tpu.memory_space<vmem>>
        %dma_start3A_146 = arith.constant 0 : i32
        %dma_start3A_147 = tpu.memref_slice %arg2[%add3A_138, %dma_start3A_146] : memref<2560x128xi32, #tpu.memory_space<hbm>> -> memref<16x128xi32, #tpu.memory_space<hbm>>
        tpu.enqueue_dma source(%dma_start3A_147 : memref<16x128xi32, #tpu.memory_space<hbm>>) target(%dma_start3A_145 : memref<16x128xi32, #tpu.memory_space<vmem>>) target_semaphore(%run_scoped3A : memref<!tpu.dma_semaphore, #tpu.memory_space<semaphore_mem>>)
        %dma_wait3A_148 = arith.constant 0 : i32
        %dma_wait3A_149 = arith.constant 0 : i32
        %dma_wait3A_150 = tpu.memref_slice %arg5[%dma_wait3A_148, %dma_wait3A_149] : memref<144x128xi32, #tpu.memory_space<vmem>> -> memref<16x128xi32, #tpu.memory_space<vmem>>
        %dma_wait3A_151 = arith.constant 0 : i32
        %dma_wait3A_152 = tpu.memref_slice %arg2[%add3A_138, %dma_wait3A_151] : memref<2560x128xi32, #tpu.memory_space<hbm>> -> memref<16x128xi32, #tpu.memory_space<hbm>>
        %dma_wait3A_153 = arith.constant 0 : i32
        %dma_wait3A_154 = arith.constant 0 : i32
        %dma_wait3A_155 = tpu.memref_slice %arg5[%dma_wait3A_153, %dma_wait3A_154] : memref<144x128xi32, #tpu.memory_space<vmem>> -> memref<16x128xi32, #tpu.memory_space<vmem>>
        %dma_wait3A_156 = arith.constant 0 : i32
        %dma_wait3A_157 = tpu.memref_slice %arg2[%add3A_138, %dma_wait3A_156] : memref<2560x128xi32, #tpu.memory_space<hbm>> -> memref<16x128xi32, #tpu.memory_space<hbm>>
        tpu.wait_dma2 semaphore(%run_scoped3A : memref<!tpu.dma_semaphore, #tpu.memory_space<semaphore_mem>>) src(%dma_wait3A_157 : memref<16x128xi32, #tpu.memory_space<hbm>>) dst(%dma_wait3A_155 : memref<16x128xi32, #tpu.memory_space<vmem>>)
        tpu.yield
      }) : () -> ()
    } else {
    }
    %barrier3A = arith.constant 0 : index
    tpu.barrier barrier_id(%barrier3A)
    %while3A = arith.constant 0 : i32
    %while3A_63 = arith.constant 0 : i32
    %while3A_64 = arith.subi %select_n3A, %while3A : i32
    %while3A_65 = arith.addi %while3A, %while3A_64 : i32
    %while3A_66 = arith.constant 1 : i32
    %while3A_67 = arith.divsi %while3A_64, %while3A_66 : i32
    %while3A_68 = arith.muli %while3A_67, %while3A_66 : i32
    %while3A_69 = arith.addi %while3A, %while3A_68 : i32
    %while3A_70 = arith.constant 1 : i32
    %while3A_71 = scf.for %while3A_135 = %while3A to %while3A_69 step %while3A_70 iter_args(%while3A_136 = %while3A_63) -> (i32)  : i32 {
      %dma_start3A = arith.constant 0 : i32
      %dma_start3A_137 = tpu.memref_slice %arg5[%while3A_135, %dma_start3A] : memref<144x128xi32, #tpu.memory_space<vmem>> -> memref<1x128xi32, #tpu.memory_space<vmem>>
      %dma_start3A_138 = tpu.memref_squeeze %dma_start3A_137 : memref<1x128xi32, #tpu.memory_space<vmem>> -> memref<128xi32, #tpu.memory_space<vmem>>
      %dma_start3A_139 = arith.constant 0 : i32
      %dma_start3A_140 = tpu.memref_slice %arg4[%dma_start3A_139] : memref<10240xf32, #tpu.memory_space<vmem_shared>> -> memref<10240xf32, #tpu.memory_space<vmem_shared>>
      tpu.enqueue_indirect_dma source(%arg6 : memref<128xf32, #tpu.memory_space<vmem>>) target(%dma_start3A_140 : memref<10240xf32, #tpu.memory_space<vmem_shared>>) offsets(%dma_start3A_138 : memref<128xi32, #tpu.memory_space<vmem>>) semaphore(%arg9 : memref<!tpu.dma_semaphore, #tpu.memory_space<semaphore_mem>>) {add = true}
      %ge3A = arith.constant 8 : i32
      %ge3A_141 = arith.cmpi sge, %while3A_135, %ge3A : i32
      %convert_element_type3A_142 = arith.extui %ge3A_141 : i1 to i32
      %cond3A_143 = arith.constant 0 : i32
      %cond3A_144 = arith.cmpi ne, %convert_element_type3A_142, %cond3A_143 : i32
      scf.if %cond3A_144 {
        %dma_wait3A_146 = arith.constant 0 : i32
        %dma_wait3A_147 = arith.constant 0 : i32
        %dma_wait3A_148 = tpu.memref_slice %arg5[%dma_wait3A_146, %dma_wait3A_147] : memref<144x128xi32, #tpu.memory_space<vmem>> -> memref<1x128xi32, #tpu.memory_space<vmem>>
        %dma_wait3A_149 = tpu.memref_squeeze %dma_wait3A_148 : memref<1x128xi32, #tpu.memory_space<vmem>> -> memref<128xi32, #tpu.memory_space<vmem>>
        %dma_wait3A_150 = arith.constant 0 : i32
        %dma_wait3A_151 = tpu.memref_slice %arg4[%dma_wait3A_150] : memref<10240xf32, #tpu.memory_space<vmem_shared>> -> memref<10240xf32, #tpu.memory_space<vmem_shared>>
        tpu.wait_indirect_dma semaphore(%arg9 : memref<!tpu.dma_semaphore, #tpu.memory_space<semaphore_mem>>) src(%arg6 : memref<128xf32, #tpu.memory_space<vmem>>) dst(%dma_wait3A_151 : memref<10240xf32, #tpu.memory_space<vmem_shared>>)
      } else {
      }
      %while3A_145 = arith.constant 0 : i32
      scf.yield %while3A_145 : i32
    }
    %while3A_72 = arith.constant 1 : i32
    %while3A_73 = scf.for %while3A_135 = %while3A_69 to %while3A_65 step %while3A_72 iter_args(%while3A_136 = %while3A_71) -> (i32)  : i32 {
      %dma_start3A = arith.constant 0 : i32
      %dma_start3A_137 = tpu.memref_slice %arg5[%while3A_135, %dma_start3A] : memref<144x128xi32, #tpu.memory_space<vmem>> -> memref<1x128xi32, #tpu.memory_space<vmem>>
      %dma_start3A_138 = tpu.memref_squeeze %dma_start3A_137 : memref<1x128xi32, #tpu.memory_space<vmem>> -> memref<128xi32, #tpu.memory_space<vmem>>
      %dma_start3A_139 = arith.constant 0 : i32
      %dma_start3A_140 = tpu.memref_slice %arg4[%dma_start3A_139] : memref<10240xf32, #tpu.memory_space<vmem_shared>> -> memref<10240xf32, #tpu.memory_space<vmem_shared>>
      tpu.enqueue_indirect_dma source(%arg6 : memref<128xf32, #tpu.memory_space<vmem>>) target(%dma_start3A_140 : memref<10240xf32, #tpu.memory_space<vmem_shared>>) offsets(%dma_start3A_138 : memref<128xi32, #tpu.memory_space<vmem>>) semaphore(%arg9 : memref<!tpu.dma_semaphore, #tpu.memory_space<semaphore_mem>>) {add = true}
      %ge3A = arith.constant 8 : i32
      %ge3A_141 = arith.cmpi sge, %while3A_135, %ge3A : i32
      %convert_element_type3A_142 = arith.extui %ge3A_141 : i1 to i32
      %cond3A_143 = arith.constant 0 : i32
      %cond3A_144 = arith.cmpi ne, %convert_element_type3A_142, %cond3A_143 : i32
      scf.if %cond3A_144 {
        %dma_wait3A_146 = arith.constant 0 : i32
        %dma_wait3A_147 = arith.constant 0 : i32
        %dma_wait3A_148 = tpu.memref_slice %arg5[%dma_wait3A_146, %dma_wait3A_147] : memref<144x128xi32, #tpu.memory_space<vmem>> -> memref<1x128xi32, #tpu.memory_space<vmem>>
        %dma_wait3A_149 = tpu.memref_squeeze %dma_wait3A_148 : memref<1x128xi32, #tpu.memory_space<vmem>> -> memref<128xi32, #tpu.memory_space<vmem>>
        %dma_wait3A_150 = arith.constant 0 : i32
        %dma_wait3A_151 = tpu.memref_slice %arg4[%dma_wait3A_150] : memref<10240xf32, #tpu.memory_space<vmem_shared>> -> memref<10240xf32, #tpu.memory_space<vmem_shared>>
        tpu.wait_indirect_dma semaphore(%arg9 : memref<!tpu.dma_semaphore, #tpu.memory_space<semaphore_mem>>) src(%arg6 : memref<128xf32, #tpu.memory_space<vmem>>) dst(%dma_wait3A_151 : memref<10240xf32, #tpu.memory_space<vmem_shared>>)
      } else {
      }
      %while3A_145 = arith.constant 0 : i32
      scf.yield %while3A_145 : i32
    }
    %dma_wait3A = arith.constant 0 : i32
    %dma_wait3A_74 = arith.constant 0 : i32
    %dma_wait3A_75 = tpu.memref_slice %arg5[%dma_wait3A, %dma_wait3A_74] : memref<144x128xi32, #tpu.memory_space<vmem>> -> memref<1x128xi32, #tpu.memory_space<vmem>>
    %dma_wait3A_76 = tpu.memref_squeeze %dma_wait3A_75 : memref<1x128xi32, #tpu.memory_space<vmem>> -> memref<128xi32, #tpu.memory_space<vmem>>
    %dma_wait3A_77 = arith.constant 0 : i32
    %dma_wait3A_78 = tpu.memref_slice %arg4[%dma_wait3A_77] : memref<10240xf32, #tpu.memory_space<vmem_shared>> -> memref<10240xf32, #tpu.memory_space<vmem_shared>>
    tpu.wait_indirect_dma semaphore(%arg9 : memref<!tpu.dma_semaphore, #tpu.memory_space<semaphore_mem>>) src(%arg6 : memref<128xf32, #tpu.memory_space<vmem>>) dst(%dma_wait3A_78 : memref<10240xf32, #tpu.memory_space<vmem_shared>>)
    %dma_wait3A_79 = arith.constant 0 : i32
    %dma_wait3A_80 = arith.constant 0 : i32
    %dma_wait3A_81 = tpu.memref_slice %arg5[%dma_wait3A_79, %dma_wait3A_80] : memref<144x128xi32, #tpu.memory_space<vmem>> -> memref<1x128xi32, #tpu.memory_space<vmem>>
    %dma_wait3A_82 = tpu.memref_squeeze %dma_wait3A_81 : memref<1x128xi32, #tpu.memory_space<vmem>> -> memref<128xi32, #tpu.memory_space<vmem>>
    %dma_wait3A_83 = arith.constant 0 : i32
    %dma_wait3A_84 = tpu.memref_slice %arg4[%dma_wait3A_83] : memref<10240xf32, #tpu.memory_space<vmem_shared>> -> memref<10240xf32, #tpu.memory_space<vmem_shared>>
    tpu.wait_indirect_dma semaphore(%arg9 : memref<!tpu.dma_semaphore, #tpu.memory_space<semaphore_mem>>) src(%arg6 : memref<128xf32, #tpu.memory_space<vmem>>) dst(%dma_wait3A_84 : memref<10240xf32, #tpu.memory_space<vmem_shared>>)
    %dma_wait3A_85 = arith.constant 0 : i32
    %dma_wait3A_86 = arith.constant 0 : i32
    %dma_wait3A_87 = tpu.memref_slice %arg5[%dma_wait3A_85, %dma_wait3A_86] : memref<144x128xi32, #tpu.memory_space<vmem>> -> memref<1x128xi32, #tpu.memory_space<vmem>>
    %dma_wait3A_88 = tpu.memref_squeeze %dma_wait3A_87 : memref<1x128xi32, #tpu.memory_space<vmem>> -> memref<128xi32, #tpu.memory_space<vmem>>
    %dma_wait3A_89 = arith.constant 0 : i32
    %dma_wait3A_90 = tpu.memref_slice %arg4[%dma_wait3A_89] : memref<10240xf32, #tpu.memory_space<vmem_shared>> -> memref<10240xf32, #tpu.memory_space<vmem_shared>>
    tpu.wait_indirect_dma semaphore(%arg9 : memref<!tpu.dma_semaphore, #tpu.memory_space<semaphore_mem>>) src(%arg6 : memref<128xf32, #tpu.memory_space<vmem>>) dst(%dma_wait3A_90 : memref<10240xf32, #tpu.memory_space<vmem_shared>>)
    %dma_wait3A_91 = arith.constant 0 : i32
    %dma_wait3A_92 = arith.constant 0 : i32
    %dma_wait3A_93 = tpu.memref_slice %arg5[%dma_wait3A_91, %dma_wait3A_92] : memref<144x128xi32, #tpu.memory_space<vmem>> -> memref<1x128xi32, #tpu.memory_space<vmem>>
    %dma_wait3A_94 = tpu.memref_squeeze %dma_wait3A_93 : memref<1x128xi32, #tpu.memory_space<vmem>> -> memref<128xi32, #tpu.memory_space<vmem>>
    %dma_wait3A_95 = arith.constant 0 : i32
    %dma_wait3A_96 = tpu.memref_slice %arg4[%dma_wait3A_95] : memref<10240xf32, #tpu.memory_space<vmem_shared>> -> memref<10240xf32, #tpu.memory_space<vmem_shared>>
    tpu.wait_indirect_dma semaphore(%arg9 : memref<!tpu.dma_semaphore, #tpu.memory_space<semaphore_mem>>) src(%arg6 : memref<128xf32, #tpu.memory_space<vmem>>) dst(%dma_wait3A_96 : memref<10240xf32, #tpu.memory_space<vmem_shared>>)
    %dma_wait3A_97 = arith.constant 0 : i32
    %dma_wait3A_98 = arith.constant 0 : i32
    %dma_wait3A_99 = tpu.memref_slice %arg5[%dma_wait3A_97, %dma_wait3A_98] : memref<144x128xi32, #tpu.memory_space<vmem>> -> memref<1x128xi32, #tpu.memory_space<vmem>>
    %dma_wait3A_100 = tpu.memref_squeeze %dma_wait3A_99 : memref<1x128xi32, #tpu.memory_space<vmem>> -> memref<128xi32, #tpu.memory_space<vmem>>
    %dma_wait3A_101 = arith.constant 0 : i32
    %dma_wait3A_102 = tpu.memref_slice %arg4[%dma_wait3A_101] : memref<10240xf32, #tpu.memory_space<vmem_shared>> -> memref<10240xf32, #tpu.memory_space<vmem_shared>>
    tpu.wait_indirect_dma semaphore(%arg9 : memref<!tpu.dma_semaphore, #tpu.memory_space<semaphore_mem>>) src(%arg6 : memref<128xf32, #tpu.memory_space<vmem>>) dst(%dma_wait3A_102 : memref<10240xf32, #tpu.memory_space<vmem_shared>>)
    %dma_wait3A_103 = arith.constant 0 : i32
    %dma_wait3A_104 = arith.constant 0 : i32
    %dma_wait3A_105 = tpu.memref_slice %arg5[%dma_wait3A_103, %dma_wait3A_104] : memref<144x128xi32, #tpu.memory_space<vmem>> -> memref<1x128xi32, #tpu.memory_space<vmem>>
    %dma_wait3A_106 = tpu.memref_squeeze %dma_wait3A_105 : memref<1x128xi32, #tpu.memory_space<vmem>> -> memref<128xi32, #tpu.memory_space<vmem>>
    %dma_wait3A_107 = arith.constant 0 : i32
    %dma_wait3A_108 = tpu.memref_slice %arg4[%dma_wait3A_107] : memref<10240xf32, #tpu.memory_space<vmem_shared>> -> memref<10240xf32, #tpu.memory_space<vmem_shared>>
    tpu.wait_indirect_dma semaphore(%arg9 : memref<!tpu.dma_semaphore, #tpu.memory_space<semaphore_mem>>) src(%arg6 : memref<128xf32, #tpu.memory_space<vmem>>) dst(%dma_wait3A_108 : memref<10240xf32, #tpu.memory_space<vmem_shared>>)
    %dma_wait3A_109 = arith.constant 0 : i32
    %dma_wait3A_110 = arith.constant 0 : i32
    %dma_wait3A_111 = tpu.memref_slice %arg5[%dma_wait3A_109, %dma_wait3A_110] : memref<144x128xi32, #tpu.memory_space<vmem>> -> memref<1x128xi32, #tpu.memory_space<vmem>>
    %dma_wait3A_112 = tpu.memref_squeeze %dma_wait3A_111 : memref<1x128xi32, #tpu.memory_space<vmem>> -> memref<128xi32, #tpu.memory_space<vmem>>
    %dma_wait3A_113 = arith.constant 0 : i32
    %dma_wait3A_114 = tpu.memref_slice %arg4[%dma_wait3A_113] : memref<10240xf32, #tpu.memory_space<vmem_shared>> -> memref<10240xf32, #tpu.memory_space<vmem_shared>>
    tpu.wait_indirect_dma semaphore(%arg9 : memref<!tpu.dma_semaphore, #tpu.memory_space<semaphore_mem>>) src(%arg6 : memref<128xf32, #tpu.memory_space<vmem>>) dst(%dma_wait3A_114 : memref<10240xf32, #tpu.memory_space<vmem_shared>>)
    %dma_wait3A_115 = arith.constant 0 : i32
    %dma_wait3A_116 = arith.constant 0 : i32
    %dma_wait3A_117 = tpu.memref_slice %arg5[%dma_wait3A_115, %dma_wait3A_116] : memref<144x128xi32, #tpu.memory_space<vmem>> -> memref<1x128xi32, #tpu.memory_space<vmem>>
    %dma_wait3A_118 = tpu.memref_squeeze %dma_wait3A_117 : memref<1x128xi32, #tpu.memory_space<vmem>> -> memref<128xi32, #tpu.memory_space<vmem>>
    %dma_wait3A_119 = arith.constant 0 : i32
    %dma_wait3A_120 = tpu.memref_slice %arg4[%dma_wait3A_119] : memref<10240xf32, #tpu.memory_space<vmem_shared>> -> memref<10240xf32, #tpu.memory_space<vmem_shared>>
    tpu.wait_indirect_dma semaphore(%arg9 : memref<!tpu.dma_semaphore, #tpu.memory_space<semaphore_mem>>) src(%arg6 : memref<128xf32, #tpu.memory_space<vmem>>) dst(%dma_wait3A_120 : memref<10240xf32, #tpu.memory_space<vmem_shared>>)
    %barrier3A_121 = arith.constant 0 : index
    tpu.barrier barrier_id(%barrier3A_121)
    %mul3A_122 = arith.constant 640 : i32
    %mul3A_123 = arith.muli %arg1, %mul3A_122 : i32
    "tpu.region"() ({
      %run_scoped3A = tpu.sem_alloc : memref<!tpu.dma_semaphore, #tpu.memory_space<semaphore_mem>>
      %dma_start3A = arith.constant 0 : i32
      %dma_start3A_135 = tpu.memref_slice %arg7[%dma_start3A] : memref<656xf32, #tpu.memory_space<vmem>> -> memref<640xf32, #tpu.memory_space<vmem>>
      %dma_start3A_136 = tpu.memref_slice %arg4[%mul3A_123] : memref<10240xf32, #tpu.memory_space<vmem_shared>> -> memref<640xf32, #tpu.memory_space<vmem_shared>>
      %dma_start3A_137 = arith.constant 0 : i32
      %dma_start3A_138 = tpu.memref_slice %arg7[%dma_start3A_137] : memref<656xf32, #tpu.memory_space<vmem>> -> memref<640xf32, #tpu.memory_space<vmem>>
      %dma_start3A_139 = tpu.memref_slice %arg4[%mul3A_123] : memref<10240xf32, #tpu.memory_space<vmem_shared>> -> memref<640xf32, #tpu.memory_space<vmem_shared>>
      tpu.enqueue_dma source(%dma_start3A_139 : memref<640xf32, #tpu.memory_space<vmem_shared>>) target(%dma_start3A_138 : memref<640xf32, #tpu.memory_space<vmem>>) target_semaphore(%run_scoped3A : memref<!tpu.dma_semaphore, #tpu.memory_space<semaphore_mem>>)
      %dma_wait3A_140 = arith.constant 0 : i32
      %dma_wait3A_141 = tpu.memref_slice %arg7[%dma_wait3A_140] : memref<656xf32, #tpu.memory_space<vmem>> -> memref<640xf32, #tpu.memory_space<vmem>>
      %dma_wait3A_142 = tpu.memref_slice %arg4[%mul3A_123] : memref<10240xf32, #tpu.memory_space<vmem_shared>> -> memref<640xf32, #tpu.memory_space<vmem_shared>>
      %dma_wait3A_143 = arith.constant 0 : i32
      %dma_wait3A_144 = tpu.memref_slice %arg7[%dma_wait3A_143] : memref<656xf32, #tpu.memory_space<vmem>> -> memref<640xf32, #tpu.memory_space<vmem>>
      %dma_wait3A_145 = tpu.memref_slice %arg4[%mul3A_123] : memref<10240xf32, #tpu.memory_space<vmem_shared>> -> memref<640xf32, #tpu.memory_space<vmem_shared>>
      tpu.wait_dma2 semaphore(%run_scoped3A : memref<!tpu.dma_semaphore, #tpu.memory_space<semaphore_mem>>) src(%dma_wait3A_145 : memref<640xf32, #tpu.memory_space<vmem_shared>>) dst(%dma_wait3A_144 : memref<640xf32, #tpu.memory_space<vmem>>)
      tpu.yield
    }) : () -> ()
    %scan3A_124 = arith.constant 0 : i32
    %scan3A_125 = arith.constant 0 : i32
    %scan3A_126 = arith.constant 640 : i32
    %scan3A_127 = arith.addi %scan3A_125, %scan3A_126 : i32
    %scan3A_128 = arith.constant 1 : i32
    %scan3A_129 = scf.for %scan3A_135 = %scan3A_125 to %scan3A_127 step %scan3A_128 iter_args(%scan3A_136 = %scan3A_124) -> (i32)  : i32 {
      %get3A = arith.index_cast %scan3A_135 : i32 to index
      %get3A_137 = tpu.vector_load %arg7[%get3A] {strides = array<i32>} : memref<656xf32, #tpu.memory_space<vmem>>, vector<16xf32>,
      %get3A_138 = vector.shape_cast %get3A_137 : vector<16xf32> to vector<16xf32>
      %slice3A = vector.extract_strided_slice %get3A_138 {offsets = [0], sizes = [1], strides = [1]} : vector<16xf32> to vector<1xf32>
      %squeeze3A = vector.extract %slice3A[0] : f32 from vector<1xf32>
      %broadcast_in_dim3A_139 = vector.broadcast %squeeze3A : f32 to vector<16xf32>
      %swap3A_140 = arith.index_cast %scan3A_135 : i32 to index
      %swap3A_141 = arith.constant 0 : index
      %swap3A_142 = tpu.vector_load %arg8[%swap3A_140, %swap3A_141] {strides = array<i32>} : memref<640x16xf32, #tpu.memory_space<vmem>>, vector<1x16xf32>,
      %swap3A_143 = vector.shape_cast %swap3A_142 : vector<1x16xf32> to vector<16xf32>
      %swap3A_144 = vector.shape_cast %broadcast_in_dim3A_139 : vector<16xf32> to vector<1x16xf32>
      tpu.vector_store %arg8[%swap3A_140, %swap3A_141], %swap3A_144 {strides = array<i32>} : memref<640x16xf32, #tpu.memory_space<vmem>>, vector<1x16xf32>,
      %scan3A_145 = arith.constant 0 : i32
      scf.yield %scan3A_145 : i32
    }
    %scan3A_130 = arith.constant 640 : i32
    %mul3A_131 = arith.constant 10240 : i32
    %mul3A_132 = arith.muli %arg0, %mul3A_131 : i32
    %mul3A_133 = arith.constant 640 : i32
    %mul3A_134 = arith.muli %arg1, %mul3A_133 : i32
    %add3A = arith.addi %mul3A_132, %mul3A_134 : i32
    "tpu.region"() ({
      %run_scoped3A = tpu.sem_alloc : memref<!tpu.dma_semaphore, #tpu.memory_space<semaphore_mem>>
      %dma_start3A = arith.constant 0 : i32
      %dma_start3A_135 = tpu.memref_slice %arg3[%add3A, %dma_start3A] : memref<20480x16xf32, #tpu.memory_space<hbm>> -> memref<640x16xf32, #tpu.memory_space<hbm>>
      %dma_start3A_136 = arith.constant 0 : i32
      %dma_start3A_137 = tpu.memref_slice %arg3[%add3A, %dma_start3A_136] : memref<20480x16xf32, #tpu.memory_space<hbm>> -> memref<640x16xf32, #tpu.memory_space<hbm>>
      tpu.enqueue_dma source(%arg8 : memref<640x16xf32, #tpu.memory_space<vmem>>) target(%dma_start3A_137 : memref<640x16xf32, #tpu.memory_space<hbm>>) target_semaphore(%run_scoped3A : memref<!tpu.dma_semaphore, #tpu.memory_space<semaphore_mem>>)
      %dma_wait3A_138 = arith.constant 0 : i32
      %dma_wait3A_139 = tpu.memref_slice %arg3[%add3A, %dma_wait3A_138] : memref<20480x16xf32, #tpu.memory_space<hbm>> -> memref<640x16xf32, #tpu.memory_space<hbm>>
      %dma_wait3A_140 = arith.constant 0 : i32
      %dma_wait3A_141 = tpu.memref_slice %arg3[%add3A, %dma_wait3A_140] : memref<20480x16xf32, #tpu.memory_space<hbm>> -> memref<640x16xf32, #tpu.memory_space<hbm>>
      tpu.wait_dma2 semaphore(%run_scoped3A : memref<!tpu.dma_semaphore, #tpu.memory_space<semaphore_mem>>) src(%arg8 : memref<640x16xf32, #tpu.memory_space<vmem>>) dst(%dma_wait3A_141 : memref<640x16xf32, #tpu.memory_space<hbm>>)
      tpu.yield
    }) : () -> ()
    return
  }
}

#map = affine_map<(d0, d1) -> (0, 0)>
module attributes {stable_mosaic.version = 14 : i64} {
  func.func @_prop_kernel(%arg0: i32, %arg1: i32, %arg2: memref<10240x16xf32, #tpu.memory_space<hbm>>, %arg3: memref<2560x128xi32, #tpu.memory_space<hbm>>, %arg4: memref<2560x128xi32, #tpu.memory_space<hbm>>, %arg5: memref<20480x16xf32, #tpu.memory_space<hbm>>, %arg6: memref<10240x16xf32, #tpu.memory_space<vmem_shared>>, %arg7: memref<10240x16xf32, #tpu.memory_space<vmem_shared>>, %arg8: memref<96x128xi32, #tpu.memory_space<vmem>>, %arg9: memref<96x128xi32, #tpu.memory_space<vmem>>, %arg10: memref<8x128x16xf32, #tpu.memory_space<vmem>>, %arg11: memref<640x16xf32, #tpu.memory_space<vmem>>, %arg12: memref<!tpu.dma_semaphore, #tpu.memory_space<semaphore_mem>>, %arg13: memref<!tpu.dma_semaphore, #tpu.memory_space<semaphore_mem>>) attributes {dimension_semantics = [#tpu.dimension_semantics<core_parallel>, #tpu.dimension_semantics<subcore_parallel>], iteration_bounds = array<i64: 2, 16>, scalar_prefetch = 0 : i64, scratch_operands = 8 : i64, tpu.core_type = #tpu.core_type<sc_vector_subcore>, window_params = [{transform_indices = #map}, {transform_indices = #map}, {transform_indices = #map}, {transform_indices = #map}]} {
    %eq3A = arith.constant 0 : i32
    %eq3A_0 = arith.cmpi eq, %arg0, %eq3A : i32
    %jit3A = arith.constant 96 : i32
    %jit3A_1 = arith.constant 64 : i32
    %select_n3A = arith.select %eq3A_0, %jit3A, %jit3A_1 : i32
    %mul3A = arith.constant 640 : i32
    %mul3A_2 = arith.muli %arg1, %mul3A : i32
    %mul3A_3 = arith.constant 640 : i32
    %mul3A_4 = arith.muli %arg1, %mul3A_3 : i32
    "tpu.region"() ({
      %run_scoped3A = tpu.sem_alloc : memref<!tpu.dma_semaphore, #tpu.memory_space<semaphore_mem>>
      %dma_start3A = arith.constant 0 : i32
      %dma_start3A_147 = tpu.memref_slice %arg7[%mul3A_4, %dma_start3A] : memref<10240x16xf32, #tpu.memory_space<vmem_shared>> -> memref<640x16xf32, #tpu.memory_space<vmem_shared>>
      %dma_start3A_148 = arith.constant 0 : i32
      %dma_start3A_149 = tpu.memref_slice %arg2[%mul3A_2, %dma_start3A_148] : memref<10240x16xf32, #tpu.memory_space<hbm>> -> memref<640x16xf32, #tpu.memory_space<hbm>>
      tpu.enqueue_dma source(%dma_start3A_149 : memref<640x16xf32, #tpu.memory_space<hbm>>) target(%dma_start3A_147 : memref<640x16xf32, #tpu.memory_space<vmem_shared>>) target_semaphore(%run_scoped3A : memref<!tpu.dma_semaphore, #tpu.memory_space<semaphore_mem>>)
      %dma_wait3A_150 = arith.constant 0 : i32
      %dma_wait3A_151 = tpu.memref_slice %arg7[%mul3A_4, %dma_wait3A_150] : memref<10240x16xf32, #tpu.memory_space<vmem_shared>> -> memref<640x16xf32, #tpu.memory_space<vmem_shared>>
      %dma_wait3A_152 = arith.constant 0 : i32
      %dma_wait3A_153 = tpu.memref_slice %arg2[%mul3A_2, %dma_wait3A_152] : memref<10240x16xf32, #tpu.memory_space<hbm>> -> memref<640x16xf32, #tpu.memory_space<hbm>>
      tpu.wait_dma2 semaphore(%run_scoped3A : memref<!tpu.dma_semaphore, #tpu.memory_space<semaphore_mem>>) src(%dma_wait3A_153 : memref<640x16xf32, #tpu.memory_space<hbm>>) dst(%dma_wait3A_151 : memref<640x16xf32, #tpu.memory_space<vmem_shared>>)
      tpu.yield
    }) : () -> ()
    %scan3A = arith.constant 0 : i32
    %scan3A_5 = arith.constant 0 : i32
    %scan3A_6 = arith.constant 640 : i32
    %scan3A_7 = arith.addi %scan3A_5, %scan3A_6 : i32
    %scan3A_8 = arith.constant 1 : i32
    %scan3A_9 = scf.for %scan3A_147 = %scan3A_5 to %scan3A_7 step %scan3A_8 iter_args(%scan3A_148 = %scan3A) -> (i32)  : i32 {
      %broadcast_in_dim3A = arith.constant 0.000000e+00 : f32
      %broadcast_in_dim3A_149 = vector.broadcast %broadcast_in_dim3A : f32 to vector<16xf32>
      %swap3A = arith.index_cast %scan3A_147 : i32 to index
      %swap3A_150 = arith.constant 0 : index
      %swap3A_151 = tpu.vector_load %arg11[%swap3A, %swap3A_150] {strides = array<i32>} : memref<640x16xf32, #tpu.memory_space<vmem>>, vector<1x16xf32>,
      %swap3A_152 = vector.shape_cast %swap3A_151 : vector<1x16xf32> to vector<16xf32>
      %swap3A_153 = vector.shape_cast %broadcast_in_dim3A_149 : vector<16xf32> to vector<1x16xf32>
      tpu.vector_store %arg11[%swap3A, %swap3A_150], %swap3A_153 {strides = array<i32>} : memref<640x16xf32, #tpu.memory_space<vmem>>, vector<1x16xf32>,
      %scan3A_154 = arith.constant 0 : i32
      scf.yield %scan3A_154 : i32
    }
    %scan3A_10 = arith.constant 640 : i32
    %mul3A_11 = arith.constant 640 : i32
    %mul3A_12 = arith.muli %arg1, %mul3A_11 : i32
    "tpu.region"() ({
      %run_scoped3A = tpu.sem_alloc : memref<!tpu.dma_semaphore, #tpu.memory_space<semaphore_mem>>
      %dma_start3A = arith.constant 0 : i32
      %dma_start3A_147 = tpu.memref_slice %arg6[%mul3A_12, %dma_start3A] : memref<10240x16xf32, #tpu.memory_space<vmem_shared>> -> memref<640x16xf32, #tpu.memory_space<vmem_shared>>
      %dma_start3A_148 = arith.constant 0 : i32
      %dma_start3A_149 = tpu.memref_slice %arg6[%mul3A_12, %dma_start3A_148] : memref<10240x16xf32, #tpu.memory_space<vmem_shared>> -> memref<640x16xf32, #tpu.memory_space<vmem_shared>>
      tpu.enqueue_dma source(%arg11 : memref<640x16xf32, #tpu.memory_space<vmem>>) target(%dma_start3A_149 : memref<640x16xf32, #tpu.memory_space<vmem_shared>>) target_semaphore(%run_scoped3A : memref<!tpu.dma_semaphore, #tpu.memory_space<semaphore_mem>>)
      %dma_wait3A_150 = arith.constant 0 : i32
      %dma_wait3A_151 = tpu.memref_slice %arg6[%mul3A_12, %dma_wait3A_150] : memref<10240x16xf32, #tpu.memory_space<vmem_shared>> -> memref<640x16xf32, #tpu.memory_space<vmem_shared>>
      %dma_wait3A_152 = arith.constant 0 : i32
      %dma_wait3A_153 = tpu.memref_slice %arg6[%mul3A_12, %dma_wait3A_152] : memref<10240x16xf32, #tpu.memory_space<vmem_shared>> -> memref<640x16xf32, #tpu.memory_space<vmem_shared>>
      tpu.wait_dma2 semaphore(%run_scoped3A : memref<!tpu.dma_semaphore, #tpu.memory_space<semaphore_mem>>) src(%arg11 : memref<640x16xf32, #tpu.memory_space<vmem>>) dst(%dma_wait3A_153 : memref<640x16xf32, #tpu.memory_space<vmem_shared>>)
      tpu.yield
    }) : () -> ()
    %eq3A_13 = arith.constant 0 : i32
    %eq3A_14 = arith.cmpi eq, %arg0, %eq3A_13 : i32
    %convert_element_type3A = arith.extui %eq3A_14 : i1 to i32
    %cond3A = arith.constant 0 : i32
    %cond3A_15 = arith.cmpi ne, %convert_element_type3A, %cond3A : i32
    scf.if %cond3A_15 {
      %mul3A_147 = arith.constant 96 : i32
      %mul3A_148 = arith.muli %arg1, %mul3A_147 : i32
      "tpu.region"() ({
        %run_scoped3A = tpu.sem_alloc : memref<!tpu.dma_semaphore, #tpu.memory_space<semaphore_mem>>
        %dma_start3A = arith.constant 0 : i32
        %dma_start3A_151 = tpu.memref_slice %arg3[%mul3A_148, %dma_start3A] : memref<2560x128xi32, #tpu.memory_space<hbm>> -> memref<96x128xi32, #tpu.memory_space<hbm>>
        %dma_start3A_152 = arith.constant 0 : i32
        %dma_start3A_153 = tpu.memref_slice %arg3[%mul3A_148, %dma_start3A_152] : memref<2560x128xi32, #tpu.memory_space<hbm>> -> memref<96x128xi32, #tpu.memory_space<hbm>>
        tpu.enqueue_dma source(%dma_start3A_153 : memref<96x128xi32, #tpu.memory_space<hbm>>) target(%arg8 : memref<96x128xi32, #tpu.memory_space<vmem>>) target_semaphore(%run_scoped3A : memref<!tpu.dma_semaphore, #tpu.memory_space<semaphore_mem>>)
        %dma_wait3A_154 = arith.constant 0 : i32
        %dma_wait3A_155 = tpu.memref_slice %arg3[%mul3A_148, %dma_wait3A_154] : memref<2560x128xi32, #tpu.memory_space<hbm>> -> memref<96x128xi32, #tpu.memory_space<hbm>>
        %dma_wait3A_156 = arith.constant 0 : i32
        %dma_wait3A_157 = tpu.memref_slice %arg3[%mul3A_148, %dma_wait3A_156] : memref<2560x128xi32, #tpu.memory_space<hbm>> -> memref<96x128xi32, #tpu.memory_space<hbm>>
        tpu.wait_dma2 semaphore(%run_scoped3A : memref<!tpu.dma_semaphore, #tpu.memory_space<semaphore_mem>>) src(%dma_wait3A_157 : memref<96x128xi32, #tpu.memory_space<hbm>>) dst(%arg8 : memref<96x128xi32, #tpu.memory_space<vmem>>)
        tpu.yield
      }) : () -> ()
      %mul3A_149 = arith.constant 96 : i32
      %mul3A_150 = arith.muli %arg1, %mul3A_149 : i32
      "tpu.region"() ({
        %run_scoped3A = tpu.sem_alloc : memref<!tpu.dma_semaphore, #tpu.memory_space<semaphore_mem>>
        %dma_start3A = arith.constant 0 : i32
        %dma_start3A_151 = tpu.memref_slice %arg4[%mul3A_150, %dma_start3A] : memref<2560x128xi32, #tpu.memory_space<hbm>> -> memref<96x128xi32, #tpu.memory_space<hbm>>
        %dma_start3A_152 = arith.constant 0 : i32
        %dma_start3A_153 = tpu.memref_slice %arg4[%mul3A_150, %dma_start3A_152] : memref<2560x128xi32, #tpu.memory_space<hbm>> -> memref<96x128xi32, #tpu.memory_space<hbm>>
        tpu.enqueue_dma source(%dma_start3A_153 : memref<96x128xi32, #tpu.memory_space<hbm>>) target(%arg9 : memref<96x128xi32, #tpu.memory_space<vmem>>) target_semaphore(%run_scoped3A : memref<!tpu.dma_semaphore, #tpu.memory_space<semaphore_mem>>)
        %dma_wait3A_154 = arith.constant 0 : i32
        %dma_wait3A_155 = tpu.memref_slice %arg4[%mul3A_150, %dma_wait3A_154] : memref<2560x128xi32, #tpu.memory_space<hbm>> -> memref<96x128xi32, #tpu.memory_space<hbm>>
        %dma_wait3A_156 = arith.constant 0 : i32
        %dma_wait3A_157 = tpu.memref_slice %arg4[%mul3A_150, %dma_wait3A_156] : memref<2560x128xi32, #tpu.memory_space<hbm>> -> memref<96x128xi32, #tpu.memory_space<hbm>>
        tpu.wait_dma2 semaphore(%run_scoped3A : memref<!tpu.dma_semaphore, #tpu.memory_space<semaphore_mem>>) src(%dma_wait3A_157 : memref<96x128xi32, #tpu.memory_space<hbm>>) dst(%arg9 : memref<96x128xi32, #tpu.memory_space<vmem>>)
        tpu.yield
      }) : () -> ()
    } else {
    }
    %eq3A_16 = arith.constant 1 : i32
    %eq3A_17 = arith.cmpi eq, %arg0, %eq3A_16 : i32
    %convert_element_type3A_18 = arith.extui %eq3A_17 : i1 to i32
    %cond3A_19 = arith.constant 0 : i32
    %cond3A_20 = arith.cmpi ne, %convert_element_type3A_18, %cond3A_19 : i32
    scf.if %cond3A_20 {
      %mul3A_147 = arith.constant 64 : i32
      %mul3A_148 = arith.muli %arg1, %mul3A_147 : i32
      %add3A_149 = arith.constant 1536 : i32
      %add3A_150 = arith.addi %add3A_149, %mul3A_148 : i32
      "tpu.region"() ({
        %run_scoped3A = tpu.sem_alloc : memref<!tpu.dma_semaphore, #tpu.memory_space<semaphore_mem>>
        %dma_start3A = arith.constant 0 : i32
        %dma_start3A_151 = arith.constant 0 : i32
        %dma_start3A_152 = tpu.memref_slice %arg8[%dma_start3A, %dma_start3A_151] : memref<96x128xi32, #tpu.memory_space<vmem>> -> memref<64x128xi32, #tpu.memory_space<vmem>>
        %dma_start3A_153 = arith.constant 0 : i32
        %dma_start3A_154 = tpu.memref_slice %arg3[%add3A_150, %dma_start3A_153] : memref<2560x128xi32, #tpu.memory_space<hbm>> -> memref<64x128xi32, #tpu.memory_space<hbm>>
        %dma_start3A_155 = arith.constant 0 : i32
        %dma_start3A_156 = arith.constant 0 : i32
        %dma_start3A_157 = tpu.memref_slice %arg8[%dma_start3A_155, %dma_start3A_156] : memref<96x128xi32, #tpu.memory_space<vmem>> -> memref<64x128xi32, #tpu.memory_space<vmem>>
        %dma_start3A_158 = arith.constant 0 : i32
        %dma_start3A_159 = tpu.memref_slice %arg3[%add3A_150, %dma_start3A_158] : memref<2560x128xi32, #tpu.memory_space<hbm>> -> memref<64x128xi32, #tpu.memory_space<hbm>>
        tpu.enqueue_dma source(%dma_start3A_159 : memref<64x128xi32, #tpu.memory_space<hbm>>) target(%dma_start3A_157 : memref<64x128xi32, #tpu.memory_space<vmem>>) target_semaphore(%run_scoped3A : memref<!tpu.dma_semaphore, #tpu.memory_space<semaphore_mem>>)
        %dma_wait3A_160 = arith.constant 0 : i32
        %dma_wait3A_161 = arith.constant 0 : i32
        %dma_wait3A_162 = tpu.memref_slice %arg8[%dma_wait3A_160, %dma_wait3A_161] : memref<96x128xi32, #tpu.memory_space<vmem>> -> memref<64x128xi32, #tpu.memory_space<vmem>>
        %dma_wait3A_163 = arith.constant 0 : i32
        %dma_wait3A_164 = tpu.memref_slice %arg3[%add3A_150, %dma_wait3A_163] : memref<2560x128xi32, #tpu.memory_space<hbm>> -> memref<64x128xi32, #tpu.memory_space<hbm>>
        %dma_wait3A_165 = arith.constant 0 : i32
        %dma_wait3A_166 = arith.constant 0 : i32
        %dma_wait3A_167 = tpu.memref_slice %arg8[%dma_wait3A_165, %dma_wait3A_166] : memref<96x128xi32, #tpu.memory_space<vmem>> -> memref<64x128xi32, #tpu.memory_space<vmem>>
        %dma_wait3A_168 = arith.constant 0 : i32
        %dma_wait3A_169 = tpu.memref_slice %arg3[%add3A_150, %dma_wait3A_168] : memref<2560x128xi32, #tpu.memory_space<hbm>> -> memref<64x128xi32, #tpu.memory_space<hbm>>
        tpu.wait_dma2 semaphore(%run_scoped3A : memref<!tpu.dma_semaphore, #tpu.memory_space<semaphore_mem>>) src(%dma_wait3A_169 : memref<64x128xi32, #tpu.memory_space<hbm>>) dst(%dma_wait3A_167 : memref<64x128xi32, #tpu.memory_space<vmem>>)
        tpu.yield
      }) : () -> ()
      "tpu.region"() ({
        %run_scoped3A = tpu.sem_alloc : memref<!tpu.dma_semaphore, #tpu.memory_space<semaphore_mem>>
        %dma_start3A = arith.constant 0 : i32
        %dma_start3A_151 = arith.constant 0 : i32
        %dma_start3A_152 = tpu.memref_slice %arg9[%dma_start3A, %dma_start3A_151] : memref<96x128xi32, #tpu.memory_space<vmem>> -> memref<64x128xi32, #tpu.memory_space<vmem>>
        %dma_start3A_153 = arith.constant 0 : i32
        %dma_start3A_154 = tpu.memref_slice %arg4[%add3A_150, %dma_start3A_153] : memref<2560x128xi32, #tpu.memory_space<hbm>> -> memref<64x128xi32, #tpu.memory_space<hbm>>
        %dma_start3A_155 = arith.constant 0 : i32
        %dma_start3A_156 = arith.constant 0 : i32
        %dma_start3A_157 = tpu.memref_slice %arg9[%dma_start3A_155, %dma_start3A_156] : memref<96x128xi32, #tpu.memory_space<vmem>> -> memref<64x128xi32, #tpu.memory_space<vmem>>
        %dma_start3A_158 = arith.constant 0 : i32
        %dma_start3A_159 = tpu.memref_slice %arg4[%add3A_150, %dma_start3A_158] : memref<2560x128xi32, #tpu.memory_space<hbm>> -> memref<64x128xi32, #tpu.memory_space<hbm>>
        tpu.enqueue_dma source(%dma_start3A_159 : memref<64x128xi32, #tpu.memory_space<hbm>>) target(%dma_start3A_157 : memref<64x128xi32, #tpu.memory_space<vmem>>) target_semaphore(%run_scoped3A : memref<!tpu.dma_semaphore, #tpu.memory_space<semaphore_mem>>)
        %dma_wait3A_160 = arith.constant 0 : i32
        %dma_wait3A_161 = arith.constant 0 : i32
        %dma_wait3A_162 = tpu.memref_slice %arg9[%dma_wait3A_160, %dma_wait3A_161] : memref<96x128xi32, #tpu.memory_space<vmem>> -> memref<64x128xi32, #tpu.memory_space<vmem>>
        %dma_wait3A_163 = arith.constant 0 : i32
        %dma_wait3A_164 = tpu.memref_slice %arg4[%add3A_150, %dma_wait3A_163] : memref<2560x128xi32, #tpu.memory_space<hbm>> -> memref<64x128xi32, #tpu.memory_space<hbm>>
        %dma_wait3A_165 = arith.constant 0 : i32
        %dma_wait3A_166 = arith.constant 0 : i32
        %dma_wait3A_167 = tpu.memref_slice %arg9[%dma_wait3A_165, %dma_wait3A_166] : memref<96x128xi32, #tpu.memory_space<vmem>> -> memref<64x128xi32, #tpu.memory_space<vmem>>
        %dma_wait3A_168 = arith.constant 0 : i32
        %dma_wait3A_169 = tpu.memref_slice %arg4[%add3A_150, %dma_wait3A_168] : memref<2560x128xi32, #tpu.memory_space<hbm>> -> memref<64x128xi32, #tpu.memory_space<hbm>>
        tpu.wait_dma2 semaphore(%run_scoped3A : memref<!tpu.dma_semaphore, #tpu.memory_space<semaphore_mem>>) src(%dma_wait3A_169 : memref<64x128xi32, #tpu.memory_space<hbm>>) dst(%dma_wait3A_167 : memref<64x128xi32, #tpu.memory_space<vmem>>)
        tpu.yield
      }) : () -> ()
    } else {
    }
    %barrier3A = arith.constant 0 : index
    tpu.barrier barrier_id(%barrier3A)
    %while3A = arith.constant 0 : i32
    %while3A_21 = arith.constant 0 : i32
    %while3A_22 = arith.subi %select_n3A, %while3A : i32
    %while3A_23 = arith.addi %while3A, %while3A_22 : i32
    %while3A_24 = arith.constant 1 : i32
    %while3A_25 = arith.divsi %while3A_22, %while3A_24 : i32
    %while3A_26 = arith.muli %while3A_25, %while3A_24 : i32
    %while3A_27 = arith.addi %while3A, %while3A_26 : i32
    %while3A_28 = arith.constant 1 : i32
    %while3A_29 = scf.for %while3A_147 = %while3A to %while3A_27 step %while3A_28 iter_args(%while3A_148 = %while3A_21) -> (i32)  : i32 {
      %rem3A = arith.constant 8 : i32
      %rem3A_149 = arith.remsi %while3A_147, %rem3A : i32
      %ge3A = arith.constant 8 : i32
      %ge3A_150 = arith.cmpi sge, %while3A_147, %ge3A : i32
      %convert_element_type3A_151 = arith.extui %ge3A_150 : i1 to i32
      %cond3A_152 = arith.constant 0 : i32
      %cond3A_153 = arith.cmpi ne, %convert_element_type3A_151, %cond3A_152 : i32
      scf.if %cond3A_153 {
        %dma_wait3A_169 = arith.constant 0 : i32
        %dma_wait3A_170 = arith.constant 0 : i32
        %dma_wait3A_171 = arith.constant 0 : i32
        %dma_wait3A_172 = arith.constant 0 : i32
        %dma_wait3A_173 = tpu.memref_slice %arg10[%dma_wait3A_169, %dma_wait3A_171, %dma_wait3A_172] : memref<8x128x16xf32, #tpu.memory_space<vmem>> -> memref<1x128x16xf32, #tpu.memory_space<vmem>>
        %dma_wait3A_174 = tpu.memref_squeeze %dma_wait3A_173 : memref<1x128x16xf32, #tpu.memory_space<vmem>> -> memref<128x16xf32, #tpu.memory_space<vmem>>
        %dma_wait3A_175 = arith.constant 0 : i32
        %dma_wait3A_176 = tpu.memref_slice %arg9[%dma_wait3A_170, %dma_wait3A_175] : memref<96x128xi32, #tpu.memory_space<vmem>> -> memref<1x128xi32, #tpu.memory_space<vmem>>
        %dma_wait3A_177 = tpu.memref_squeeze %dma_wait3A_176 : memref<1x128xi32, #tpu.memory_space<vmem>> -> memref<128xi32, #tpu.memory_space<vmem>>
        %dma_wait3A_178 = arith.constant 0 : i32
        %dma_wait3A_179 = arith.constant 0 : i32
        %dma_wait3A_180 = tpu.memref_slice %arg6[%dma_wait3A_178, %dma_wait3A_179] : memref<10240x16xf32, #tpu.memory_space<vmem_shared>> -> memref<10240x16xf32, #tpu.memory_space<vmem_shared>>
        tpu.wait_indirect_dma semaphore(%arg13 : memref<!tpu.dma_semaphore, #tpu.memory_space<semaphore_mem>>) src(%dma_wait3A_174 : memref<128x16xf32, #tpu.memory_space<vmem>>) dst(%dma_wait3A_180 : memref<10240x16xf32, #tpu.memory_space<vmem_shared>>)
      } else {
      }
      %dma_start3A = arith.constant 0 : i32
      %dma_start3A_154 = arith.constant 0 : i32
      %dma_start3A_155 = tpu.memref_slice %arg10[%rem3A_149, %dma_start3A, %dma_start3A_154] : memref<8x128x16xf32, #tpu.memory_space<vmem>> -> memref<1x128x16xf32, #tpu.memory_space<vmem>>
      %dma_start3A_156 = tpu.memref_squeeze %dma_start3A_155 : memref<1x128x16xf32, #tpu.memory_space<vmem>> -> memref<128x16xf32, #tpu.memory_space<vmem>>
      %dma_start3A_157 = arith.constant 0 : i32
      %dma_start3A_158 = tpu.memref_slice %arg8[%while3A_147, %dma_start3A_157] : memref<96x128xi32, #tpu.memory_space<vmem>> -> memref<1x128xi32, #tpu.memory_space<vmem>>
      %dma_start3A_159 = tpu.memref_squeeze %dma_start3A_158 : memref<1x128xi32, #tpu.memory_space<vmem>> -> memref<128xi32, #tpu.memory_space<vmem>>
      %dma_start3A_160 = arith.constant 0 : i32
      %dma_start3A_161 = arith.constant 0 : i32
      %dma_start3A_162 = tpu.memref_slice %arg7[%dma_start3A_160, %dma_start3A_161] : memref<10240x16xf32, #tpu.memory_space<vmem_shared>> -> memref<10240x16xf32, #tpu.memory_space<vmem_shared>>
      tpu.enqueue_indirect_dma source(%dma_start3A_162 : memref<10240x16xf32, #tpu.memory_space<vmem_shared>>) target(%dma_start3A_156 : memref<128x16xf32, #tpu.memory_space<vmem>>) offsets(%dma_start3A_159 : memref<128xi32, #tpu.memory_space<vmem>>) semaphore(%arg12 : memref<!tpu.dma_semaphore, #tpu.memory_space<semaphore_mem>>)
      %ge3A_163 = arith.constant 4 : i32
      %ge3A_164 = arith.cmpi sge, %while3A_147, %ge3A_163 : i32
      %convert_element_type3A_165 = arith.extui %ge3A_164 : i1 to i32
      %cond3A_166 = arith.constant 0 : i32
      %cond3A_167 = arith.cmpi ne, %convert_element_type3A_165, %cond3A_166 : i32
      scf.if %cond3A_167 {
        %dma_wait3A_169 = arith.constant 0 : i32
        %dma_wait3A_170 = arith.constant 0 : i32
        %dma_wait3A_171 = arith.constant 0 : i32
        %dma_wait3A_172 = arith.constant 0 : i32
        %dma_wait3A_173 = tpu.memref_slice %arg10[%dma_wait3A_170, %dma_wait3A_171, %dma_wait3A_172] : memref<8x128x16xf32, #tpu.memory_space<vmem>> -> memref<1x128x16xf32, #tpu.memory_space<vmem>>
        %dma_wait3A_174 = tpu.memref_squeeze %dma_wait3A_173 : memref<1x128x16xf32, #tpu.memory_space<vmem>> -> memref<128x16xf32, #tpu.memory_space<vmem>>
        %dma_wait3A_175 = arith.constant 0 : i32
        %dma_wait3A_176 = tpu.memref_slice %arg8[%dma_wait3A_169, %dma_wait3A_175] : memref<96x128xi32, #tpu.memory_space<vmem>> -> memref<1x128xi32, #tpu.memory_space<vmem>>
        %dma_wait3A_177 = tpu.memref_squeeze %dma_wait3A_176 : memref<1x128xi32, #tpu.memory_space<vmem>> -> memref<128xi32, #tpu.memory_space<vmem>>
        %dma_wait3A_178 = arith.constant 0 : i32
        %dma_wait3A_179 = arith.constant 0 : i32
        %dma_wait3A_180 = tpu.memref_slice %arg7[%dma_wait3A_178, %dma_wait3A_179] : memref<10240x16xf32, #tpu.memory_space<vmem_shared>> -> memref<10240x16xf32, #tpu.memory_space<vmem_shared>>
        tpu.wait_indirect_dma semaphore(%arg12 : memref<!tpu.dma_semaphore, #tpu.memory_space<semaphore_mem>>) src(%dma_wait3A_180 : memref<10240x16xf32, #tpu.memory_space<vmem_shared>>) dst(%dma_wait3A_174 : memref<128x16xf32, #tpu.memory_space<vmem>>)
        %sub3A = arith.constant 4 : i32
        %sub3A_181 = arith.subi %while3A_147, %sub3A : i32
        %rem3A_182 = arith.constant 8 : i32
        %rem3A_183 = arith.remsi %sub3A_181, %rem3A_182 : i32
        %dma_start3A_184 = arith.constant 0 : i32
        %dma_start3A_185 = arith.constant 0 : i32
        %dma_start3A_186 = tpu.memref_slice %arg10[%rem3A_183, %dma_start3A_184, %dma_start3A_185] : memref<8x128x16xf32, #tpu.memory_space<vmem>> -> memref<1x128x16xf32, #tpu.memory_space<vmem>>
        %dma_start3A_187 = tpu.memref_squeeze %dma_start3A_186 : memref<1x128x16xf32, #tpu.memory_space<vmem>> -> memref<128x16xf32, #tpu.memory_space<vmem>>
        %dma_start3A_188 = arith.constant 0 : i32
        %dma_start3A_189 = tpu.memref_slice %arg9[%sub3A_181, %dma_start3A_188] : memref<96x128xi32, #tpu.memory_space<vmem>> -> memref<1x128xi32, #tpu.memory_space<vmem>>
        %dma_start3A_190 = tpu.memref_squeeze %dma_start3A_189 : memref<1x128xi32, #tpu.memory_space<vmem>> -> memref<128xi32, #tpu.memory_space<vmem>>
        %dma_start3A_191 = arith.constant 0 : i32
        %dma_start3A_192 = arith.constant 0 : i32
        %dma_start3A_193 = tpu.memref_slice %arg6[%dma_start3A_191, %dma_start3A_192] : memref<10240x16xf32, #tpu.memory_space<vmem_shared>> -> memref<10240x16xf32, #tpu.memory_space<vmem_shared>>
        tpu.enqueue_indirect_dma source(%dma_start3A_187 : memref<128x16xf32, #tpu.memory_space<vmem>>) target(%dma_start3A_193 : memref<10240x16xf32, #tpu.memory_space<vmem_shared>>) offsets(%dma_start3A_190 : memref<128xi32, #tpu.memory_space<vmem>>) semaphore(%arg13 : memref<!tpu.dma_semaphore, #tpu.memory_space<semaphore_mem>>) {add = true}
      } else {
      }
      %while3A_168 = arith.constant 0 : i32
      scf.yield %while3A_168 : i32
    }
    %while3A_30 = arith.constant 1 : i32
    %while3A_31 = scf.for %while3A_147 = %while3A_27 to %while3A_23 step %while3A_30 iter_args(%while3A_148 = %while3A_29) -> (i32)  : i32 {
      %rem3A = arith.constant 8 : i32
      %rem3A_149 = arith.remsi %while3A_147, %rem3A : i32
      %ge3A = arith.constant 8 : i32
      %ge3A_150 = arith.cmpi sge, %while3A_147, %ge3A : i32
      %convert_element_type3A_151 = arith.extui %ge3A_150 : i1 to i32
      %cond3A_152 = arith.constant 0 : i32
      %cond3A_153 = arith.cmpi ne, %convert_element_type3A_151, %cond3A_152 : i32
      scf.if %cond3A_153 {
        %dma_wait3A_169 = arith.constant 0 : i32
        %dma_wait3A_170 = arith.constant 0 : i32
        %dma_wait3A_171 = arith.constant 0 : i32
        %dma_wait3A_172 = arith.constant 0 : i32
        %dma_wait3A_173 = tpu.memref_slice %arg10[%dma_wait3A_169, %dma_wait3A_171, %dma_wait3A_172] : memref<8x128x16xf32, #tpu.memory_space<vmem>> -> memref<1x128x16xf32, #tpu.memory_space<vmem>>
        %dma_wait3A_174 = tpu.memref_squeeze %dma_wait3A_173 : memref<1x128x16xf32, #tpu.memory_space<vmem>> -> memref<128x16xf32, #tpu.memory_space<vmem>>
        %dma_wait3A_175 = arith.constant 0 : i32
        %dma_wait3A_176 = tpu.memref_slice %arg9[%dma_wait3A_170, %dma_wait3A_175] : memref<96x128xi32, #tpu.memory_space<vmem>> -> memref<1x128xi32, #tpu.memory_space<vmem>>
        %dma_wait3A_177 = tpu.memref_squeeze %dma_wait3A_176 : memref<1x128xi32, #tpu.memory_space<vmem>> -> memref<128xi32, #tpu.memory_space<vmem>>
        %dma_wait3A_178 = arith.constant 0 : i32
        %dma_wait3A_179 = arith.constant 0 : i32
        %dma_wait3A_180 = tpu.memref_slice %arg6[%dma_wait3A_178, %dma_wait3A_179] : memref<10240x16xf32, #tpu.memory_space<vmem_shared>> -> memref<10240x16xf32, #tpu.memory_space<vmem_shared>>
        tpu.wait_indirect_dma semaphore(%arg13 : memref<!tpu.dma_semaphore, #tpu.memory_space<semaphore_mem>>) src(%dma_wait3A_174 : memref<128x16xf32, #tpu.memory_space<vmem>>) dst(%dma_wait3A_180 : memref<10240x16xf32, #tpu.memory_space<vmem_shared>>)
      } else {
      }
      %dma_start3A = arith.constant 0 : i32
      %dma_start3A_154 = arith.constant 0 : i32
      %dma_start3A_155 = tpu.memref_slice %arg10[%rem3A_149, %dma_start3A, %dma_start3A_154] : memref<8x128x16xf32, #tpu.memory_space<vmem>> -> memref<1x128x16xf32, #tpu.memory_space<vmem>>
      %dma_start3A_156 = tpu.memref_squeeze %dma_start3A_155 : memref<1x128x16xf32, #tpu.memory_space<vmem>> -> memref<128x16xf32, #tpu.memory_space<vmem>>
      %dma_start3A_157 = arith.constant 0 : i32
      %dma_start3A_158 = tpu.memref_slice %arg8[%while3A_147, %dma_start3A_157] : memref<96x128xi32, #tpu.memory_space<vmem>> -> memref<1x128xi32, #tpu.memory_space<vmem>>
      %dma_start3A_159 = tpu.memref_squeeze %dma_start3A_158 : memref<1x128xi32, #tpu.memory_space<vmem>> -> memref<128xi32, #tpu.memory_space<vmem>>
      %dma_start3A_160 = arith.constant 0 : i32
      %dma_start3A_161 = arith.constant 0 : i32
      %dma_start3A_162 = tpu.memref_slice %arg7[%dma_start3A_160, %dma_start3A_161] : memref<10240x16xf32, #tpu.memory_space<vmem_shared>> -> memref<10240x16xf32, #tpu.memory_space<vmem_shared>>
      tpu.enqueue_indirect_dma source(%dma_start3A_162 : memref<10240x16xf32, #tpu.memory_space<vmem_shared>>) target(%dma_start3A_156 : memref<128x16xf32, #tpu.memory_space<vmem>>) offsets(%dma_start3A_159 : memref<128xi32, #tpu.memory_space<vmem>>) semaphore(%arg12 : memref<!tpu.dma_semaphore, #tpu.memory_space<semaphore_mem>>)
      %ge3A_163 = arith.constant 4 : i32
      %ge3A_164 = arith.cmpi sge, %while3A_147, %ge3A_163 : i32
      %convert_element_type3A_165 = arith.extui %ge3A_164 : i1 to i32
      %cond3A_166 = arith.constant 0 : i32
      %cond3A_167 = arith.cmpi ne, %convert_element_type3A_165, %cond3A_166 : i32
      scf.if %cond3A_167 {
        %dma_wait3A_169 = arith.constant 0 : i32
        %dma_wait3A_170 = arith.constant 0 : i32
        %dma_wait3A_171 = arith.constant 0 : i32
        %dma_wait3A_172 = arith.constant 0 : i32
        %dma_wait3A_173 = tpu.memref_slice %arg10[%dma_wait3A_170, %dma_wait3A_171, %dma_wait3A_172] : memref<8x128x16xf32, #tpu.memory_space<vmem>> -> memref<1x128x16xf32, #tpu.memory_space<vmem>>
        %dma_wait3A_174 = tpu.memref_squeeze %dma_wait3A_173 : memref<1x128x16xf32, #tpu.memory_space<vmem>> -> memref<128x16xf32, #tpu.memory_space<vmem>>
        %dma_wait3A_175 = arith.constant 0 : i32
        %dma_wait3A_176 = tpu.memref_slice %arg8[%dma_wait3A_169, %dma_wait3A_175] : memref<96x128xi32, #tpu.memory_space<vmem>> -> memref<1x128xi32, #tpu.memory_space<vmem>>
        %dma_wait3A_177 = tpu.memref_squeeze %dma_wait3A_176 : memref<1x128xi32, #tpu.memory_space<vmem>> -> memref<128xi32, #tpu.memory_space<vmem>>
        %dma_wait3A_178 = arith.constant 0 : i32
        %dma_wait3A_179 = arith.constant 0 : i32
        %dma_wait3A_180 = tpu.memref_slice %arg7[%dma_wait3A_178, %dma_wait3A_179] : memref<10240x16xf32, #tpu.memory_space<vmem_shared>> -> memref<10240x16xf32, #tpu.memory_space<vmem_shared>>
        tpu.wait_indirect_dma semaphore(%arg12 : memref<!tpu.dma_semaphore, #tpu.memory_space<semaphore_mem>>) src(%dma_wait3A_180 : memref<10240x16xf32, #tpu.memory_space<vmem_shared>>) dst(%dma_wait3A_174 : memref<128x16xf32, #tpu.memory_space<vmem>>)
        %sub3A = arith.constant 4 : i32
        %sub3A_181 = arith.subi %while3A_147, %sub3A : i32
        %rem3A_182 = arith.constant 8 : i32
        %rem3A_183 = arith.remsi %sub3A_181, %rem3A_182 : i32
        %dma_start3A_184 = arith.constant 0 : i32
        %dma_start3A_185 = arith.constant 0 : i32
        %dma_start3A_186 = tpu.memref_slice %arg10[%rem3A_183, %dma_start3A_184, %dma_start3A_185] : memref<8x128x16xf32, #tpu.memory_space<vmem>> -> memref<1x128x16xf32, #tpu.memory_space<vmem>>
        %dma_start3A_187 = tpu.memref_squeeze %dma_start3A_186 : memref<1x128x16xf32, #tpu.memory_space<vmem>> -> memref<128x16xf32, #tpu.memory_space<vmem>>
        %dma_start3A_188 = arith.constant 0 : i32
        %dma_start3A_189 = tpu.memref_slice %arg9[%sub3A_181, %dma_start3A_188] : memref<96x128xi32, #tpu.memory_space<vmem>> -> memref<1x128xi32, #tpu.memory_space<vmem>>
        %dma_start3A_190 = tpu.memref_squeeze %dma_start3A_189 : memref<1x128xi32, #tpu.memory_space<vmem>> -> memref<128xi32, #tpu.memory_space<vmem>>
        %dma_start3A_191 = arith.constant 0 : i32
        %dma_start3A_192 = arith.constant 0 : i32
        %dma_start3A_193 = tpu.memref_slice %arg6[%dma_start3A_191, %dma_start3A_192] : memref<10240x16xf32, #tpu.memory_space<vmem_shared>> -> memref<10240x16xf32, #tpu.memory_space<vmem_shared>>
        tpu.enqueue_indirect_dma source(%dma_start3A_187 : memref<128x16xf32, #tpu.memory_space<vmem>>) target(%dma_start3A_193 : memref<10240x16xf32, #tpu.memory_space<vmem_shared>>) offsets(%dma_start3A_190 : memref<128xi32, #tpu.memory_space<vmem>>) semaphore(%arg13 : memref<!tpu.dma_semaphore, #tpu.memory_space<semaphore_mem>>) {add = true}
      } else {
      }
      %while3A_168 = arith.constant 0 : i32
      scf.yield %while3A_168 : i32
    }
    %add3A = arith.constant 4 : i32
    %add3A_32 = arith.addi %select_n3A, %add3A : i32
    %while3A_33 = arith.constant 0 : i32
    %while3A_34 = arith.subi %add3A_32, %select_n3A : i32
    %while3A_35 = arith.addi %select_n3A, %while3A_34 : i32
    %while3A_36 = arith.constant 1 : i32
    %while3A_37 = arith.divsi %while3A_34, %while3A_36 : i32
    %while3A_38 = arith.muli %while3A_37, %while3A_36 : i32
    %while3A_39 = arith.addi %select_n3A, %while3A_38 : i32
    %while3A_40 = arith.constant 1 : i32
    %while3A_41 = scf.for %while3A_147 = %select_n3A to %while3A_39 step %while3A_40 iter_args(%while3A_148 = %while3A_33) -> (i32)  : i32 {
      %dma_wait3A_149 = arith.constant 0 : i32
      %dma_wait3A_150 = arith.constant 0 : i32
      %dma_wait3A_151 = arith.constant 0 : i32
      %dma_wait3A_152 = arith.constant 0 : i32
      %dma_wait3A_153 = tpu.memref_slice %arg10[%dma_wait3A_150, %dma_wait3A_151, %dma_wait3A_152] : memref<8x128x16xf32, #tpu.memory_space<vmem>> -> memref<1x128x16xf32, #tpu.memory_space<vmem>>
      %dma_wait3A_154 = tpu.memref_squeeze %dma_wait3A_153 : memref<1x128x16xf32, #tpu.memory_space<vmem>> -> memref<128x16xf32, #tpu.memory_space<vmem>>
      %dma_wait3A_155 = arith.constant 0 : i32
      %dma_wait3A_156 = tpu.memref_slice %arg8[%dma_wait3A_149, %dma_wait3A_155] : memref<96x128xi32, #tpu.memory_space<vmem>> -> memref<1x128xi32, #tpu.memory_space<vmem>>
      %dma_wait3A_157 = tpu.memref_squeeze %dma_wait3A_156 : memref<1x128xi32, #tpu.memory_space<vmem>> -> memref<128xi32, #tpu.memory_space<vmem>>
      %dma_wait3A_158 = arith.constant 0 : i32
      %dma_wait3A_159 = arith.constant 0 : i32
      %dma_wait3A_160 = tpu.memref_slice %arg7[%dma_wait3A_158, %dma_wait3A_159] : memref<10240x16xf32, #tpu.memory_space<vmem_shared>> -> memref<10240x16xf32, #tpu.memory_space<vmem_shared>>
      tpu.wait_indirect_dma semaphore(%arg12 : memref<!tpu.dma_semaphore, #tpu.memory_space<semaphore_mem>>) src(%dma_wait3A_160 : memref<10240x16xf32, #tpu.memory_space<vmem_shared>>) dst(%dma_wait3A_154 : memref<128x16xf32, #tpu.memory_space<vmem>>)
      %sub3A = arith.constant 4 : i32
      %sub3A_161 = arith.subi %while3A_147, %sub3A : i32
      %rem3A = arith.constant 8 : i32
      %rem3A_162 = arith.remsi %sub3A_161, %rem3A : i32
      %dma_start3A = arith.constant 0 : i32
      %dma_start3A_163 = arith.constant 0 : i32
      %dma_start3A_164 = tpu.memref_slice %arg10[%rem3A_162, %dma_start3A, %dma_start3A_163] : memref<8x128x16xf32, #tpu.memory_space<vmem>> -> memref<1x128x16xf32, #tpu.memory_space<vmem>>
      %dma_start3A_165 = tpu.memref_squeeze %dma_start3A_164 : memref<1x128x16xf32, #tpu.memory_space<vmem>> -> memref<128x16xf32, #tpu.memory_space<vmem>>
      %dma_start3A_166 = arith.constant 0 : i32
      %dma_start3A_167 = tpu.memref_slice %arg9[%sub3A_161, %dma_start3A_166] : memref<96x128xi32, #tpu.memory_space<vmem>> -> memref<1x128xi32, #tpu.memory_space<vmem>>
      %dma_start3A_168 = tpu.memref_squeeze %dma_start3A_167 : memref<1x128xi32, #tpu.memory_space<vmem>> -> memref<128xi32, #tpu.memory_space<vmem>>
      %dma_start3A_169 = arith.constant 0 : i32
      %dma_start3A_170 = arith.constant 0 : i32
      %dma_start3A_171 = tpu.memref_slice %arg6[%dma_start3A_169, %dma_start3A_170] : memref<10240x16xf32, #tpu.memory_space<vmem_shared>> -> memref<10240x16xf32, #tpu.memory_space<vmem_shared>>
      tpu.enqueue_indirect_dma source(%dma_start3A_165 : memref<128x16xf32, #tpu.memory_space<vmem>>) target(%dma_start3A_171 : memref<10240x16xf32, #tpu.memory_space<vmem_shared>>) offsets(%dma_start3A_168 : memref<128xi32, #tpu.memory_space<vmem>>) semaphore(%arg13 : memref<!tpu.dma_semaphore, #tpu.memory_space<semaphore_mem>>) {add = true}
      %while3A_172 = arith.constant 0 : i32
      scf.yield %while3A_172 : i32
    }
    %while3A_42 = arith.constant 1 : i32
    %while3A_43 = scf.for %while3A_147 = %while3A_39 to %while3A_35 step %while3A_42 iter_args(%while3A_148 = %while3A_41) -> (i32)  : i32 {
      %dma_wait3A_149 = arith.constant 0 : i32
      %dma_wait3A_150 = arith.constant 0 : i32
      %dma_wait3A_151 = arith.constant 0 : i32
      %dma_wait3A_152 = arith.constant 0 : i32
      %dma_wait3A_153 = tpu.memref_slice %arg10[%dma_wait3A_150, %dma_wait3A_151, %dma_wait3A_152] : memref<8x128x16xf32, #tpu.memory_space<vmem>> -> memref<1x128x16xf32, #tpu.memory_space<vmem>>
      %dma_wait3A_154 = tpu.memref_squeeze %dma_wait3A_153 : memref<1x128x16xf32, #tpu.memory_space<vmem>> -> memref<128x16xf32, #tpu.memory_space<vmem>>
      %dma_wait3A_155 = arith.constant 0 : i32
      %dma_wait3A_156 = tpu.memref_slice %arg8[%dma_wait3A_149, %dma_wait3A_155] : memref<96x128xi32, #tpu.memory_space<vmem>> -> memref<1x128xi32, #tpu.memory_space<vmem>>
      %dma_wait3A_157 = tpu.memref_squeeze %dma_wait3A_156 : memref<1x128xi32, #tpu.memory_space<vmem>> -> memref<128xi32, #tpu.memory_space<vmem>>
      %dma_wait3A_158 = arith.constant 0 : i32
      %dma_wait3A_159 = arith.constant 0 : i32
      %dma_wait3A_160 = tpu.memref_slice %arg7[%dma_wait3A_158, %dma_wait3A_159] : memref<10240x16xf32, #tpu.memory_space<vmem_shared>> -> memref<10240x16xf32, #tpu.memory_space<vmem_shared>>
      tpu.wait_indirect_dma semaphore(%arg12 : memref<!tpu.dma_semaphore, #tpu.memory_space<semaphore_mem>>) src(%dma_wait3A_160 : memref<10240x16xf32, #tpu.memory_space<vmem_shared>>) dst(%dma_wait3A_154 : memref<128x16xf32, #tpu.memory_space<vmem>>)
      %sub3A = arith.constant 4 : i32
      %sub3A_161 = arith.subi %while3A_147, %sub3A : i32
      %rem3A = arith.constant 8 : i32
      %rem3A_162 = arith.remsi %sub3A_161, %rem3A : i32
      %dma_start3A = arith.constant 0 : i32
      %dma_start3A_163 = arith.constant 0 : i32
      %dma_start3A_164 = tpu.memref_slice %arg10[%rem3A_162, %dma_start3A, %dma_start3A_163] : memref<8x128x16xf32, #tpu.memory_space<vmem>> -> memref<1x128x16xf32, #tpu.memory_space<vmem>>
      %dma_start3A_165 = tpu.memref_squeeze %dma_start3A_164 : memref<1x128x16xf32, #tpu.memory_space<vmem>> -> memref<128x16xf32, #tpu.memory_space<vmem>>
      %dma_start3A_166 = arith.constant 0 : i32
      %dma_start3A_167 = tpu.memref_slice %arg9[%sub3A_161, %dma_start3A_166] : memref<96x128xi32, #tpu.memory_space<vmem>> -> memref<1x128xi32, #tpu.memory_space<vmem>>
      %dma_start3A_168 = tpu.memref_squeeze %dma_start3A_167 : memref<1x128xi32, #tpu.memory_space<vmem>> -> memref<128xi32, #tpu.memory_space<vmem>>
      %dma_start3A_169 = arith.constant 0 : i32
      %dma_start3A_170 = arith.constant 0 : i32
      %dma_start3A_171 = tpu.memref_slice %arg6[%dma_start3A_169, %dma_start3A_170] : memref<10240x16xf32, #tpu.memory_space<vmem_shared>> -> memref<10240x16xf32, #tpu.memory_space<vmem_shared>>
      tpu.enqueue_indirect_dma source(%dma_start3A_165 : memref<128x16xf32, #tpu.memory_space<vmem>>) target(%dma_start3A_171 : memref<10240x16xf32, #tpu.memory_space<vmem_shared>>) offsets(%dma_start3A_168 : memref<128xi32, #tpu.memory_space<vmem>>) semaphore(%arg13 : memref<!tpu.dma_semaphore, #tpu.memory_space<semaphore_mem>>) {add = true}
      %while3A_172 = arith.constant 0 : i32
      scf.yield %while3A_172 : i32
    }
    %dma_wait3A = arith.constant 0 : i32
    %dma_wait3A_44 = arith.constant 0 : i32
    %dma_wait3A_45 = arith.constant 0 : i32
    %dma_wait3A_46 = arith.constant 0 : i32
    %dma_wait3A_47 = tpu.memref_slice %arg10[%dma_wait3A, %dma_wait3A_45, %dma_wait3A_46] : memref<8x128x16xf32, #tpu.memory_space<vmem>> -> memref<1x128x16xf32, #tpu.memory_space<vmem>>
    %dma_wait3A_48 = tpu.memref_squeeze %dma_wait3A_47 : memref<1x128x16xf32, #tpu.memory_space<vmem>> -> memref<128x16xf32, #tpu.memory_space<vmem>>
    %dma_wait3A_49 = arith.constant 0 : i32
    %dma_wait3A_50 = tpu.memref_slice %arg9[%dma_wait3A_44, %dma_wait3A_49] : memref<96x128xi32, #tpu.memory_space<vmem>> -> memref<1x128xi32, #tpu.memory_space<vmem>>
    %dma_wait3A_51 = tpu.memref_squeeze %dma_wait3A_50 : memref<1x128xi32, #tpu.memory_space<vmem>> -> memref<128xi32, #tpu.memory_space<vmem>>
    %dma_wait3A_52 = arith.constant 0 : i32
    %dma_wait3A_53 = arith.constant 0 : i32
    %dma_wait3A_54 = tpu.memref_slice %arg6[%dma_wait3A_52, %dma_wait3A_53] : memref<10240x16xf32, #tpu.memory_space<vmem_shared>> -> memref<10240x16xf32, #tpu.memory_space<vmem_shared>>
    tpu.wait_indirect_dma semaphore(%arg13 : memref<!tpu.dma_semaphore, #tpu.memory_space<semaphore_mem>>) src(%dma_wait3A_48 : memref<128x16xf32, #tpu.memory_space<vmem>>) dst(%dma_wait3A_54 : memref<10240x16xf32, #tpu.memory_space<vmem_shared>>)
    %dma_wait3A_55 = arith.constant 0 : i32
    %dma_wait3A_56 = arith.constant 0 : i32
    %dma_wait3A_57 = arith.constant 0 : i32
    %dma_wait3A_58 = arith.constant 0 : i32
    %dma_wait3A_59 = tpu.memref_slice %arg10[%dma_wait3A_55, %dma_wait3A_57, %dma_wait3A_58] : memref<8x128x16xf32, #tpu.memory_space<vmem>> -> memref<1x128x16xf32, #tpu.memory_space<vmem>>
    %dma_wait3A_60 = tpu.memref_squeeze %dma_wait3A_59 : memref<1x128x16xf32, #tpu.memory_space<vmem>> -> memref<128x16xf32, #tpu.memory_space<vmem>>
    %dma_wait3A_61 = arith.constant 0 : i32
    %dma_wait3A_62 = tpu.memref_slice %arg9[%dma_wait3A_56, %dma_wait3A_61] : memref<96x128xi32, #tpu.memory_space<vmem>> -> memref<1x128xi32, #tpu.memory_space<vmem>>
    %dma_wait3A_63 = tpu.memref_squeeze %dma_wait3A_62 : memref<1x128xi32, #tpu.memory_space<vmem>> -> memref<128xi32, #tpu.memory_space<vmem>>
    %dma_wait3A_64 = arith.constant 0 : i32
    %dma_wait3A_65 = arith.constant 0 : i32
    %dma_wait3A_66 = tpu.memref_slice %arg6[%dma_wait3A_64, %dma_wait3A_65] : memref<10240x16xf32, #tpu.memory_space<vmem_shared>> -> memref<10240x16xf32, #tpu.memory_space<vmem_shared>>
    tpu.wait_indirect_dma semaphore(%arg13 : memref<!tpu.dma_semaphore, #tpu.memory_space<semaphore_mem>>) src(%dma_wait3A_60 : memref<128x16xf32, #tpu.memory_space<vmem>>) dst(%dma_wait3A_66 : memref<10240x16xf32, #tpu.memory_space<vmem_shared>>)
    %dma_wait3A_67 = arith.constant 0 : i32
    %dma_wait3A_68 = arith.constant 0 : i32
    %dma_wait3A_69 = arith.constant 0 : i32
    %dma_wait3A_70 = arith.constant 0 : i32
    %dma_wait3A_71 = tpu.memref_slice %arg10[%dma_wait3A_67, %dma_wait3A_69, %dma_wait3A_70] : memref<8x128x16xf32, #tpu.memory_space<vmem>> -> memref<1x128x16xf32, #tpu.memory_space<vmem>>
    %dma_wait3A_72 = tpu.memref_squeeze %dma_wait3A_71 : memref<1x128x16xf32, #tpu.memory_space<vmem>> -> memref<128x16xf32, #tpu.memory_space<vmem>>
    %dma_wait3A_73 = arith.constant 0 : i32
    %dma_wait3A_74 = tpu.memref_slice %arg9[%dma_wait3A_68, %dma_wait3A_73] : memref<96x128xi32, #tpu.memory_space<vmem>> -> memref<1x128xi32, #tpu.memory_space<vmem>>
    %dma_wait3A_75 = tpu.memref_squeeze %dma_wait3A_74 : memref<1x128xi32, #tpu.memory_space<vmem>> -> memref<128xi32, #tpu.memory_space<vmem>>
    %dma_wait3A_76 = arith.constant 0 : i32
    %dma_wait3A_77 = arith.constant 0 : i32
    %dma_wait3A_78 = tpu.memref_slice %arg6[%dma_wait3A_76, %dma_wait3A_77] : memref<10240x16xf32, #tpu.memory_space<vmem_shared>> -> memref<10240x16xf32, #tpu.memory_space<vmem_shared>>
    tpu.wait_indirect_dma semaphore(%arg13 : memref<!tpu.dma_semaphore, #tpu.memory_space<semaphore_mem>>) src(%dma_wait3A_72 : memref<128x16xf32, #tpu.memory_space<vmem>>) dst(%dma_wait3A_78 : memref<10240x16xf32, #tpu.memory_space<vmem_shared>>)
    %dma_wait3A_79 = arith.constant 0 : i32
    %dma_wait3A_80 = arith.constant 0 : i32
    %dma_wait3A_81 = arith.constant 0 : i32
    %dma_wait3A_82 = arith.constant 0 : i32
    %dma_wait3A_83 = tpu.memref_slice %arg10[%dma_wait3A_79, %dma_wait3A_81, %dma_wait3A_82] : memref<8x128x16xf32, #tpu.memory_space<vmem>> -> memref<1x128x16xf32, #tpu.memory_space<vmem>>
    %dma_wait3A_84 = tpu.memref_squeeze %dma_wait3A_83 : memref<1x128x16xf32, #tpu.memory_space<vmem>> -> memref<128x16xf32, #tpu.memory_space<vmem>>
    %dma_wait3A_85 = arith.constant 0 : i32
    %dma_wait3A_86 = tpu.memref_slice %arg9[%dma_wait3A_80, %dma_wait3A_85] : memref<96x128xi32, #tpu.memory_space<vmem>> -> memref<1x128xi32, #tpu.memory_space<vmem>>
    %dma_wait3A_87 = tpu.memref_squeeze %dma_wait3A_86 : memref<1x128xi32, #tpu.memory_space<vmem>> -> memref<128xi32, #tpu.memory_space<vmem>>
    %dma_wait3A_88 = arith.constant 0 : i32
    %dma_wait3A_89 = arith.constant 0 : i32
    %dma_wait3A_90 = tpu.memref_slice %arg6[%dma_wait3A_88, %dma_wait3A_89] : memref<10240x16xf32, #tpu.memory_space<vmem_shared>> -> memref<10240x16xf32, #tpu.memory_space<vmem_shared>>
    tpu.wait_indirect_dma semaphore(%arg13 : memref<!tpu.dma_semaphore, #tpu.memory_space<semaphore_mem>>) src(%dma_wait3A_84 : memref<128x16xf32, #tpu.memory_space<vmem>>) dst(%dma_wait3A_90 : memref<10240x16xf32, #tpu.memory_space<vmem_shared>>)
    %dma_wait3A_91 = arith.constant 0 : i32
    %dma_wait3A_92 = arith.constant 0 : i32
    %dma_wait3A_93 = arith.constant 0 : i32
    %dma_wait3A_94 = arith.constant 0 : i32
    %dma_wait3A_95 = tpu.memref_slice %arg10[%dma_wait3A_91, %dma_wait3A_93, %dma_wait3A_94] : memref<8x128x16xf32, #tpu.memory_space<vmem>> -> memref<1x128x16xf32, #tpu.memory_space<vmem>>
    %dma_wait3A_96 = tpu.memref_squeeze %dma_wait3A_95 : memref<1x128x16xf32, #tpu.memory_space<vmem>> -> memref<128x16xf32, #tpu.memory_space<vmem>>
    %dma_wait3A_97 = arith.constant 0 : i32
    %dma_wait3A_98 = tpu.memref_slice %arg9[%dma_wait3A_92, %dma_wait3A_97] : memref<96x128xi32, #tpu.memory_space<vmem>> -> memref<1x128xi32, #tpu.memory_space<vmem>>
    %dma_wait3A_99 = tpu.memref_squeeze %dma_wait3A_98 : memref<1x128xi32, #tpu.memory_space<vmem>> -> memref<128xi32, #tpu.memory_space<vmem>>
    %dma_wait3A_100 = arith.constant 0 : i32
    %dma_wait3A_101 = arith.constant 0 : i32
    %dma_wait3A_102 = tpu.memref_slice %arg6[%dma_wait3A_100, %dma_wait3A_101] : memref<10240x16xf32, #tpu.memory_space<vmem_shared>> -> memref<10240x16xf32, #tpu.memory_space<vmem_shared>>
    tpu.wait_indirect_dma semaphore(%arg13 : memref<!tpu.dma_semaphore, #tpu.memory_space<semaphore_mem>>) src(%dma_wait3A_96 : memref<128x16xf32, #tpu.memory_space<vmem>>) dst(%dma_wait3A_102 : memref<10240x16xf32, #tpu.memory_space<vmem_shared>>)
    %dma_wait3A_103 = arith.constant 0 : i32
    %dma_wait3A_104 = arith.constant 0 : i32
    %dma_wait3A_105 = arith.constant 0 : i32
    %dma_wait3A_106 = arith.constant 0 : i32
    %dma_wait3A_107 = tpu.memref_slice %arg10[%dma_wait3A_103, %dma_wait3A_105, %dma_wait3A_106] : memref<8x128x16xf32, #tpu.memory_space<vmem>> -> memref<1x128x16xf32, #tpu.memory_space<vmem>>
    %dma_wait3A_108 = tpu.memref_squeeze %dma_wait3A_107 : memref<1x128x16xf32, #tpu.memory_space<vmem>> -> memref<128x16xf32, #tpu.memory_space<vmem>>
    %dma_wait3A_109 = arith.constant 0 : i32
    %dma_wait3A_110 = tpu.memref_slice %arg9[%dma_wait3A_104, %dma_wait3A_109] : memref<96x128xi32, #tpu.memory_space<vmem>> -> memref<1x128xi32, #tpu.memory_space<vmem>>
    %dma_wait3A_111 = tpu.memref_squeeze %dma_wait3A_110 : memref<1x128xi32, #tpu.memory_space<vmem>> -> memref<128xi32, #tpu.memory_space<vmem>>
    %dma_wait3A_112 = arith.constant 0 : i32
    %dma_wait3A_113 = arith.constant 0 : i32
    %dma_wait3A_114 = tpu.memref_slice %arg6[%dma_wait3A_112, %dma_wait3A_113] : memref<10240x16xf32, #tpu.memory_space<vmem_shared>> -> memref<10240x16xf32, #tpu.memory_space<vmem_shared>>
    tpu.wait_indirect_dma semaphore(%arg13 : memref<!tpu.dma_semaphore, #tpu.memory_space<semaphore_mem>>) src(%dma_wait3A_108 : memref<128x16xf32, #tpu.memory_space<vmem>>) dst(%dma_wait3A_114 : memref<10240x16xf32, #tpu.memory_space<vmem_shared>>)
    %dma_wait3A_115 = arith.constant 0 : i32
    %dma_wait3A_116 = arith.constant 0 : i32
    %dma_wait3A_117 = arith.constant 0 : i32
    %dma_wait3A_118 = arith.constant 0 : i32
    %dma_wait3A_119 = tpu.memref_slice %arg10[%dma_wait3A_115, %dma_wait3A_117, %dma_wait3A_118] : memref<8x128x16xf32, #tpu.memory_space<vmem>> -> memref<1x128x16xf32, #tpu.memory_space<vmem>>
    %dma_wait3A_120 = tpu.memref_squeeze %dma_wait3A_119 : memref<1x128x16xf32, #tpu.memory_space<vmem>> -> memref<128x16xf32, #tpu.memory_space<vmem>>
    %dma_wait3A_121 = arith.constant 0 : i32
    %dma_wait3A_122 = tpu.memref_slice %arg9[%dma_wait3A_116, %dma_wait3A_121] : memref<96x128xi32, #tpu.memory_space<vmem>> -> memref<1x128xi32, #tpu.memory_space<vmem>>
    %dma_wait3A_123 = tpu.memref_squeeze %dma_wait3A_122 : memref<1x128xi32, #tpu.memory_space<vmem>> -> memref<128xi32, #tpu.memory_space<vmem>>
    %dma_wait3A_124 = arith.constant 0 : i32
    %dma_wait3A_125 = arith.constant 0 : i32
    %dma_wait3A_126 = tpu.memref_slice %arg6[%dma_wait3A_124, %dma_wait3A_125] : memref<10240x16xf32, #tpu.memory_space<vmem_shared>> -> memref<10240x16xf32, #tpu.memory_space<vmem_shared>>
    tpu.wait_indirect_dma semaphore(%arg13 : memref<!tpu.dma_semaphore, #tpu.memory_space<semaphore_mem>>) src(%dma_wait3A_120 : memref<128x16xf32, #tpu.memory_space<vmem>>) dst(%dma_wait3A_126 : memref<10240x16xf32, #tpu.memory_space<vmem_shared>>)
    %dma_wait3A_127 = arith.constant 0 : i32
    %dma_wait3A_128 = arith.constant 0 : i32
    %dma_wait3A_129 = arith.constant 0 : i32
    %dma_wait3A_130 = arith.constant 0 : i32
    %dma_wait3A_131 = tpu.memref_slice %arg10[%dma_wait3A_127, %dma_wait3A_129, %dma_wait3A_130] : memref<8x128x16xf32, #tpu.memory_space<vmem>> -> memref<1x128x16xf32, #tpu.memory_space<vmem>>
    %dma_wait3A_132 = tpu.memref_squeeze %dma_wait3A_131 : memref<1x128x16xf32, #tpu.memory_space<vmem>> -> memref<128x16xf32, #tpu.memory_space<vmem>>
    %dma_wait3A_133 = arith.constant 0 : i32
    %dma_wait3A_134 = tpu.memref_slice %arg9[%dma_wait3A_128, %dma_wait3A_133] : memref<96x128xi32, #tpu.memory_space<vmem>> -> memref<1x128xi32, #tpu.memory_space<vmem>>
    %dma_wait3A_135 = tpu.memref_squeeze %dma_wait3A_134 : memref<1x128xi32, #tpu.memory_space<vmem>> -> memref<128xi32, #tpu.memory_space<vmem>>
    %dma_wait3A_136 = arith.constant 0 : i32
    %dma_wait3A_137 = arith.constant 0 : i32
    %dma_wait3A_138 = tpu.memref_slice %arg6[%dma_wait3A_136, %dma_wait3A_137] : memref<10240x16xf32, #tpu.memory_space<vmem_shared>> -> memref<10240x16xf32, #tpu.memory_space<vmem_shared>>
    tpu.wait_indirect_dma semaphore(%arg13 : memref<!tpu.dma_semaphore, #tpu.memory_space<semaphore_mem>>) src(%dma_wait3A_132 : memref<128x16xf32, #tpu.memory_space<vmem>>) dst(%dma_wait3A_138 : memref<10240x16xf32, #tpu.memory_space<vmem_shared>>)
    %barrier3A_139 = arith.constant 0 : index
    tpu.barrier barrier_id(%barrier3A_139)
    %mul3A_140 = arith.constant 640 : i32
    %mul3A_141 = arith.muli %arg1, %mul3A_140 : i32
    "tpu.region"() ({
      %run_scoped3A = tpu.sem_alloc : memref<!tpu.dma_semaphore, #tpu.memory_space<semaphore_mem>>
      %dma_start3A = arith.constant 0 : i32
      %dma_start3A_147 = tpu.memref_slice %arg6[%mul3A_141, %dma_start3A] : memref<10240x16xf32, #tpu.memory_space<vmem_shared>> -> memref<640x16xf32, #tpu.memory_space<vmem_shared>>
      %dma_start3A_148 = arith.constant 0 : i32
      %dma_start3A_149 = tpu.memref_slice %arg6[%mul3A_141, %dma_start3A_148] : memref<10240x16xf32, #tpu.memory_space<vmem_shared>> -> memref<640x16xf32, #tpu.memory_space<vmem_shared>>
      tpu.enqueue_dma source(%dma_start3A_149 : memref<640x16xf32, #tpu.memory_space<vmem_shared>>) target(%arg11 : memref<640x16xf32, #tpu.memory_space<vmem>>) target_semaphore(%run_scoped3A : memref<!tpu.dma_semaphore, #tpu.memory_space<semaphore_mem>>)
      %dma_wait3A_150 = arith.constant 0 : i32
      %dma_wait3A_151 = tpu.memref_slice %arg6[%mul3A_141, %dma_wait3A_150] : memref<10240x16xf32, #tpu.memory_space<vmem_shared>> -> memref<640x16xf32, #tpu.memory_space<vmem_shared>>
      %dma_wait3A_152 = arith.constant 0 : i32
      %dma_wait3A_153 = tpu.memref_slice %arg6[%mul3A_141, %dma_wait3A_152] : memref<10240x16xf32, #tpu.memory_space<vmem_shared>> -> memref<640x16xf32, #tpu.memory_space<vmem_shared>>
      tpu.wait_dma2 semaphore(%run_scoped3A : memref<!tpu.dma_semaphore, #tpu.memory_space<semaphore_mem>>) src(%dma_wait3A_153 : memref<640x16xf32, #tpu.memory_space<vmem_shared>>) dst(%arg11 : memref<640x16xf32, #tpu.memory_space<vmem>>)
      tpu.yield
    }) : () -> ()
    %mul3A_142 = arith.constant 10240 : i32
    %mul3A_143 = arith.muli %arg0, %mul3A_142 : i32
    %mul3A_144 = arith.constant 640 : i32
    %mul3A_145 = arith.muli %arg1, %mul3A_144 : i32
    %add3A_146 = arith.addi %mul3A_143, %mul3A_145 : i32
    "tpu.region"() ({
      %run_scoped3A = tpu.sem_alloc : memref<!tpu.dma_semaphore, #tpu.memory_space<semaphore_mem>>
      %dma_start3A = arith.constant 0 : i32
      %dma_start3A_147 = tpu.memref_slice %arg5[%add3A_146, %dma_start3A] : memref<20480x16xf32, #tpu.memory_space<hbm>> -> memref<640x16xf32, #tpu.memory_space<hbm>>
      %dma_start3A_148 = arith.constant 0 : i32
      %dma_start3A_149 = tpu.memref_slice %arg5[%add3A_146, %dma_start3A_148] : memref<20480x16xf32, #tpu.memory_space<hbm>> -> memref<640x16xf32, #tpu.memory_space<hbm>>
      tpu.enqueue_dma source(%arg11 : memref<640x16xf32, #tpu.memory_space<vmem>>) target(%dma_start3A_149 : memref<640x16xf32, #tpu.memory_space<hbm>>) target_semaphore(%run_scoped3A : memref<!tpu.dma_semaphore, #tpu.memory_space<semaphore_mem>>)
      %dma_wait3A_150 = arith.constant 0 : i32
      %dma_wait3A_151 = tpu.memref_slice %arg5[%add3A_146, %dma_wait3A_150] : memref<20480x16xf32, #tpu.memory_space<hbm>> -> memref<640x16xf32, #tpu.memory_space<hbm>>
      %dma_wait3A_152 = arith.constant 0 : i32
      %dma_wait3A_153 = tpu.memref_slice %arg5[%add3A_146, %dma_wait3A_152] : memref<20480x16xf32, #tpu.memory_space<hbm>> -> memref<640x16xf32, #tpu.memory_space<hbm>>
      tpu.wait_dma2 semaphore(%run_scoped3A : memref<!tpu.dma_semaphore, #tpu.memory_space<semaphore_mem>>) src(%arg11 : memref<640x16xf32, #tpu.memory_space<vmem>>) dst(%dma_wait3A_153 : memref<640x16xf32, #tpu.memory_space<hbm>>)
      tpu.yield
    }) : () -> ()
    return
  }
}

#map = affine_map<(d0, d1) -> (0, 0)>
module attributes {stable_mosaic.version = 14 : i64} {
  func.func @_prop_kernel(%arg0: i32, %arg1: i32, %arg2: memref<10240x16xf32, #tpu.memory_space<hbm>>, %arg3: memref<2560x128xi32, #tpu.memory_space<hbm>>, %arg4: memref<2560x128xi32, #tpu.memory_space<hbm>>, %arg5: memref<20480x16xf32, #tpu.memory_space<hbm>>, %arg6: memref<10240x16xf32, #tpu.memory_space<vmem_shared>>, %arg7: memref<10240x16xf32, #tpu.memory_space<vmem_shared>>, %arg8: memref<96x128xi32, #tpu.memory_space<vmem>>, %arg9: memref<96x128xi32, #tpu.memory_space<vmem>>, %arg10: memref<8x128x16xf32, #tpu.memory_space<vmem>>, %arg11: memref<640x16xf32, #tpu.memory_space<vmem>>, %arg12: memref<!tpu.dma_semaphore, #tpu.memory_space<semaphore_mem>>, %arg13: memref<!tpu.dma_semaphore, #tpu.memory_space<semaphore_mem>>) attributes {dimension_semantics = [#tpu.dimension_semantics<core_parallel>, #tpu.dimension_semantics<subcore_parallel>], iteration_bounds = array<i64: 2, 16>, scalar_prefetch = 0 : i64, scratch_operands = 8 : i64, tpu.core_type = #tpu.core_type<sc_vector_subcore>, window_params = [{transform_indices = #map}, {transform_indices = #map}, {transform_indices = #map}, {transform_indices = #map}]} {
    %eq3A = arith.constant 0 : i32
    %eq3A_0 = arith.cmpi eq, %arg0, %eq3A : i32
    %jit3A = arith.constant 96 : i32
    %jit3A_1 = arith.constant 64 : i32
    %select_n3A = arith.select %eq3A_0, %jit3A, %jit3A_1 : i32
    %mul3A = arith.constant 640 : i32
    %mul3A_2 = arith.muli %arg1, %mul3A : i32
    %mul3A_3 = arith.constant 640 : i32
    %mul3A_4 = arith.muli %arg1, %mul3A_3 : i32
    "tpu.region"() ({
      %run_scoped3A = tpu.sem_alloc : memref<!tpu.dma_semaphore, #tpu.memory_space<semaphore_mem>>
      %dma_start3A = arith.constant 0 : i32
      %dma_start3A_147 = tpu.memref_slice %arg7[%mul3A_4, %dma_start3A] : memref<10240x16xf32, #tpu.memory_space<vmem_shared>> -> memref<640x16xf32, #tpu.memory_space<vmem_shared>>
      %dma_start3A_148 = arith.constant 0 : i32
      %dma_start3A_149 = tpu.memref_slice %arg2[%mul3A_2, %dma_start3A_148] : memref<10240x16xf32, #tpu.memory_space<hbm>> -> memref<640x16xf32, #tpu.memory_space<hbm>>
      tpu.enqueue_dma source(%dma_start3A_149 : memref<640x16xf32, #tpu.memory_space<hbm>>) target(%dma_start3A_147 : memref<640x16xf32, #tpu.memory_space<vmem_shared>>) target_semaphore(%run_scoped3A : memref<!tpu.dma_semaphore, #tpu.memory_space<semaphore_mem>>)
      %dma_wait3A_150 = arith.constant 0 : i32
      %dma_wait3A_151 = tpu.memref_slice %arg7[%mul3A_4, %dma_wait3A_150] : memref<10240x16xf32, #tpu.memory_space<vmem_shared>> -> memref<640x16xf32, #tpu.memory_space<vmem_shared>>
      %dma_wait3A_152 = arith.constant 0 : i32
      %dma_wait3A_153 = tpu.memref_slice %arg2[%mul3A_2, %dma_wait3A_152] : memref<10240x16xf32, #tpu.memory_space<hbm>> -> memref<640x16xf32, #tpu.memory_space<hbm>>
      tpu.wait_dma2 semaphore(%run_scoped3A : memref<!tpu.dma_semaphore, #tpu.memory_space<semaphore_mem>>) src(%dma_wait3A_153 : memref<640x16xf32, #tpu.memory_space<hbm>>) dst(%dma_wait3A_151 : memref<640x16xf32, #tpu.memory_space<vmem_shared>>)
      tpu.yield
    }) : () -> ()
    %scan3A = arith.constant 0 : i32
    %scan3A_5 = arith.constant 0 : i32
    %scan3A_6 = arith.constant 640 : i32
    %scan3A_7 = arith.addi %scan3A_5, %scan3A_6 : i32
    %scan3A_8 = arith.constant 1 : i32
    %scan3A_9 = scf.for %scan3A_147 = %scan3A_5 to %scan3A_7 step %scan3A_8 iter_args(%scan3A_148 = %scan3A) -> (i32)  : i32 {
      %broadcast_in_dim3A = arith.constant 0.000000e+00 : f32
      %broadcast_in_dim3A_149 = vector.broadcast %broadcast_in_dim3A : f32 to vector<16xf32>
      %swap3A = arith.index_cast %scan3A_147 : i32 to index
      %swap3A_150 = arith.constant 0 : index
      %swap3A_151 = tpu.vector_load %arg11[%swap3A, %swap3A_150] {strides = array<i32>} : memref<640x16xf32, #tpu.memory_space<vmem>>, vector<1x16xf32>,
      %swap3A_152 = vector.shape_cast %swap3A_151 : vector<1x16xf32> to vector<16xf32>
      %swap3A_153 = vector.shape_cast %broadcast_in_dim3A_149 : vector<16xf32> to vector<1x16xf32>
      tpu.vector_store %arg11[%swap3A, %swap3A_150], %swap3A_153 {strides = array<i32>} : memref<640x16xf32, #tpu.memory_space<vmem>>, vector<1x16xf32>,
      %scan3A_154 = arith.constant 0 : i32
      scf.yield %scan3A_154 : i32
    }
    %scan3A_10 = arith.constant 640 : i32
    %mul3A_11 = arith.constant 640 : i32
    %mul3A_12 = arith.muli %arg1, %mul3A_11 : i32
    "tpu.region"() ({
      %run_scoped3A = tpu.sem_alloc : memref<!tpu.dma_semaphore, #tpu.memory_space<semaphore_mem>>
      %dma_start3A = arith.constant 0 : i32
      %dma_start3A_147 = tpu.memref_slice %arg6[%mul3A_12, %dma_start3A] : memref<10240x16xf32, #tpu.memory_space<vmem_shared>> -> memref<640x16xf32, #tpu.memory_space<vmem_shared>>
      %dma_start3A_148 = arith.constant 0 : i32
      %dma_start3A_149 = tpu.memref_slice %arg6[%mul3A_12, %dma_start3A_148] : memref<10240x16xf32, #tpu.memory_space<vmem_shared>> -> memref<640x16xf32, #tpu.memory_space<vmem_shared>>
      tpu.enqueue_dma source(%arg11 : memref<640x16xf32, #tpu.memory_space<vmem>>) target(%dma_start3A_149 : memref<640x16xf32, #tpu.memory_space<vmem_shared>>) target_semaphore(%run_scoped3A : memref<!tpu.dma_semaphore, #tpu.memory_space<semaphore_mem>>)
      %dma_wait3A_150 = arith.constant 0 : i32
      %dma_wait3A_151 = tpu.memref_slice %arg6[%mul3A_12, %dma_wait3A_150] : memref<10240x16xf32, #tpu.memory_space<vmem_shared>> -> memref<640x16xf32, #tpu.memory_space<vmem_shared>>
      %dma_wait3A_152 = arith.constant 0 : i32
      %dma_wait3A_153 = tpu.memref_slice %arg6[%mul3A_12, %dma_wait3A_152] : memref<10240x16xf32, #tpu.memory_space<vmem_shared>> -> memref<640x16xf32, #tpu.memory_space<vmem_shared>>
      tpu.wait_dma2 semaphore(%run_scoped3A : memref<!tpu.dma_semaphore, #tpu.memory_space<semaphore_mem>>) src(%arg11 : memref<640x16xf32, #tpu.memory_space<vmem>>) dst(%dma_wait3A_153 : memref<640x16xf32, #tpu.memory_space<vmem_shared>>)
      tpu.yield
    }) : () -> ()
    %eq3A_13 = arith.constant 0 : i32
    %eq3A_14 = arith.cmpi eq, %arg0, %eq3A_13 : i32
    %convert_element_type3A = arith.extui %eq3A_14 : i1 to i32
    %cond3A = arith.constant 0 : i32
    %cond3A_15 = arith.cmpi ne, %convert_element_type3A, %cond3A : i32
    scf.if %cond3A_15 {
      %mul3A_147 = arith.constant 96 : i32
      %mul3A_148 = arith.muli %arg1, %mul3A_147 : i32
      "tpu.region"() ({
        %run_scoped3A = tpu.sem_alloc : memref<!tpu.dma_semaphore, #tpu.memory_space<semaphore_mem>>
        %dma_start3A = arith.constant 0 : i32
        %dma_start3A_151 = tpu.memref_slice %arg3[%mul3A_148, %dma_start3A] : memref<2560x128xi32, #tpu.memory_space<hbm>> -> memref<96x128xi32, #tpu.memory_space<hbm>>
        %dma_start3A_152 = arith.constant 0 : i32
        %dma_start3A_153 = tpu.memref_slice %arg3[%mul3A_148, %dma_start3A_152] : memref<2560x128xi32, #tpu.memory_space<hbm>> -> memref<96x128xi32, #tpu.memory_space<hbm>>
        tpu.enqueue_dma source(%dma_start3A_153 : memref<96x128xi32, #tpu.memory_space<hbm>>) target(%arg8 : memref<96x128xi32, #tpu.memory_space<vmem>>) target_semaphore(%run_scoped3A : memref<!tpu.dma_semaphore, #tpu.memory_space<semaphore_mem>>)
        %dma_wait3A_154 = arith.constant 0 : i32
        %dma_wait3A_155 = tpu.memref_slice %arg3[%mul3A_148, %dma_wait3A_154] : memref<2560x128xi32, #tpu.memory_space<hbm>> -> memref<96x128xi32, #tpu.memory_space<hbm>>
        %dma_wait3A_156 = arith.constant 0 : i32
        %dma_wait3A_157 = tpu.memref_slice %arg3[%mul3A_148, %dma_wait3A_156] : memref<2560x128xi32, #tpu.memory_space<hbm>> -> memref<96x128xi32, #tpu.memory_space<hbm>>
        tpu.wait_dma2 semaphore(%run_scoped3A : memref<!tpu.dma_semaphore, #tpu.memory_space<semaphore_mem>>) src(%dma_wait3A_157 : memref<96x128xi32, #tpu.memory_space<hbm>>) dst(%arg8 : memref<96x128xi32, #tpu.memory_space<vmem>>)
        tpu.yield
      }) : () -> ()
      %mul3A_149 = arith.constant 96 : i32
      %mul3A_150 = arith.muli %arg1, %mul3A_149 : i32
      "tpu.region"() ({
        %run_scoped3A = tpu.sem_alloc : memref<!tpu.dma_semaphore, #tpu.memory_space<semaphore_mem>>
        %dma_start3A = arith.constant 0 : i32
        %dma_start3A_151 = tpu.memref_slice %arg4[%mul3A_150, %dma_start3A] : memref<2560x128xi32, #tpu.memory_space<hbm>> -> memref<96x128xi32, #tpu.memory_space<hbm>>
        %dma_start3A_152 = arith.constant 0 : i32
        %dma_start3A_153 = tpu.memref_slice %arg4[%mul3A_150, %dma_start3A_152] : memref<2560x128xi32, #tpu.memory_space<hbm>> -> memref<96x128xi32, #tpu.memory_space<hbm>>
        tpu.enqueue_dma source(%dma_start3A_153 : memref<96x128xi32, #tpu.memory_space<hbm>>) target(%arg9 : memref<96x128xi32, #tpu.memory_space<vmem>>) target_semaphore(%run_scoped3A : memref<!tpu.dma_semaphore, #tpu.memory_space<semaphore_mem>>)
        %dma_wait3A_154 = arith.constant 0 : i32
        %dma_wait3A_155 = tpu.memref_slice %arg4[%mul3A_150, %dma_wait3A_154] : memref<2560x128xi32, #tpu.memory_space<hbm>> -> memref<96x128xi32, #tpu.memory_space<hbm>>
        %dma_wait3A_156 = arith.constant 0 : i32
        %dma_wait3A_157 = tpu.memref_slice %arg4[%mul3A_150, %dma_wait3A_156] : memref<2560x128xi32, #tpu.memory_space<hbm>> -> memref<96x128xi32, #tpu.memory_space<hbm>>
        tpu.wait_dma2 semaphore(%run_scoped3A : memref<!tpu.dma_semaphore, #tpu.memory_space<semaphore_mem>>) src(%dma_wait3A_157 : memref<96x128xi32, #tpu.memory_space<hbm>>) dst(%arg9 : memref<96x128xi32, #tpu.memory_space<vmem>>)
        tpu.yield
      }) : () -> ()
    } else {
    }
    %eq3A_16 = arith.constant 1 : i32
    %eq3A_17 = arith.cmpi eq, %arg0, %eq3A_16 : i32
    %convert_element_type3A_18 = arith.extui %eq3A_17 : i1 to i32
    %cond3A_19 = arith.constant 0 : i32
    %cond3A_20 = arith.cmpi ne, %convert_element_type3A_18, %cond3A_19 : i32
    scf.if %cond3A_20 {
      %mul3A_147 = arith.constant 64 : i32
      %mul3A_148 = arith.muli %arg1, %mul3A_147 : i32
      %add3A_149 = arith.constant 1536 : i32
      %add3A_150 = arith.addi %add3A_149, %mul3A_148 : i32
      "tpu.region"() ({
        %run_scoped3A = tpu.sem_alloc : memref<!tpu.dma_semaphore, #tpu.memory_space<semaphore_mem>>
        %dma_start3A = arith.constant 0 : i32
        %dma_start3A_151 = arith.constant 0 : i32
        %dma_start3A_152 = tpu.memref_slice %arg8[%dma_start3A, %dma_start3A_151] : memref<96x128xi32, #tpu.memory_space<vmem>> -> memref<64x128xi32, #tpu.memory_space<vmem>>
        %dma_start3A_153 = arith.constant 0 : i32
        %dma_start3A_154 = tpu.memref_slice %arg3[%add3A_150, %dma_start3A_153] : memref<2560x128xi32, #tpu.memory_space<hbm>> -> memref<64x128xi32, #tpu.memory_space<hbm>>
        %dma_start3A_155 = arith.constant 0 : i32
        %dma_start3A_156 = arith.constant 0 : i32
        %dma_start3A_157 = tpu.memref_slice %arg8[%dma_start3A_155, %dma_start3A_156] : memref<96x128xi32, #tpu.memory_space<vmem>> -> memref<64x128xi32, #tpu.memory_space<vmem>>
        %dma_start3A_158 = arith.constant 0 : i32
        %dma_start3A_159 = tpu.memref_slice %arg3[%add3A_150, %dma_start3A_158] : memref<2560x128xi32, #tpu.memory_space<hbm>> -> memref<64x128xi32, #tpu.memory_space<hbm>>
        tpu.enqueue_dma source(%dma_start3A_159 : memref<64x128xi32, #tpu.memory_space<hbm>>) target(%dma_start3A_157 : memref<64x128xi32, #tpu.memory_space<vmem>>) target_semaphore(%run_scoped3A : memref<!tpu.dma_semaphore, #tpu.memory_space<semaphore_mem>>)
        %dma_wait3A_160 = arith.constant 0 : i32
        %dma_wait3A_161 = arith.constant 0 : i32
        %dma_wait3A_162 = tpu.memref_slice %arg8[%dma_wait3A_160, %dma_wait3A_161] : memref<96x128xi32, #tpu.memory_space<vmem>> -> memref<64x128xi32, #tpu.memory_space<vmem>>
        %dma_wait3A_163 = arith.constant 0 : i32
        %dma_wait3A_164 = tpu.memref_slice %arg3[%add3A_150, %dma_wait3A_163] : memref<2560x128xi32, #tpu.memory_space<hbm>> -> memref<64x128xi32, #tpu.memory_space<hbm>>
        %dma_wait3A_165 = arith.constant 0 : i32
        %dma_wait3A_166 = arith.constant 0 : i32
        %dma_wait3A_167 = tpu.memref_slice %arg8[%dma_wait3A_165, %dma_wait3A_166] : memref<96x128xi32, #tpu.memory_space<vmem>> -> memref<64x128xi32, #tpu.memory_space<vmem>>
        %dma_wait3A_168 = arith.constant 0 : i32
        %dma_wait3A_169 = tpu.memref_slice %arg3[%add3A_150, %dma_wait3A_168] : memref<2560x128xi32, #tpu.memory_space<hbm>> -> memref<64x128xi32, #tpu.memory_space<hbm>>
        tpu.wait_dma2 semaphore(%run_scoped3A : memref<!tpu.dma_semaphore, #tpu.memory_space<semaphore_mem>>) src(%dma_wait3A_169 : memref<64x128xi32, #tpu.memory_space<hbm>>) dst(%dma_wait3A_167 : memref<64x128xi32, #tpu.memory_space<vmem>>)
        tpu.yield
      }) : () -> ()
      "tpu.region"() ({
        %run_scoped3A = tpu.sem_alloc : memref<!tpu.dma_semaphore, #tpu.memory_space<semaphore_mem>>
        %dma_start3A = arith.constant 0 : i32
        %dma_start3A_151 = arith.constant 0 : i32
        %dma_start3A_152 = tpu.memref_slice %arg9[%dma_start3A, %dma_start3A_151] : memref<96x128xi32, #tpu.memory_space<vmem>> -> memref<64x128xi32, #tpu.memory_space<vmem>>
        %dma_start3A_153 = arith.constant 0 : i32
        %dma_start3A_154 = tpu.memref_slice %arg4[%add3A_150, %dma_start3A_153] : memref<2560x128xi32, #tpu.memory_space<hbm>> -> memref<64x128xi32, #tpu.memory_space<hbm>>
        %dma_start3A_155 = arith.constant 0 : i32
        %dma_start3A_156 = arith.constant 0 : i32
        %dma_start3A_157 = tpu.memref_slice %arg9[%dma_start3A_155, %dma_start3A_156] : memref<96x128xi32, #tpu.memory_space<vmem>> -> memref<64x128xi32, #tpu.memory_space<vmem>>
        %dma_start3A_158 = arith.constant 0 : i32
        %dma_start3A_159 = tpu.memref_slice %arg4[%add3A_150, %dma_start3A_158] : memref<2560x128xi32, #tpu.memory_space<hbm>> -> memref<64x128xi32, #tpu.memory_space<hbm>>
        tpu.enqueue_dma source(%dma_start3A_159 : memref<64x128xi32, #tpu.memory_space<hbm>>) target(%dma_start3A_157 : memref<64x128xi32, #tpu.memory_space<vmem>>) target_semaphore(%run_scoped3A : memref<!tpu.dma_semaphore, #tpu.memory_space<semaphore_mem>>)
        %dma_wait3A_160 = arith.constant 0 : i32
        %dma_wait3A_161 = arith.constant 0 : i32
        %dma_wait3A_162 = tpu.memref_slice %arg9[%dma_wait3A_160, %dma_wait3A_161] : memref<96x128xi32, #tpu.memory_space<vmem>> -> memref<64x128xi32, #tpu.memory_space<vmem>>
        %dma_wait3A_163 = arith.constant 0 : i32
        %dma_wait3A_164 = tpu.memref_slice %arg4[%add3A_150, %dma_wait3A_163] : memref<2560x128xi32, #tpu.memory_space<hbm>> -> memref<64x128xi32, #tpu.memory_space<hbm>>
        %dma_wait3A_165 = arith.constant 0 : i32
        %dma_wait3A_166 = arith.constant 0 : i32
        %dma_wait3A_167 = tpu.memref_slice %arg9[%dma_wait3A_165, %dma_wait3A_166] : memref<96x128xi32, #tpu.memory_space<vmem>> -> memref<64x128xi32, #tpu.memory_space<vmem>>
        %dma_wait3A_168 = arith.constant 0 : i32
        %dma_wait3A_169 = tpu.memref_slice %arg4[%add3A_150, %dma_wait3A_168] : memref<2560x128xi32, #tpu.memory_space<hbm>> -> memref<64x128xi32, #tpu.memory_space<hbm>>
        tpu.wait_dma2 semaphore(%run_scoped3A : memref<!tpu.dma_semaphore, #tpu.memory_space<semaphore_mem>>) src(%dma_wait3A_169 : memref<64x128xi32, #tpu.memory_space<hbm>>) dst(%dma_wait3A_167 : memref<64x128xi32, #tpu.memory_space<vmem>>)
        tpu.yield
      }) : () -> ()
    } else {
    }
    %barrier3A = arith.constant 0 : index
    tpu.barrier barrier_id(%barrier3A)
    %while3A = arith.constant 0 : i32
    %while3A_21 = arith.constant 0 : i32
    %while3A_22 = arith.subi %select_n3A, %while3A : i32
    %while3A_23 = arith.addi %while3A, %while3A_22 : i32
    %while3A_24 = arith.constant 1 : i32
    %while3A_25 = arith.divsi %while3A_22, %while3A_24 : i32
    %while3A_26 = arith.muli %while3A_25, %while3A_24 : i32
    %while3A_27 = arith.addi %while3A, %while3A_26 : i32
    %while3A_28 = arith.constant 1 : i32
    %while3A_29 = scf.for %while3A_147 = %while3A to %while3A_27 step %while3A_28 iter_args(%while3A_148 = %while3A_21) -> (i32)  : i32 {
      %rem3A = arith.constant 8 : i32
      %rem3A_149 = arith.remsi %while3A_147, %rem3A : i32
      %ge3A = arith.constant 8 : i32
      %ge3A_150 = arith.cmpi sge, %while3A_147, %ge3A : i32
      %convert_element_type3A_151 = arith.extui %ge3A_150 : i1 to i32
      %cond3A_152 = arith.constant 0 : i32
      %cond3A_153 = arith.cmpi ne, %convert_element_type3A_151, %cond3A_152 : i32
      scf.if %cond3A_153 {
        %dma_wait3A_169 = arith.constant 0 : i32
        %dma_wait3A_170 = arith.constant 0 : i32
        %dma_wait3A_171 = arith.constant 0 : i32
        %dma_wait3A_172 = arith.constant 0 : i32
        %dma_wait3A_173 = tpu.memref_slice %arg10[%dma_wait3A_169, %dma_wait3A_171, %dma_wait3A_172] : memref<8x128x16xf32, #tpu.memory_space<vmem>> -> memref<1x128x16xf32, #tpu.memory_space<vmem>>
        %dma_wait3A_174 = tpu.memref_squeeze %dma_wait3A_173 : memref<1x128x16xf32, #tpu.memory_space<vmem>> -> memref<128x16xf32, #tpu.memory_space<vmem>>
        %dma_wait3A_175 = arith.constant 0 : i32
        %dma_wait3A_176 = tpu.memref_slice %arg9[%dma_wait3A_170, %dma_wait3A_175] : memref<96x128xi32, #tpu.memory_space<vmem>> -> memref<1x128xi32, #tpu.memory_space<vmem>>
        %dma_wait3A_177 = tpu.memref_squeeze %dma_wait3A_176 : memref<1x128xi32, #tpu.memory_space<vmem>> -> memref<128xi32, #tpu.memory_space<vmem>>
        %dma_wait3A_178 = arith.constant 0 : i32
        %dma_wait3A_179 = arith.constant 0 : i32
        %dma_wait3A_180 = tpu.memref_slice %arg6[%dma_wait3A_178, %dma_wait3A_179] : memref<10240x16xf32, #tpu.memory_space<vmem_shared>> -> memref<10240x16xf32, #tpu.memory_space<vmem_shared>>
        tpu.wait_indirect_dma semaphore(%arg13 : memref<!tpu.dma_semaphore, #tpu.memory_space<semaphore_mem>>) src(%dma_wait3A_174 : memref<128x16xf32, #tpu.memory_space<vmem>>) dst(%dma_wait3A_180 : memref<10240x16xf32, #tpu.memory_space<vmem_shared>>)
      } else {
      }
      %dma_start3A = arith.constant 0 : i32
      %dma_start3A_154 = arith.constant 0 : i32
      %dma_start3A_155 = tpu.memref_slice %arg10[%rem3A_149, %dma_start3A, %dma_start3A_154] : memref<8x128x16xf32, #tpu.memory_space<vmem>> -> memref<1x128x16xf32, #tpu.memory_space<vmem>>
      %dma_start3A_156 = tpu.memref_squeeze %dma_start3A_155 : memref<1x128x16xf32, #tpu.memory_space<vmem>> -> memref<128x16xf32, #tpu.memory_space<vmem>>
      %dma_start3A_157 = arith.constant 0 : i32
      %dma_start3A_158 = tpu.memref_slice %arg8[%while3A_147, %dma_start3A_157] : memref<96x128xi32, #tpu.memory_space<vmem>> -> memref<1x128xi32, #tpu.memory_space<vmem>>
      %dma_start3A_159 = tpu.memref_squeeze %dma_start3A_158 : memref<1x128xi32, #tpu.memory_space<vmem>> -> memref<128xi32, #tpu.memory_space<vmem>>
      %dma_start3A_160 = arith.constant 0 : i32
      %dma_start3A_161 = arith.constant 0 : i32
      %dma_start3A_162 = tpu.memref_slice %arg7[%dma_start3A_160, %dma_start3A_161] : memref<10240x16xf32, #tpu.memory_space<vmem_shared>> -> memref<10240x16xf32, #tpu.memory_space<vmem_shared>>
      tpu.enqueue_indirect_dma source(%dma_start3A_162 : memref<10240x16xf32, #tpu.memory_space<vmem_shared>>) target(%dma_start3A_156 : memref<128x16xf32, #tpu.memory_space<vmem>>) offsets(%dma_start3A_159 : memref<128xi32, #tpu.memory_space<vmem>>) semaphore(%arg12 : memref<!tpu.dma_semaphore, #tpu.memory_space<semaphore_mem>>)
      %ge3A_163 = arith.constant 4 : i32
      %ge3A_164 = arith.cmpi sge, %while3A_147, %ge3A_163 : i32
      %convert_element_type3A_165 = arith.extui %ge3A_164 : i1 to i32
      %cond3A_166 = arith.constant 0 : i32
      %cond3A_167 = arith.cmpi ne, %convert_element_type3A_165, %cond3A_166 : i32
      scf.if %cond3A_167 {
        %dma_wait3A_169 = arith.constant 0 : i32
        %dma_wait3A_170 = arith.constant 0 : i32
        %dma_wait3A_171 = arith.constant 0 : i32
        %dma_wait3A_172 = arith.constant 0 : i32
        %dma_wait3A_173 = tpu.memref_slice %arg10[%dma_wait3A_170, %dma_wait3A_171, %dma_wait3A_172] : memref<8x128x16xf32, #tpu.memory_space<vmem>> -> memref<1x128x16xf32, #tpu.memory_space<vmem>>
        %dma_wait3A_174 = tpu.memref_squeeze %dma_wait3A_173 : memref<1x128x16xf32, #tpu.memory_space<vmem>> -> memref<128x16xf32, #tpu.memory_space<vmem>>
        %dma_wait3A_175 = arith.constant 0 : i32
        %dma_wait3A_176 = tpu.memref_slice %arg8[%dma_wait3A_169, %dma_wait3A_175] : memref<96x128xi32, #tpu.memory_space<vmem>> -> memref<1x128xi32, #tpu.memory_space<vmem>>
        %dma_wait3A_177 = tpu.memref_squeeze %dma_wait3A_176 : memref<1x128xi32, #tpu.memory_space<vmem>> -> memref<128xi32, #tpu.memory_space<vmem>>
        %dma_wait3A_178 = arith.constant 0 : i32
        %dma_wait3A_179 = arith.constant 0 : i32
        %dma_wait3A_180 = tpu.memref_slice %arg7[%dma_wait3A_178, %dma_wait3A_179] : memref<10240x16xf32, #tpu.memory_space<vmem_shared>> -> memref<10240x16xf32, #tpu.memory_space<vmem_shared>>
        tpu.wait_indirect_dma semaphore(%arg12 : memref<!tpu.dma_semaphore, #tpu.memory_space<semaphore_mem>>) src(%dma_wait3A_180 : memref<10240x16xf32, #tpu.memory_space<vmem_shared>>) dst(%dma_wait3A_174 : memref<128x16xf32, #tpu.memory_space<vmem>>)
        %sub3A = arith.constant 4 : i32
        %sub3A_181 = arith.subi %while3A_147, %sub3A : i32
        %rem3A_182 = arith.constant 8 : i32
        %rem3A_183 = arith.remsi %sub3A_181, %rem3A_182 : i32
        %dma_start3A_184 = arith.constant 0 : i32
        %dma_start3A_185 = arith.constant 0 : i32
        %dma_start3A_186 = tpu.memref_slice %arg10[%rem3A_183, %dma_start3A_184, %dma_start3A_185] : memref<8x128x16xf32, #tpu.memory_space<vmem>> -> memref<1x128x16xf32, #tpu.memory_space<vmem>>
        %dma_start3A_187 = tpu.memref_squeeze %dma_start3A_186 : memref<1x128x16xf32, #tpu.memory_space<vmem>> -> memref<128x16xf32, #tpu.memory_space<vmem>>
        %dma_start3A_188 = arith.constant 0 : i32
        %dma_start3A_189 = tpu.memref_slice %arg9[%sub3A_181, %dma_start3A_188] : memref<96x128xi32, #tpu.memory_space<vmem>> -> memref<1x128xi32, #tpu.memory_space<vmem>>
        %dma_start3A_190 = tpu.memref_squeeze %dma_start3A_189 : memref<1x128xi32, #tpu.memory_space<vmem>> -> memref<128xi32, #tpu.memory_space<vmem>>
        %dma_start3A_191 = arith.constant 0 : i32
        %dma_start3A_192 = arith.constant 0 : i32
        %dma_start3A_193 = tpu.memref_slice %arg6[%dma_start3A_191, %dma_start3A_192] : memref<10240x16xf32, #tpu.memory_space<vmem_shared>> -> memref<10240x16xf32, #tpu.memory_space<vmem_shared>>
        tpu.enqueue_indirect_dma source(%dma_start3A_187 : memref<128x16xf32, #tpu.memory_space<vmem>>) target(%dma_start3A_193 : memref<10240x16xf32, #tpu.memory_space<vmem_shared>>) offsets(%dma_start3A_190 : memref<128xi32, #tpu.memory_space<vmem>>) semaphore(%arg13 : memref<!tpu.dma_semaphore, #tpu.memory_space<semaphore_mem>>) {add = true}
      } else {
      }
      %while3A_168 = arith.constant 0 : i32
      scf.yield %while3A_168 : i32
    }
    %while3A_30 = arith.constant 1 : i32
    %while3A_31 = scf.for %while3A_147 = %while3A_27 to %while3A_23 step %while3A_30 iter_args(%while3A_148 = %while3A_29) -> (i32)  : i32 {
      %rem3A = arith.constant 8 : i32
      %rem3A_149 = arith.remsi %while3A_147, %rem3A : i32
      %ge3A = arith.constant 8 : i32
      %ge3A_150 = arith.cmpi sge, %while3A_147, %ge3A : i32
      %convert_element_type3A_151 = arith.extui %ge3A_150 : i1 to i32
      %cond3A_152 = arith.constant 0 : i32
      %cond3A_153 = arith.cmpi ne, %convert_element_type3A_151, %cond3A_152 : i32
      scf.if %cond3A_153 {
        %dma_wait3A_169 = arith.constant 0 : i32
        %dma_wait3A_170 = arith.constant 0 : i32
        %dma_wait3A_171 = arith.constant 0 : i32
        %dma_wait3A_172 = arith.constant 0 : i32
        %dma_wait3A_173 = tpu.memref_slice %arg10[%dma_wait3A_169, %dma_wait3A_171, %dma_wait3A_172] : memref<8x128x16xf32, #tpu.memory_space<vmem>> -> memref<1x128x16xf32, #tpu.memory_space<vmem>>
        %dma_wait3A_174 = tpu.memref_squeeze %dma_wait3A_173 : memref<1x128x16xf32, #tpu.memory_space<vmem>> -> memref<128x16xf32, #tpu.memory_space<vmem>>
        %dma_wait3A_175 = arith.constant 0 : i32
        %dma_wait3A_176 = tpu.memref_slice %arg9[%dma_wait3A_170, %dma_wait3A_175] : memref<96x128xi32, #tpu.memory_space<vmem>> -> memref<1x128xi32, #tpu.memory_space<vmem>>
        %dma_wait3A_177 = tpu.memref_squeeze %dma_wait3A_176 : memref<1x128xi32, #tpu.memory_space<vmem>> -> memref<128xi32, #tpu.memory_space<vmem>>
        %dma_wait3A_178 = arith.constant 0 : i32
        %dma_wait3A_179 = arith.constant 0 : i32
        %dma_wait3A_180 = tpu.memref_slice %arg6[%dma_wait3A_178, %dma_wait3A_179] : memref<10240x16xf32, #tpu.memory_space<vmem_shared>> -> memref<10240x16xf32, #tpu.memory_space<vmem_shared>>
        tpu.wait_indirect_dma semaphore(%arg13 : memref<!tpu.dma_semaphore, #tpu.memory_space<semaphore_mem>>) src(%dma_wait3A_174 : memref<128x16xf32, #tpu.memory_space<vmem>>) dst(%dma_wait3A_180 : memref<10240x16xf32, #tpu.memory_space<vmem_shared>>)
      } else {
      }
      %dma_start3A = arith.constant 0 : i32
      %dma_start3A_154 = arith.constant 0 : i32
      %dma_start3A_155 = tpu.memref_slice %arg10[%rem3A_149, %dma_start3A, %dma_start3A_154] : memref<8x128x16xf32, #tpu.memory_space<vmem>> -> memref<1x128x16xf32, #tpu.memory_space<vmem>>
      %dma_start3A_156 = tpu.memref_squeeze %dma_start3A_155 : memref<1x128x16xf32, #tpu.memory_space<vmem>> -> memref<128x16xf32, #tpu.memory_space<vmem>>
      %dma_start3A_157 = arith.constant 0 : i32
      %dma_start3A_158 = tpu.memref_slice %arg8[%while3A_147, %dma_start3A_157] : memref<96x128xi32, #tpu.memory_space<vmem>> -> memref<1x128xi32, #tpu.memory_space<vmem>>
      %dma_start3A_159 = tpu.memref_squeeze %dma_start3A_158 : memref<1x128xi32, #tpu.memory_space<vmem>> -> memref<128xi32, #tpu.memory_space<vmem>>
      %dma_start3A_160 = arith.constant 0 : i32
      %dma_start3A_161 = arith.constant 0 : i32
      %dma_start3A_162 = tpu.memref_slice %arg7[%dma_start3A_160, %dma_start3A_161] : memref<10240x16xf32, #tpu.memory_space<vmem_shared>> -> memref<10240x16xf32, #tpu.memory_space<vmem_shared>>
      tpu.enqueue_indirect_dma source(%dma_start3A_162 : memref<10240x16xf32, #tpu.memory_space<vmem_shared>>) target(%dma_start3A_156 : memref<128x16xf32, #tpu.memory_space<vmem>>) offsets(%dma_start3A_159 : memref<128xi32, #tpu.memory_space<vmem>>) semaphore(%arg12 : memref<!tpu.dma_semaphore, #tpu.memory_space<semaphore_mem>>)
      %ge3A_163 = arith.constant 4 : i32
      %ge3A_164 = arith.cmpi sge, %while3A_147, %ge3A_163 : i32
      %convert_element_type3A_165 = arith.extui %ge3A_164 : i1 to i32
      %cond3A_166 = arith.constant 0 : i32
      %cond3A_167 = arith.cmpi ne, %convert_element_type3A_165, %cond3A_166 : i32
      scf.if %cond3A_167 {
        %dma_wait3A_169 = arith.constant 0 : i32
        %dma_wait3A_170 = arith.constant 0 : i32
        %dma_wait3A_171 = arith.constant 0 : i32
        %dma_wait3A_172 = arith.constant 0 : i32
        %dma_wait3A_173 = tpu.memref_slice %arg10[%dma_wait3A_170, %dma_wait3A_171, %dma_wait3A_172] : memref<8x128x16xf32, #tpu.memory_space<vmem>> -> memref<1x128x16xf32, #tpu.memory_space<vmem>>
        %dma_wait3A_174 = tpu.memref_squeeze %dma_wait3A_173 : memref<1x128x16xf32, #tpu.memory_space<vmem>> -> memref<128x16xf32, #tpu.memory_space<vmem>>
        %dma_wait3A_175 = arith.constant 0 : i32
        %dma_wait3A_176 = tpu.memref_slice %arg8[%dma_wait3A_169, %dma_wait3A_175] : memref<96x128xi32, #tpu.memory_space<vmem>> -> memref<1x128xi32, #tpu.memory_space<vmem>>
        %dma_wait3A_177 = tpu.memref_squeeze %dma_wait3A_176 : memref<1x128xi32, #tpu.memory_space<vmem>> -> memref<128xi32, #tpu.memory_space<vmem>>
        %dma_wait3A_178 = arith.constant 0 : i32
        %dma_wait3A_179 = arith.constant 0 : i32
        %dma_wait3A_180 = tpu.memref_slice %arg7[%dma_wait3A_178, %dma_wait3A_179] : memref<10240x16xf32, #tpu.memory_space<vmem_shared>> -> memref<10240x16xf32, #tpu.memory_space<vmem_shared>>
        tpu.wait_indirect_dma semaphore(%arg12 : memref<!tpu.dma_semaphore, #tpu.memory_space<semaphore_mem>>) src(%dma_wait3A_180 : memref<10240x16xf32, #tpu.memory_space<vmem_shared>>) dst(%dma_wait3A_174 : memref<128x16xf32, #tpu.memory_space<vmem>>)
        %sub3A = arith.constant 4 : i32
        %sub3A_181 = arith.subi %while3A_147, %sub3A : i32
        %rem3A_182 = arith.constant 8 : i32
        %rem3A_183 = arith.remsi %sub3A_181, %rem3A_182 : i32
        %dma_start3A_184 = arith.constant 0 : i32
        %dma_start3A_185 = arith.constant 0 : i32
        %dma_start3A_186 = tpu.memref_slice %arg10[%rem3A_183, %dma_start3A_184, %dma_start3A_185] : memref<8x128x16xf32, #tpu.memory_space<vmem>> -> memref<1x128x16xf32, #tpu.memory_space<vmem>>
        %dma_start3A_187 = tpu.memref_squeeze %dma_start3A_186 : memref<1x128x16xf32, #tpu.memory_space<vmem>> -> memref<128x16xf32, #tpu.memory_space<vmem>>
        %dma_start3A_188 = arith.constant 0 : i32
        %dma_start3A_189 = tpu.memref_slice %arg9[%sub3A_181, %dma_start3A_188] : memref<96x128xi32, #tpu.memory_space<vmem>> -> memref<1x128xi32, #tpu.memory_space<vmem>>
        %dma_start3A_190 = tpu.memref_squeeze %dma_start3A_189 : memref<1x128xi32, #tpu.memory_space<vmem>> -> memref<128xi32, #tpu.memory_space<vmem>>
        %dma_start3A_191 = arith.constant 0 : i32
        %dma_start3A_192 = arith.constant 0 : i32
        %dma_start3A_193 = tpu.memref_slice %arg6[%dma_start3A_191, %dma_start3A_192] : memref<10240x16xf32, #tpu.memory_space<vmem_shared>> -> memref<10240x16xf32, #tpu.memory_space<vmem_shared>>
        tpu.enqueue_indirect_dma source(%dma_start3A_187 : memref<128x16xf32, #tpu.memory_space<vmem>>) target(%dma_start3A_193 : memref<10240x16xf32, #tpu.memory_space<vmem_shared>>) offsets(%dma_start3A_190 : memref<128xi32, #tpu.memory_space<vmem>>) semaphore(%arg13 : memref<!tpu.dma_semaphore, #tpu.memory_space<semaphore_mem>>) {add = true}
      } else {
      }
      %while3A_168 = arith.constant 0 : i32
      scf.yield %while3A_168 : i32
    }
    %add3A = arith.constant 4 : i32
    %add3A_32 = arith.addi %select_n3A, %add3A : i32
    %while3A_33 = arith.constant 0 : i32
    %while3A_34 = arith.subi %add3A_32, %select_n3A : i32
    %while3A_35 = arith.addi %select_n3A, %while3A_34 : i32
    %while3A_36 = arith.constant 1 : i32
    %while3A_37 = arith.divsi %while3A_34, %while3A_36 : i32
    %while3A_38 = arith.muli %while3A_37, %while3A_36 : i32
    %while3A_39 = arith.addi %select_n3A, %while3A_38 : i32
    %while3A_40 = arith.constant 1 : i32
    %while3A_41 = scf.for %while3A_147 = %select_n3A to %while3A_39 step %while3A_40 iter_args(%while3A_148 = %while3A_33) -> (i32)  : i32 {
      %dma_wait3A_149 = arith.constant 0 : i32
      %dma_wait3A_150 = arith.constant 0 : i32
      %dma_wait3A_151 = arith.constant 0 : i32
      %dma_wait3A_152 = arith.constant 0 : i32
      %dma_wait3A_153 = tpu.memref_slice %arg10[%dma_wait3A_150, %dma_wait3A_151, %dma_wait3A_152] : memref<8x128x16xf32, #tpu.memory_space<vmem>> -> memref<1x128x16xf32, #tpu.memory_space<vmem>>
      %dma_wait3A_154 = tpu.memref_squeeze %dma_wait3A_153 : memref<1x128x16xf32, #tpu.memory_space<vmem>> -> memref<128x16xf32, #tpu.memory_space<vmem>>
      %dma_wait3A_155 = arith.constant 0 : i32
      %dma_wait3A_156 = tpu.memref_slice %arg8[%dma_wait3A_149, %dma_wait3A_155] : memref<96x128xi32, #tpu.memory_space<vmem>> -> memref<1x128xi32, #tpu.memory_space<vmem>>
      %dma_wait3A_157 = tpu.memref_squeeze %dma_wait3A_156 : memref<1x128xi32, #tpu.memory_space<vmem>> -> memref<128xi32, #tpu.memory_space<vmem>>
      %dma_wait3A_158 = arith.constant 0 : i32
      %dma_wait3A_159 = arith.constant 0 : i32
      %dma_wait3A_160 = tpu.memref_slice %arg7[%dma_wait3A_158, %dma_wait3A_159] : memref<10240x16xf32, #tpu.memory_space<vmem_shared>> -> memref<10240x16xf32, #tpu.memory_space<vmem_shared>>
      tpu.wait_indirect_dma semaphore(%arg12 : memref<!tpu.dma_semaphore, #tpu.memory_space<semaphore_mem>>) src(%dma_wait3A_160 : memref<10240x16xf32, #tpu.memory_space<vmem_shared>>) dst(%dma_wait3A_154 : memref<128x16xf32, #tpu.memory_space<vmem>>)
      %sub3A = arith.constant 4 : i32
      %sub3A_161 = arith.subi %while3A_147, %sub3A : i32
      %rem3A = arith.constant 8 : i32
      %rem3A_162 = arith.remsi %sub3A_161, %rem3A : i32
      %dma_start3A = arith.constant 0 : i32
      %dma_start3A_163 = arith.constant 0 : i32
      %dma_start3A_164 = tpu.memref_slice %arg10[%rem3A_162, %dma_start3A, %dma_start3A_163] : memref<8x128x16xf32, #tpu.memory_space<vmem>> -> memref<1x128x16xf32, #tpu.memory_space<vmem>>
      %dma_start3A_165 = tpu.memref_squeeze %dma_start3A_164 : memref<1x128x16xf32, #tpu.memory_space<vmem>> -> memref<128x16xf32, #tpu.memory_space<vmem>>
      %dma_start3A_166 = arith.constant 0 : i32
      %dma_start3A_167 = tpu.memref_slice %arg9[%sub3A_161, %dma_start3A_166] : memref<96x128xi32, #tpu.memory_space<vmem>> -> memref<1x128xi32, #tpu.memory_space<vmem>>
      %dma_start3A_168 = tpu.memref_squeeze %dma_start3A_167 : memref<1x128xi32, #tpu.memory_space<vmem>> -> memref<128xi32, #tpu.memory_space<vmem>>
      %dma_start3A_169 = arith.constant 0 : i32
      %dma_start3A_170 = arith.constant 0 : i32
      %dma_start3A_171 = tpu.memref_slice %arg6[%dma_start3A_169, %dma_start3A_170] : memref<10240x16xf32, #tpu.memory_space<vmem_shared>> -> memref<10240x16xf32, #tpu.memory_space<vmem_shared>>
      tpu.enqueue_indirect_dma source(%dma_start3A_165 : memref<128x16xf32, #tpu.memory_space<vmem>>) target(%dma_start3A_171 : memref<10240x16xf32, #tpu.memory_space<vmem_shared>>) offsets(%dma_start3A_168 : memref<128xi32, #tpu.memory_space<vmem>>) semaphore(%arg13 : memref<!tpu.dma_semaphore, #tpu.memory_space<semaphore_mem>>) {add = true}
      %while3A_172 = arith.constant 0 : i32
      scf.yield %while3A_172 : i32
    }
    %while3A_42 = arith.constant 1 : i32
    %while3A_43 = scf.for %while3A_147 = %while3A_39 to %while3A_35 step %while3A_42 iter_args(%while3A_148 = %while3A_41) -> (i32)  : i32 {
      %dma_wait3A_149 = arith.constant 0 : i32
      %dma_wait3A_150 = arith.constant 0 : i32
      %dma_wait3A_151 = arith.constant 0 : i32
      %dma_wait3A_152 = arith.constant 0 : i32
      %dma_wait3A_153 = tpu.memref_slice %arg10[%dma_wait3A_150, %dma_wait3A_151, %dma_wait3A_152] : memref<8x128x16xf32, #tpu.memory_space<vmem>> -> memref<1x128x16xf32, #tpu.memory_space<vmem>>
      %dma_wait3A_154 = tpu.memref_squeeze %dma_wait3A_153 : memref<1x128x16xf32, #tpu.memory_space<vmem>> -> memref<128x16xf32, #tpu.memory_space<vmem>>
      %dma_wait3A_155 = arith.constant 0 : i32
      %dma_wait3A_156 = tpu.memref_slice %arg8[%dma_wait3A_149, %dma_wait3A_155] : memref<96x128xi32, #tpu.memory_space<vmem>> -> memref<1x128xi32, #tpu.memory_space<vmem>>
      %dma_wait3A_157 = tpu.memref_squeeze %dma_wait3A_156 : memref<1x128xi32, #tpu.memory_space<vmem>> -> memref<128xi32, #tpu.memory_space<vmem>>
      %dma_wait3A_158 = arith.constant 0 : i32
      %dma_wait3A_159 = arith.constant 0 : i32
      %dma_wait3A_160 = tpu.memref_slice %arg7[%dma_wait3A_158, %dma_wait3A_159] : memref<10240x16xf32, #tpu.memory_space<vmem_shared>> -> memref<10240x16xf32, #tpu.memory_space<vmem_shared>>
      tpu.wait_indirect_dma semaphore(%arg12 : memref<!tpu.dma_semaphore, #tpu.memory_space<semaphore_mem>>) src(%dma_wait3A_160 : memref<10240x16xf32, #tpu.memory_space<vmem_shared>>) dst(%dma_wait3A_154 : memref<128x16xf32, #tpu.memory_space<vmem>>)
      %sub3A = arith.constant 4 : i32
      %sub3A_161 = arith.subi %while3A_147, %sub3A : i32
      %rem3A = arith.constant 8 : i32
      %rem3A_162 = arith.remsi %sub3A_161, %rem3A : i32
      %dma_start3A = arith.constant 0 : i32
      %dma_start3A_163 = arith.constant 0 : i32
      %dma_start3A_164 = tpu.memref_slice %arg10[%rem3A_162, %dma_start3A, %dma_start3A_163] : memref<8x128x16xf32, #tpu.memory_space<vmem>> -> memref<1x128x16xf32, #tpu.memory_space<vmem>>
      %dma_start3A_165 = tpu.memref_squeeze %dma_start3A_164 : memref<1x128x16xf32, #tpu.memory_space<vmem>> -> memref<128x16xf32, #tpu.memory_space<vmem>>
      %dma_start3A_166 = arith.constant 0 : i32
      %dma_start3A_167 = tpu.memref_slice %arg9[%sub3A_161, %dma_start3A_166] : memref<96x128xi32, #tpu.memory_space<vmem>> -> memref<1x128xi32, #tpu.memory_space<vmem>>
      %dma_start3A_168 = tpu.memref_squeeze %dma_start3A_167 : memref<1x128xi32, #tpu.memory_space<vmem>> -> memref<128xi32, #tpu.memory_space<vmem>>
      %dma_start3A_169 = arith.constant 0 : i32
      %dma_start3A_170 = arith.constant 0 : i32
      %dma_start3A_171 = tpu.memref_slice %arg6[%dma_start3A_169, %dma_start3A_170] : memref<10240x16xf32, #tpu.memory_space<vmem_shared>> -> memref<10240x16xf32, #tpu.memory_space<vmem_shared>>
      tpu.enqueue_indirect_dma source(%dma_start3A_165 : memref<128x16xf32, #tpu.memory_space<vmem>>) target(%dma_start3A_171 : memref<10240x16xf32, #tpu.memory_space<vmem_shared>>) offsets(%dma_start3A_168 : memref<128xi32, #tpu.memory_space<vmem>>) semaphore(%arg13 : memref<!tpu.dma_semaphore, #tpu.memory_space<semaphore_mem>>) {add = true}
      %while3A_172 = arith.constant 0 : i32
      scf.yield %while3A_172 : i32
    }
    %dma_wait3A = arith.constant 0 : i32
    %dma_wait3A_44 = arith.constant 0 : i32
    %dma_wait3A_45 = arith.constant 0 : i32
    %dma_wait3A_46 = arith.constant 0 : i32
    %dma_wait3A_47 = tpu.memref_slice %arg10[%dma_wait3A, %dma_wait3A_45, %dma_wait3A_46] : memref<8x128x16xf32, #tpu.memory_space<vmem>> -> memref<1x128x16xf32, #tpu.memory_space<vmem>>
    %dma_wait3A_48 = tpu.memref_squeeze %dma_wait3A_47 : memref<1x128x16xf32, #tpu.memory_space<vmem>> -> memref<128x16xf32, #tpu.memory_space<vmem>>
    %dma_wait3A_49 = arith.constant 0 : i32
    %dma_wait3A_50 = tpu.memref_slice %arg9[%dma_wait3A_44, %dma_wait3A_49] : memref<96x128xi32, #tpu.memory_space<vmem>> -> memref<1x128xi32, #tpu.memory_space<vmem>>
    %dma_wait3A_51 = tpu.memref_squeeze %dma_wait3A_50 : memref<1x128xi32, #tpu.memory_space<vmem>> -> memref<128xi32, #tpu.memory_space<vmem>>
    %dma_wait3A_52 = arith.constant 0 : i32
    %dma_wait3A_53 = arith.constant 0 : i32
    %dma_wait3A_54 = tpu.memref_slice %arg6[%dma_wait3A_52, %dma_wait3A_53] : memref<10240x16xf32, #tpu.memory_space<vmem_shared>> -> memref<10240x16xf32, #tpu.memory_space<vmem_shared>>
    tpu.wait_indirect_dma semaphore(%arg13 : memref<!tpu.dma_semaphore, #tpu.memory_space<semaphore_mem>>) src(%dma_wait3A_48 : memref<128x16xf32, #tpu.memory_space<vmem>>) dst(%dma_wait3A_54 : memref<10240x16xf32, #tpu.memory_space<vmem_shared>>)
    %dma_wait3A_55 = arith.constant 0 : i32
    %dma_wait3A_56 = arith.constant 0 : i32
    %dma_wait3A_57 = arith.constant 0 : i32
    %dma_wait3A_58 = arith.constant 0 : i32
    %dma_wait3A_59 = tpu.memref_slice %arg10[%dma_wait3A_55, %dma_wait3A_57, %dma_wait3A_58] : memref<8x128x16xf32, #tpu.memory_space<vmem>> -> memref<1x128x16xf32, #tpu.memory_space<vmem>>
    %dma_wait3A_60 = tpu.memref_squeeze %dma_wait3A_59 : memref<1x128x16xf32, #tpu.memory_space<vmem>> -> memref<128x16xf32, #tpu.memory_space<vmem>>
    %dma_wait3A_61 = arith.constant 0 : i32
    %dma_wait3A_62 = tpu.memref_slice %arg9[%dma_wait3A_56, %dma_wait3A_61] : memref<96x128xi32, #tpu.memory_space<vmem>> -> memref<1x128xi32, #tpu.memory_space<vmem>>
    %dma_wait3A_63 = tpu.memref_squeeze %dma_wait3A_62 : memref<1x128xi32, #tpu.memory_space<vmem>> -> memref<128xi32, #tpu.memory_space<vmem>>
    %dma_wait3A_64 = arith.constant 0 : i32
    %dma_wait3A_65 = arith.constant 0 : i32
    %dma_wait3A_66 = tpu.memref_slice %arg6[%dma_wait3A_64, %dma_wait3A_65] : memref<10240x16xf32, #tpu.memory_space<vmem_shared>> -> memref<10240x16xf32, #tpu.memory_space<vmem_shared>>
    tpu.wait_indirect_dma semaphore(%arg13 : memref<!tpu.dma_semaphore, #tpu.memory_space<semaphore_mem>>) src(%dma_wait3A_60 : memref<128x16xf32, #tpu.memory_space<vmem>>) dst(%dma_wait3A_66 : memref<10240x16xf32, #tpu.memory_space<vmem_shared>>)
    %dma_wait3A_67 = arith.constant 0 : i32
    %dma_wait3A_68 = arith.constant 0 : i32
    %dma_wait3A_69 = arith.constant 0 : i32
    %dma_wait3A_70 = arith.constant 0 : i32
    %dma_wait3A_71 = tpu.memref_slice %arg10[%dma_wait3A_67, %dma_wait3A_69, %dma_wait3A_70] : memref<8x128x16xf32, #tpu.memory_space<vmem>> -> memref<1x128x16xf32, #tpu.memory_space<vmem>>
    %dma_wait3A_72 = tpu.memref_squeeze %dma_wait3A_71 : memref<1x128x16xf32, #tpu.memory_space<vmem>> -> memref<128x16xf32, #tpu.memory_space<vmem>>
    %dma_wait3A_73 = arith.constant 0 : i32
    %dma_wait3A_74 = tpu.memref_slice %arg9[%dma_wait3A_68, %dma_wait3A_73] : memref<96x128xi32, #tpu.memory_space<vmem>> -> memref<1x128xi32, #tpu.memory_space<vmem>>
    %dma_wait3A_75 = tpu.memref_squeeze %dma_wait3A_74 : memref<1x128xi32, #tpu.memory_space<vmem>> -> memref<128xi32, #tpu.memory_space<vmem>>
    %dma_wait3A_76 = arith.constant 0 : i32
    %dma_wait3A_77 = arith.constant 0 : i32
    %dma_wait3A_78 = tpu.memref_slice %arg6[%dma_wait3A_76, %dma_wait3A_77] : memref<10240x16xf32, #tpu.memory_space<vmem_shared>> -> memref<10240x16xf32, #tpu.memory_space<vmem_shared>>
    tpu.wait_indirect_dma semaphore(%arg13 : memref<!tpu.dma_semaphore, #tpu.memory_space<semaphore_mem>>) src(%dma_wait3A_72 : memref<128x16xf32, #tpu.memory_space<vmem>>) dst(%dma_wait3A_78 : memref<10240x16xf32, #tpu.memory_space<vmem_shared>>)
    %dma_wait3A_79 = arith.constant 0 : i32
    %dma_wait3A_80 = arith.constant 0 : i32
    %dma_wait3A_81 = arith.constant 0 : i32
    %dma_wait3A_82 = arith.constant 0 : i32
    %dma_wait3A_83 = tpu.memref_slice %arg10[%dma_wait3A_79, %dma_wait3A_81, %dma_wait3A_82] : memref<8x128x16xf32, #tpu.memory_space<vmem>> -> memref<1x128x16xf32, #tpu.memory_space<vmem>>
    %dma_wait3A_84 = tpu.memref_squeeze %dma_wait3A_83 : memref<1x128x16xf32, #tpu.memory_space<vmem>> -> memref<128x16xf32, #tpu.memory_space<vmem>>
    %dma_wait3A_85 = arith.constant 0 : i32
    %dma_wait3A_86 = tpu.memref_slice %arg9[%dma_wait3A_80, %dma_wait3A_85] : memref<96x128xi32, #tpu.memory_space<vmem>> -> memref<1x128xi32, #tpu.memory_space<vmem>>
    %dma_wait3A_87 = tpu.memref_squeeze %dma_wait3A_86 : memref<1x128xi32, #tpu.memory_space<vmem>> -> memref<128xi32, #tpu.memory_space<vmem>>
    %dma_wait3A_88 = arith.constant 0 : i32
    %dma_wait3A_89 = arith.constant 0 : i32
    %dma_wait3A_90 = tpu.memref_slice %arg6[%dma_wait3A_88, %dma_wait3A_89] : memref<10240x16xf32, #tpu.memory_space<vmem_shared>> -> memref<10240x16xf32, #tpu.memory_space<vmem_shared>>
    tpu.wait_indirect_dma semaphore(%arg13 : memref<!tpu.dma_semaphore, #tpu.memory_space<semaphore_mem>>) src(%dma_wait3A_84 : memref<128x16xf32, #tpu.memory_space<vmem>>) dst(%dma_wait3A_90 : memref<10240x16xf32, #tpu.memory_space<vmem_shared>>)
    %dma_wait3A_91 = arith.constant 0 : i32
    %dma_wait3A_92 = arith.constant 0 : i32
    %dma_wait3A_93 = arith.constant 0 : i32
    %dma_wait3A_94 = arith.constant 0 : i32
    %dma_wait3A_95 = tpu.memref_slice %arg10[%dma_wait3A_91, %dma_wait3A_93, %dma_wait3A_94] : memref<8x128x16xf32, #tpu.memory_space<vmem>> -> memref<1x128x16xf32, #tpu.memory_space<vmem>>
    %dma_wait3A_96 = tpu.memref_squeeze %dma_wait3A_95 : memref<1x128x16xf32, #tpu.memory_space<vmem>> -> memref<128x16xf32, #tpu.memory_space<vmem>>
    %dma_wait3A_97 = arith.constant 0 : i32
    %dma_wait3A_98 = tpu.memref_slice %arg9[%dma_wait3A_92, %dma_wait3A_97] : memref<96x128xi32, #tpu.memory_space<vmem>> -> memref<1x128xi32, #tpu.memory_space<vmem>>
    %dma_wait3A_99 = tpu.memref_squeeze %dma_wait3A_98 : memref<1x128xi32, #tpu.memory_space<vmem>> -> memref<128xi32, #tpu.memory_space<vmem>>
    %dma_wait3A_100 = arith.constant 0 : i32
    %dma_wait3A_101 = arith.constant 0 : i32
    %dma_wait3A_102 = tpu.memref_slice %arg6[%dma_wait3A_100, %dma_wait3A_101] : memref<10240x16xf32, #tpu.memory_space<vmem_shared>> -> memref<10240x16xf32, #tpu.memory_space<vmem_shared>>
    tpu.wait_indirect_dma semaphore(%arg13 : memref<!tpu.dma_semaphore, #tpu.memory_space<semaphore_mem>>) src(%dma_wait3A_96 : memref<128x16xf32, #tpu.memory_space<vmem>>) dst(%dma_wait3A_102 : memref<10240x16xf32, #tpu.memory_space<vmem_shared>>)
    %dma_wait3A_103 = arith.constant 0 : i32
    %dma_wait3A_104 = arith.constant 0 : i32
    %dma_wait3A_105 = arith.constant 0 : i32
    %dma_wait3A_106 = arith.constant 0 : i32
    %dma_wait3A_107 = tpu.memref_slice %arg10[%dma_wait3A_103, %dma_wait3A_105, %dma_wait3A_106] : memref<8x128x16xf32, #tpu.memory_space<vmem>> -> memref<1x128x16xf32, #tpu.memory_space<vmem>>
    %dma_wait3A_108 = tpu.memref_squeeze %dma_wait3A_107 : memref<1x128x16xf32, #tpu.memory_space<vmem>> -> memref<128x16xf32, #tpu.memory_space<vmem>>
    %dma_wait3A_109 = arith.constant 0 : i32
    %dma_wait3A_110 = tpu.memref_slice %arg9[%dma_wait3A_104, %dma_wait3A_109] : memref<96x128xi32, #tpu.memory_space<vmem>> -> memref<1x128xi32, #tpu.memory_space<vmem>>
    %dma_wait3A_111 = tpu.memref_squeeze %dma_wait3A_110 : memref<1x128xi32, #tpu.memory_space<vmem>> -> memref<128xi32, #tpu.memory_space<vmem>>
    %dma_wait3A_112 = arith.constant 0 : i32
    %dma_wait3A_113 = arith.constant 0 : i32
    %dma_wait3A_114 = tpu.memref_slice %arg6[%dma_wait3A_112, %dma_wait3A_113] : memref<10240x16xf32, #tpu.memory_space<vmem_shared>> -> memref<10240x16xf32, #tpu.memory_space<vmem_shared>>
    tpu.wait_indirect_dma semaphore(%arg13 : memref<!tpu.dma_semaphore, #tpu.memory_space<semaphore_mem>>) src(%dma_wait3A_108 : memref<128x16xf32, #tpu.memory_space<vmem>>) dst(%dma_wait3A_114 : memref<10240x16xf32, #tpu.memory_space<vmem_shared>>)
    %dma_wait3A_115 = arith.constant 0 : i32
    %dma_wait3A_116 = arith.constant 0 : i32
    %dma_wait3A_117 = arith.constant 0 : i32
    %dma_wait3A_118 = arith.constant 0 : i32
    %dma_wait3A_119 = tpu.memref_slice %arg10[%dma_wait3A_115, %dma_wait3A_117, %dma_wait3A_118] : memref<8x128x16xf32, #tpu.memory_space<vmem>> -> memref<1x128x16xf32, #tpu.memory_space<vmem>>
    %dma_wait3A_120 = tpu.memref_squeeze %dma_wait3A_119 : memref<1x128x16xf32, #tpu.memory_space<vmem>> -> memref<128x16xf32, #tpu.memory_space<vmem>>
    %dma_wait3A_121 = arith.constant 0 : i32
    %dma_wait3A_122 = tpu.memref_slice %arg9[%dma_wait3A_116, %dma_wait3A_121] : memref<96x128xi32, #tpu.memory_space<vmem>> -> memref<1x128xi32, #tpu.memory_space<vmem>>
    %dma_wait3A_123 = tpu.memref_squeeze %dma_wait3A_122 : memref<1x128xi32, #tpu.memory_space<vmem>> -> memref<128xi32, #tpu.memory_space<vmem>>
    %dma_wait3A_124 = arith.constant 0 : i32
    %dma_wait3A_125 = arith.constant 0 : i32
    %dma_wait3A_126 = tpu.memref_slice %arg6[%dma_wait3A_124, %dma_wait3A_125] : memref<10240x16xf32, #tpu.memory_space<vmem_shared>> -> memref<10240x16xf32, #tpu.memory_space<vmem_shared>>
    tpu.wait_indirect_dma semaphore(%arg13 : memref<!tpu.dma_semaphore, #tpu.memory_space<semaphore_mem>>) src(%dma_wait3A_120 : memref<128x16xf32, #tpu.memory_space<vmem>>) dst(%dma_wait3A_126 : memref<10240x16xf32, #tpu.memory_space<vmem_shared>>)
    %dma_wait3A_127 = arith.constant 0 : i32
    %dma_wait3A_128 = arith.constant 0 : i32
    %dma_wait3A_129 = arith.constant 0 : i32
    %dma_wait3A_130 = arith.constant 0 : i32
    %dma_wait3A_131 = tpu.memref_slice %arg10[%dma_wait3A_127, %dma_wait3A_129, %dma_wait3A_130] : memref<8x128x16xf32, #tpu.memory_space<vmem>> -> memref<1x128x16xf32, #tpu.memory_space<vmem>>
    %dma_wait3A_132 = tpu.memref_squeeze %dma_wait3A_131 : memref<1x128x16xf32, #tpu.memory_space<vmem>> -> memref<128x16xf32, #tpu.memory_space<vmem>>
    %dma_wait3A_133 = arith.constant 0 : i32
    %dma_wait3A_134 = tpu.memref_slice %arg9[%dma_wait3A_128, %dma_wait3A_133] : memref<96x128xi32, #tpu.memory_space<vmem>> -> memref<1x128xi32, #tpu.memory_space<vmem>>
    %dma_wait3A_135 = tpu.memref_squeeze %dma_wait3A_134 : memref<1x128xi32, #tpu.memory_space<vmem>> -> memref<128xi32, #tpu.memory_space<vmem>>
    %dma_wait3A_136 = arith.constant 0 : i32
    %dma_wait3A_137 = arith.constant 0 : i32
    %dma_wait3A_138 = tpu.memref_slice %arg6[%dma_wait3A_136, %dma_wait3A_137] : memref<10240x16xf32, #tpu.memory_space<vmem_shared>> -> memref<10240x16xf32, #tpu.memory_space<vmem_shared>>
    tpu.wait_indirect_dma semaphore(%arg13 : memref<!tpu.dma_semaphore, #tpu.memory_space<semaphore_mem>>) src(%dma_wait3A_132 : memref<128x16xf32, #tpu.memory_space<vmem>>) dst(%dma_wait3A_138 : memref<10240x16xf32, #tpu.memory_space<vmem_shared>>)
    %barrier3A_139 = arith.constant 0 : index
    tpu.barrier barrier_id(%barrier3A_139)
    %mul3A_140 = arith.constant 640 : i32
    %mul3A_141 = arith.muli %arg1, %mul3A_140 : i32
    "tpu.region"() ({
      %run_scoped3A = tpu.sem_alloc : memref<!tpu.dma_semaphore, #tpu.memory_space<semaphore_mem>>
      %dma_start3A = arith.constant 0 : i32
      %dma_start3A_147 = tpu.memref_slice %arg6[%mul3A_141, %dma_start3A] : memref<10240x16xf32, #tpu.memory_space<vmem_shared>> -> memref<640x16xf32, #tpu.memory_space<vmem_shared>>
      %dma_start3A_148 = arith.constant 0 : i32
      %dma_start3A_149 = tpu.memref_slice %arg6[%mul3A_141, %dma_start3A_148] : memref<10240x16xf32, #tpu.memory_space<vmem_shared>> -> memref<640x16xf32, #tpu.memory_space<vmem_shared>>
      tpu.enqueue_dma source(%dma_start3A_149 : memref<640x16xf32, #tpu.memory_space<vmem_shared>>) target(%arg11 : memref<640x16xf32, #tpu.memory_space<vmem>>) target_semaphore(%run_scoped3A : memref<!tpu.dma_semaphore, #tpu.memory_space<semaphore_mem>>)
      %dma_wait3A_150 = arith.constant 0 : i32
      %dma_wait3A_151 = tpu.memref_slice %arg6[%mul3A_141, %dma_wait3A_150] : memref<10240x16xf32, #tpu.memory_space<vmem_shared>> -> memref<640x16xf32, #tpu.memory_space<vmem_shared>>
      %dma_wait3A_152 = arith.constant 0 : i32
      %dma_wait3A_153 = tpu.memref_slice %arg6[%mul3A_141, %dma_wait3A_152] : memref<10240x16xf32, #tpu.memory_space<vmem_shared>> -> memref<640x16xf32, #tpu.memory_space<vmem_shared>>
      tpu.wait_dma2 semaphore(%run_scoped3A : memref<!tpu.dma_semaphore, #tpu.memory_space<semaphore_mem>>) src(%dma_wait3A_153 : memref<640x16xf32, #tpu.memory_space<vmem_shared>>) dst(%arg11 : memref<640x16xf32, #tpu.memory_space<vmem>>)
      tpu.yield
    }) : () -> ()
    %mul3A_142 = arith.constant 10240 : i32
    %mul3A_143 = arith.muli %arg0, %mul3A_142 : i32
    %mul3A_144 = arith.constant 640 : i32
    %mul3A_145 = arith.muli %arg1, %mul3A_144 : i32
    %add3A_146 = arith.addi %mul3A_143, %mul3A_145 : i32
    "tpu.region"() ({
      %run_scoped3A = tpu.sem_alloc : memref<!tpu.dma_semaphore, #tpu.memory_space<semaphore_mem>>
      %dma_start3A = arith.constant 0 : i32
      %dma_start3A_147 = tpu.memref_slice %arg5[%add3A_146, %dma_start3A] : memref<20480x16xf32, #tpu.memory_space<hbm>> -> memref<640x16xf32, #tpu.memory_space<hbm>>
      %dma_start3A_148 = arith.constant 0 : i32
      %dma_start3A_149 = tpu.memref_slice %arg5[%add3A_146, %dma_start3A_148] : memref<20480x16xf32, #tpu.memory_space<hbm>> -> memref<640x16xf32, #tpu.memory_space<hbm>>
      tpu.enqueue_dma source(%arg11 : memref<640x16xf32, #tpu.memory_space<vmem>>) target(%dma_start3A_149 : memref<640x16xf32, #tpu.memory_space<hbm>>) target_semaphore(%run_scoped3A : memref<!tpu.dma_semaphore, #tpu.memory_space<semaphore_mem>>)
      %dma_wait3A_150 = arith.constant 0 : i32
      %dma_wait3A_151 = tpu.memref_slice %arg5[%add3A_146, %dma_wait3A_150] : memref<20480x16xf32, #tpu.memory_space<hbm>> -> memref<640x16xf32, #tpu.memory_space<hbm>>
      %dma_wait3A_152 = arith.constant 0 : i32
      %dma_wait3A_153 = tpu.memref_slice %arg5[%add3A_146, %dma_wait3A_152] : memref<20480x16xf32, #tpu.memory_space<hbm>> -> memref<640x16xf32, #tpu.memory_space<hbm>>
      tpu.wait_dma2 semaphore(%run_scoped3A : memref<!tpu.dma_semaphore, #tpu.memory_space<semaphore_mem>>) src(%arg11 : memref<640x16xf32, #tpu.memory_space<vmem>>) dst(%dma_wait3A_153 : memref<640x16xf32, #tpu.memory_space<hbm>>)
      tpu.yield
    }) : () -> ()
    return
  }
}

module attributes {stable_mosaic.version = 14 : i64} {
  func.func @_prep_body(%arg0: memref<2x320000xi32, #tpu.memory_space<vmem>>, %arg1: memref<327680xi32, #tpu.memory_space<vmem>>, %arg2: memref<327680xi32, #tpu.memory_space<vmem>>) attributes {dimension_semantics = [], scalar_prefetch = 0 : i64, scratch_operands = 0 : i64, tpu.core_type = #tpu.core_type<tc>} {
    %get3A = arith.constant 0 : index
    %get3A_0 = arith.constant 0 : index
    %get3A_1 = vector.load %arg0[%get3A, %get3A_0] : memref<2x320000xi32, #tpu.memory_space<vmem>>, vector<1x320000xi32>
    %get3A_2 = vector.shape_cast %get3A_1 : vector<1x320000xi32> to vector<320000xi32>
    %shift_right_arithmetic3A = arith.constant 8 : i32
    %shift_right_arithmetic3A_3 = vector.broadcast %shift_right_arithmetic3A : i32 to vector<320000xi32>
    %shift_right_arithmetic3A_4 = arith.shrsi %get3A_2, %shift_right_arithmetic3A_3 : vector<320000xi32>
    %mul3A = arith.constant 52429 : i32
    %mul3A_5 = vector.broadcast %mul3A : i32 to vector<320000xi32>
    %mul3A_6 = arith.muli %shift_right_arithmetic3A_4, %mul3A_5 : vector<320000xi32>
    %shift_right_arithmetic3A_7 = arith.constant 18 : i32
    %shift_right_arithmetic3A_8 = vector.broadcast %shift_right_arithmetic3A_7 : i32 to vector<320000xi32>
    %shift_right_arithmetic3A_9 = arith.shrsi %mul3A_6, %shift_right_arithmetic3A_8 : vector<320000xi32>
    %mul3A_10 = arith.constant 1280 : i32
    %mul3A_11 = vector.broadcast %mul3A_10 : i32 to vector<320000xi32>
    %mul3A_12 = arith.muli %shift_right_arithmetic3A_9, %mul3A_11 : vector<320000xi32>
    %sub3A = arith.subi %get3A_2, %mul3A_12 : vector<320000xi32>
    %mul3A_13 = arith.constant 8 : i32
    %mul3A_14 = vector.broadcast %mul3A_13 : i32 to vector<320000xi32>
    %mul3A_15 = arith.muli %mul3A_14, %sub3A : vector<320000xi32>
    %add3A = arith.addi %mul3A_15, %shift_right_arithmetic3A_9 : vector<320000xi32>
    %swap3A = arith.constant 0 : index
    %swap3A_16 = vector.load %arg1[%swap3A] : memref<327680xi32, #tpu.memory_space<vmem>>, vector<320000xi32>
    tpu.vector_store %arg1[%swap3A], %add3A {strides = array<i32>} : memref<327680xi32, #tpu.memory_space<vmem>>, vector<320000xi32>,
    %broadcast_in_dim3A = arith.constant 8327 : i32
    %broadcast_in_dim3A_17 = vector.broadcast %broadcast_in_dim3A : i32 to vector<7680xi32>
    %swap3A_18 = arith.constant 320000 : index
    %swap3A_19 = vector.load %arg1[%swap3A_18] : memref<327680xi32, #tpu.memory_space<vmem>>, vector<7680xi32>
    tpu.vector_store %arg1[%swap3A_18], %broadcast_in_dim3A_17 {strides = array<i32>} : memref<327680xi32, #tpu.memory_space<vmem>>, vector<7680xi32>,
    %get3A_20 = arith.constant 1 : index
    %get3A_21 = arith.constant 0 : index
    %get3A_22 = vector.load %arg0[%get3A_20, %get3A_21] : memref<2x320000xi32, #tpu.memory_space<vmem>>, vector<1x320000xi32>
    %get3A_23 = vector.shape_cast %get3A_22 : vector<1x320000xi32> to vector<320000xi32>
    %shift_right_arithmetic3A_24 = arith.constant 8 : i32
    %shift_right_arithmetic3A_25 = vector.broadcast %shift_right_arithmetic3A_24 : i32 to vector<320000xi32>
    %shift_right_arithmetic3A_26 = arith.shrsi %get3A_23, %shift_right_arithmetic3A_25 : vector<320000xi32>
    %mul3A_27 = arith.constant 52429 : i32
    %mul3A_28 = vector.broadcast %mul3A_27 : i32 to vector<320000xi32>
    %mul3A_29 = arith.muli %shift_right_arithmetic3A_26, %mul3A_28 : vector<320000xi32>
    %shift_right_arithmetic3A_30 = arith.constant 18 : i32
    %shift_right_arithmetic3A_31 = vector.broadcast %shift_right_arithmetic3A_30 : i32 to vector<320000xi32>
    %shift_right_arithmetic3A_32 = arith.shrsi %mul3A_29, %shift_right_arithmetic3A_31 : vector<320000xi32>
    %mul3A_33 = arith.constant 1280 : i32
    %mul3A_34 = vector.broadcast %mul3A_33 : i32 to vector<320000xi32>
    %mul3A_35 = arith.muli %shift_right_arithmetic3A_32, %mul3A_34 : vector<320000xi32>
    %sub3A_36 = arith.subi %get3A_23, %mul3A_35 : vector<320000xi32>
    %mul3A_37 = arith.constant 8 : i32
    %mul3A_38 = vector.broadcast %mul3A_37 : i32 to vector<320000xi32>
    %mul3A_39 = arith.muli %mul3A_38, %sub3A_36 : vector<320000xi32>
    %add3A_40 = arith.addi %mul3A_39, %shift_right_arithmetic3A_32 : vector<320000xi32>
    %swap3A_41 = arith.constant 0 : index
    %swap3A_42 = vector.load %arg2[%swap3A_41] : memref<327680xi32, #tpu.memory_space<vmem>>, vector<320000xi32>
    tpu.vector_store %arg2[%swap3A_41], %add3A_40 {strides = array<i32>} : memref<327680xi32, #tpu.memory_space<vmem>>, vector<320000xi32>,
    %broadcast_in_dim3A_43 = arith.constant 8327 : i32
    %broadcast_in_dim3A_44 = vector.broadcast %broadcast_in_dim3A_43 : i32 to vector<7680xi32>
    %swap3A_45 = arith.constant 320000 : index
    %swap3A_46 = vector.load %arg2[%swap3A_45] : memref<327680xi32, #tpu.memory_space<vmem>>, vector<7680xi32>
    tpu.vector_store %arg2[%swap3A_45], %broadcast_in_dim3A_44 {strides = array<i32>} : memref<327680xi32, #tpu.memory_space<vmem>>, vector<7680xi32>,
    return
  }
}

module attributes {stable_mosaic.version = 14 : i64} {
  func.func @_tc1_body(%arg0: i32, %arg1: memref<256x128xf32, #tpu.memory_space<vmem>>, %arg2: memref<256x128xf32, #tpu.memory_space<vmem>>, %arg3: memref<256x128xf32, #tpu.memory_space<vmem>>, %arg4: memref<256x128xf32, #tpu.memory_space<vmem>>, %arg5: memref<256x128xf32, #tpu.memory_space<vmem>>, %arg6: memref<256x128xf32, #tpu.memory_space<vmem>>, %arg7: memref<256x128xf32, #tpu.memory_space<vmem>>, %arg8: memref<256x128xf32, #tpu.memory_space<vmem>>, %arg9: memref<256x128xf32, #tpu.memory_space<vmem>>, %arg10: memref<256x128xf32, #tpu.memory_space<vmem>>, %arg11: memref<1024x128xf32, #tpu.memory_space<vmem>>, %arg12: memref<256x128xf32, #tpu.memory_space<vmem>>, %arg13: memref<256x128xf32, #tpu.memory_space<vmem>>) attributes {dimension_semantics = [#tpu.dimension_semantics<arbitrary>], iteration_bounds = array<i64: 5>, scalar_prefetch = 0 : i64, scratch_operands = 0 : i64, tpu.core_type = #tpu.core_type<tc>, window_params = [{transform_indices = @transform_0, window_bounds = array<i64: 256, 128>}, {transform_indices = @transform_1, window_bounds = array<i64: 256, 128>}, {transform_indices = @transform_2, window_bounds = array<i64: 256, 128>}, {transform_indices = @transform_3, window_bounds = array<i64: 256, 128>}, {transform_indices = @transform_4, window_bounds = array<i64: 256, 128>}, {transform_indices = @transform_5, window_bounds = array<i64: 256, 128>}, {transform_indices = @transform_6, window_bounds = array<i64: 256, 128>}, {transform_indices = @transform_7, window_bounds = array<i64: 256, 128>}, {transform_indices = @transform_8, window_bounds = array<i64: 256, 128>}, {transform_indices = @transform_9, window_bounds = array<i64: 256, 128>}, {pipeline_mode = #tpu.pipeline_mode<synchronous>, transform_indices = @transform_10, window_bounds = array<i64: 1024, 128>}, {transform_indices = @transform_11, window_bounds = array<i64: 256, 128>}, {transform_indices = @transform_12, window_bounds = array<i64: 256, 128>}]} {
    %get3A = arith.constant 0 : index
    %get3A_0 = arith.constant 0 : index
    %get3A_1 = vector.load %arg1[%get3A, %get3A_0] : memref<256x128xf32, #tpu.memory_space<vmem>>, vector<256x128xf32>
    %get3A_2 = arith.constant 0 : index
    %get3A_3 = arith.constant 0 : index
    %get3A_4 = vector.load %arg2[%get3A_2, %get3A_3] : memref<256x128xf32, #tpu.memory_space<vmem>>, vector<256x128xf32>
    %add3A = arith.addf %get3A_1, %get3A_4 : vector<256x128xf32>
    %add3A_5 = arith.constant 1.000000e+00 : f32
    %add3A_6 = vector.broadcast %add3A_5 : f32 to vector<256x128xf32>
    %add3A_7 = arith.addf %add3A, %add3A_6 : vector<256x128xf32>
    %rsqrt3A = math.rsqrt %add3A_7 : vector<256x128xf32>
    %get3A_8 = arith.constant 0 : index
    %get3A_9 = arith.constant 0 : index
    %get3A_10 = vector.load %arg3[%get3A_8, %get3A_9] : memref<256x128xf32, #tpu.memory_space<vmem>>, vector<256x128xf32>
    %get3A_11 = arith.constant 0 : index
    %get3A_12 = arith.constant 0 : index
    %get3A_13 = vector.load %arg4[%get3A_11, %get3A_12] : memref<256x128xf32, #tpu.memory_space<vmem>>, vector<256x128xf32>
    %get3A_14 = arith.constant 0 : index
    %get3A_15 = arith.constant 0 : index
    %get3A_16 = vector.load %arg5[%get3A_14, %get3A_15] : memref<256x128xf32, #tpu.memory_space<vmem>>, vector<256x128xf32>
    %get3A_17 = arith.constant 0 : index
    %get3A_18 = arith.constant 0 : index
    %get3A_19 = vector.load %arg6[%get3A_17, %get3A_18] : memref<256x128xf32, #tpu.memory_space<vmem>>, vector<256x128xf32>
    %get3A_20 = arith.constant 0 : index
    %get3A_21 = arith.constant 0 : index
    %get3A_22 = vector.load %arg7[%get3A_20, %get3A_21] : memref<256x128xf32, #tpu.memory_space<vmem>>, vector<256x128xf32>
    %get3A_23 = arith.constant 0 : index
    %get3A_24 = arith.constant 0 : index
    %get3A_25 = vector.load %arg8[%get3A_23, %get3A_24] : memref<256x128xf32, #tpu.memory_space<vmem>>, vector<256x128xf32>
    %get3A_26 = arith.constant 0 : index
    %get3A_27 = arith.constant 0 : index
    %get3A_28 = vector.load %arg9[%get3A_26, %get3A_27] : memref<256x128xf32, #tpu.memory_space<vmem>>, vector<256x128xf32>
    %get3A_29 = arith.constant 0 : index
    %get3A_30 = arith.constant 0 : index
    %get3A_31 = vector.load %arg10[%get3A_29, %get3A_30] : memref<256x128xf32, #tpu.memory_space<vmem>>, vector<256x128xf32>
    %concatenate3A = tpu.concatenate %get3A_10, %get3A_13, %get3A_16, %get3A_19, %get3A_22, %get3A_25, %get3A_28, %get3A_31 in 1 : vector<256x128xf32>, vector<256x128xf32>, vector<256x128xf32>, vector<256x128xf32>, vector<256x128xf32>, vector<256x128xf32>, vector<256x128xf32>, vector<256x128xf32> -> vector<256x1024xf32>
    %iota3A = tpu.iota {dimensions = array<i32: 0>} : vector<256x1024xi32>
    %mul3A = arith.constant 256 : i32
    %mul3A_32 = arith.muli %arg0, %mul3A : i32
    %add3A_33 = vector.broadcast %mul3A_32 : i32 to vector<256x1024xi32>
    %add3A_34 = arith.addi %iota3A, %add3A_33 : vector<256x1024xi32>
    %iota3A_35 = tpu.iota {dimensions = array<i32: 1>} : vector<256x1024xi32>
    %ge3A = arith.constant 896 : i32
    %ge3A_36 = vector.broadcast %ge3A : i32 to vector<256x1024xi32>
    %ge3A_37 = arith.cmpi sge, %iota3A_35, %ge3A_36 : vector<256x1024xi32>
    %ge3A_38 = arith.constant 1040 : i32
    %ge3A_39 = vector.broadcast %ge3A_38 : i32 to vector<256x1024xi32>
    %ge3A_40 = arith.cmpi sge, %add3A_34, %ge3A_39 : vector<256x1024xi32>
    %and3A = arith.andi %ge3A_37, %ge3A_40 : vector<256x1024xi1>
    %jit3A = arith.constant 0.000000e+00 : f32
    %broadcast_in_dim3A = vector.broadcast %jit3A : f32 to vector<256x1024xf32>
    %select_n3A = arith.select %and3A, %broadcast_in_dim3A, %concatenate3A : vector<256x1024xi1>, vector<256x1024xf32>
    %get3A_41 = arith.constant 0 : index
    %get3A_42 = arith.constant 0 : index
    %get3A_43 = vector.load %arg11[%get3A_41, %get3A_42] : memref<1024x128xf32, #tpu.memory_space<vmem>>, vector<1024x128xf32>
    %dot_general3A = arith.constant dense<0.000000e+00> : vector<256x128xf32>
    %dot_general3A_44 = tpu.matmul %select_n3A, %get3A_43, %dot_general3A {dimension_numbers = #tpu.dot_dimension_numbers<[1], [0], [0], [1], [0, 0, 1, 1], [], []>, transpose_lhs_hint = false} : vector<256x1024xf32>, vector<1024x128xf32>, vector<256x128xf32> -> vector<256x128xf32>
    %mul3A_45 = arith.mulf %dot_general3A_44, %rsqrt3A : vector<256x128xf32>
    %swap3A = arith.constant 0 : index
    %swap3A_46 = arith.constant 0 : index
    %swap3A_47 = vector.load %arg12[%swap3A, %swap3A_46] : memref<256x128xf32, #tpu.memory_space<vmem>>, vector<256x128xf32>
    tpu.vector_store %arg12[%swap3A, %swap3A_46], %mul3A_45 {strides = array<i32>} : memref<256x128xf32, #tpu.memory_space<vmem>>, vector<256x128xf32>,
    %swap3A_48 = arith.constant 0 : index
    %swap3A_49 = arith.constant 0 : index
    %swap3A_50 = vector.load %arg13[%swap3A_48, %swap3A_49] : memref<256x128xf32, #tpu.memory_space<vmem>>, vector<256x128xf32>
    tpu.vector_store %arg13[%swap3A_48, %swap3A_49], %rsqrt3A {strides = array<i32>} : memref<256x128xf32, #tpu.memory_space<vmem>>, vector<256x128xf32>,
    return
  }
  func.func @transform_0(%arg0: i32) -> (i32, i32) {
    %c0_i32 = arith.constant 0 : i32
    %c0_i32_0 = arith.constant 0 : i32
    return %arg0, %c0_i32 : i32, i32
  }
  func.func @transform_1(%arg0: i32) -> (i32, i32) {
    %add3A = arith.constant 5 : i32
    %add3A_0 = arith.addi %arg0, %add3A : i32
    %c0_i32 = arith.constant 0 : i32
    %c0_i32_1 = arith.constant 0 : i32
    return %add3A_0, %c0_i32 : i32, i32
  }
  func.func @transform_2(%arg0: i32) -> (i32, i32) {
    %add3A = arith.constant 0 : i32
    %add3A_0 = arith.addi %arg0, %add3A : i32
    %c0_i32 = arith.constant 0 : i32
    %c0_i32_1 = arith.constant 0 : i32
    return %add3A_0, %c0_i32 : i32, i32
  }
  func.func @transform_3(%arg0: i32) -> (i32, i32) {
    %add3A = arith.constant 5 : i32
    %add3A_0 = arith.addi %arg0, %add3A : i32
    %c0_i32 = arith.constant 0 : i32
    %c0_i32_1 = arith.constant 0 : i32
    return %add3A_0, %c0_i32 : i32, i32
  }
  func.func @transform_4(%arg0: i32) -> (i32, i32) {
    %add3A = arith.constant 10 : i32
    %add3A_0 = arith.addi %arg0, %add3A : i32
    %c0_i32 = arith.constant 0 : i32
    %c0_i32_1 = arith.constant 0 : i32
    return %add3A_0, %c0_i32 : i32, i32
  }
  func.func @transform_5(%arg0: i32) -> (i32, i32) {
    %add3A = arith.constant 15 : i32
    %add3A_0 = arith.addi %arg0, %add3A : i32
    %c0_i32 = arith.constant 0 : i32
    %c0_i32_1 = arith.constant 0 : i32
    return %add3A_0, %c0_i32 : i32, i32
  }
  func.func @transform_6(%arg0: i32) -> (i32, i32) {
    %add3A = arith.constant 20 : i32
    %add3A_0 = arith.addi %arg0, %add3A : i32
    %c0_i32 = arith.constant 0 : i32
    %c0_i32_1 = arith.constant 0 : i32
    return %add3A_0, %c0_i32 : i32, i32
  }
  func.func @transform_7(%arg0: i32) -> (i32, i32) {
    %add3A = arith.constant 25 : i32
    %add3A_0 = arith.addi %arg0, %add3A : i32
    %c0_i32 = arith.constant 0 : i32
    %c0_i32_1 = arith.constant 0 : i32
    return %add3A_0, %c0_i32 : i32, i32
  }
  func.func @transform_8(%arg0: i32) -> (i32, i32) {
    %add3A = arith.constant 30 : i32
    %add3A_0 = arith.addi %arg0, %add3A : i32
    %c0_i32 = arith.constant 0 : i32
    %c0_i32_1 = arith.constant 0 : i32
    return %add3A_0, %c0_i32 : i32, i32
  }
  func.func @transform_9(%arg0: i32) -> (i32, i32) {
    %add3A = arith.constant 35 : i32
    %add3A_0 = arith.addi %arg0, %add3A : i32
    %c0_i32 = arith.constant 0 : i32
    %c0_i32_1 = arith.constant 0 : i32
    return %add3A_0, %c0_i32 : i32, i32
  }
  func.func @transform_10(%arg0: i32) -> (i32, i32) {
    %c0_i32 = arith.constant 0 : i32
    %c0_i32_0 = arith.constant 0 : i32
    %c0_i32_1 = arith.constant 0 : i32
    return %c0_i32, %c0_i32_0 : i32, i32
  }
  func.func @transform_11(%arg0: i32) -> (i32, i32) {
    %c0_i32 = arith.constant 0 : i32
    %c0_i32_0 = arith.constant 0 : i32
    return %arg0, %c0_i32 : i32, i32
  }
  func.func @transform_12(%arg0: i32) -> (i32, i32) {
    %c0_i32 = arith.constant 0 : i32
    %c0_i32_0 = arith.constant 0 : i32
    return %arg0, %c0_i32 : i32, i32
  }
}

module attributes {stable_mosaic.version = 14 : i64} {
  func.func @_tc2_body(%arg0: i32, %arg1: memref<256x128xf32, #tpu.memory_space<vmem>>, %arg2: memref<256x128xf32, #tpu.memory_space<vmem>>, %arg3: memref<256x128xf32, #tpu.memory_space<vmem>>, %arg4: memref<256x128xf32, #tpu.memory_space<vmem>>, %arg5: memref<1x128xf32, #tpu.memory_space<vmem>>, %arg6: memref<128x128xf32, #tpu.memory_space<vmem>>, %arg7: memref<256x128xf32, #tpu.memory_space<vmem>>) attributes {dimension_semantics = [#tpu.dimension_semantics<arbitrary>], iteration_bounds = array<i64: 5>, scalar_prefetch = 0 : i64, scratch_operands = 0 : i64, tpu.core_type = #tpu.core_type<tc>, window_params = [{transform_indices = @transform_0, window_bounds = array<i64: 256, 128>}, {transform_indices = @transform_1, window_bounds = array<i64: 256, 128>}, {transform_indices = @transform_2, window_bounds = array<i64: 256, 128>}, {transform_indices = @transform_3, window_bounds = array<i64: 256, 128>}, {pipeline_mode = #tpu.pipeline_mode<synchronous>, transform_indices = @transform_4, window_bounds = array<i64: 1, 128>}, {pipeline_mode = #tpu.pipeline_mode<synchronous>, transform_indices = @transform_5, window_bounds = array<i64: 128, 128>}, {transform_indices = @transform_6, window_bounds = array<i64: 256, 128>}]} {
    %get3A = arith.constant 0 : index
    %get3A_0 = arith.constant 0 : index
    %get3A_1 = vector.load %arg4[%get3A, %get3A_0] : memref<256x128xf32, #tpu.memory_space<vmem>>, vector<256x128xf32>
    %get3A_2 = arith.constant 0 : index
    %get3A_3 = arith.constant 0 : index
    %get3A_4 = vector.load %arg1[%get3A_2, %get3A_3] : memref<256x128xf32, #tpu.memory_space<vmem>>, vector<256x128xf32>
    %get3A_5 = arith.constant 0 : index
    %get3A_6 = arith.constant 0 : index
    %get3A_7 = vector.load %arg2[%get3A_5, %get3A_6] : memref<256x128xf32, #tpu.memory_space<vmem>>, vector<256x128xf32>
    %add3A = arith.addf %get3A_4, %get3A_7 : vector<256x128xf32>
    %get3A_8 = arith.constant 0 : index
    %get3A_9 = arith.constant 0 : index
    %get3A_10 = vector.load %arg3[%get3A_8, %get3A_9] : memref<256x128xf32, #tpu.memory_space<vmem>>, vector<256x128xf32>
    %add3A_11 = arith.addf %add3A, %get3A_10 : vector<256x128xf32>
    %mul3A = arith.mulf %get3A_1, %add3A_11 : vector<256x128xf32>
    %get3A_12 = arith.constant 0 : index
    %get3A_13 = arith.constant 0 : index
    %get3A_14 = vector.load %arg5[%get3A_12, %get3A_13] : memref<1x128xf32, #tpu.memory_space<vmem>>, vector<1x128xf32>
    %add3A_15 = vector.broadcast %get3A_14 : vector<1x128xf32> to vector<256x128xf32>
    %add3A_16 = arith.addf %mul3A, %add3A_15 : vector<256x128xf32>
    %max3A = arith.constant 0.000000e+00 : f32
    %max3A_17 = vector.broadcast %max3A : f32 to vector<256x128xf32>
    %max3A_18 = arith.maximumf %add3A_16, %max3A_17 : vector<256x128xf32>
    %get3A_19 = arith.constant 0 : index
    %get3A_20 = arith.constant 0 : index
    %get3A_21 = vector.load %arg6[%get3A_19, %get3A_20] : memref<128x128xf32, #tpu.memory_space<vmem>>, vector<128x128xf32>
    %dot_general3A = arith.constant dense<0.000000e+00> : vector<256x128xf32>
    %dot_general3A_22 = tpu.matmul %max3A_18, %get3A_21, %dot_general3A {dimension_numbers = #tpu.dot_dimension_numbers<[1], [0], [0], [1], [0, 0, 1, 1], [], []>, transpose_lhs_hint = false} : vector<256x128xf32>, vector<128x128xf32>, vector<256x128xf32> -> vector<256x128xf32>
    %mul3A_23 = arith.mulf %dot_general3A_22, %get3A_1 : vector<256x128xf32>
    %swap3A = arith.constant 0 : index
    %swap3A_24 = arith.constant 0 : index
    %swap3A_25 = vector.load %arg7[%swap3A, %swap3A_24] : memref<256x128xf32, #tpu.memory_space<vmem>>, vector<256x128xf32>
    tpu.vector_store %arg7[%swap3A, %swap3A_24], %mul3A_23 {strides = array<i32>} : memref<256x128xf32, #tpu.memory_space<vmem>>, vector<256x128xf32>,
    return
  }
  func.func @transform_0(%arg0: i32) -> (i32, i32) {
    %c0_i32 = arith.constant 0 : i32
    %c0_i32_0 = arith.constant 0 : i32
    return %arg0, %c0_i32 : i32, i32
  }
  func.func @transform_1(%arg0: i32) -> (i32, i32) {
    %add3A = arith.constant 5 : i32
    %add3A_0 = arith.addi %arg0, %add3A : i32
    %c0_i32 = arith.constant 0 : i32
    %c0_i32_1 = arith.constant 0 : i32
    return %add3A_0, %c0_i32 : i32, i32
  }
  func.func @transform_2(%arg0: i32) -> (i32, i32) {
    %c0_i32 = arith.constant 0 : i32
    %c0_i32_0 = arith.constant 0 : i32
    return %arg0, %c0_i32 : i32, i32
  }
  func.func @transform_3(%arg0: i32) -> (i32, i32) {
    %c0_i32 = arith.constant 0 : i32
    %c0_i32_0 = arith.constant 0 : i32
    return %arg0, %c0_i32 : i32, i32
  }
  func.func @transform_4(%arg0: i32) -> (i32, i32) {
    %c0_i32 = arith.constant 0 : i32
    %c0_i32_0 = arith.constant 0 : i32
    %c0_i32_1 = arith.constant 0 : i32
    return %c0_i32, %c0_i32_0 : i32, i32
  }
  func.func @transform_5(%arg0: i32) -> (i32, i32) {
    %c0_i32 = arith.constant 0 : i32
    %c0_i32_0 = arith.constant 0 : i32
    %c0_i32_1 = arith.constant 0 : i32
    return %c0_i32, %c0_i32_0 : i32, i32
  }
  func.func @transform_6(%arg0: i32) -> (i32, i32) {
    %c0_i32 = arith.constant 0 : i32
    %c0_i32_0 = arith.constant 0 : i32
    return %arg0, %c0_i32 : i32, i32
  }
}

module attributes {stable_mosaic.version = 14 : i64} {
  func.func @_tc3_body(%arg0: i32, %arg1: memref<256x128xf32, #tpu.memory_space<vmem>>, %arg2: memref<256x128xf32, #tpu.memory_space<vmem>>, %arg3: memref<256x128xf32, #tpu.memory_space<vmem>>, %arg4: memref<256x128xf32, #tpu.memory_space<vmem>>, %arg5: memref<1x128xf32, #tpu.memory_space<vmem>>, %arg6: memref<128x128xf32, #tpu.memory_space<vmem>>, %arg7: memref<256x128xf32, #tpu.memory_space<vmem>>) attributes {dimension_semantics = [#tpu.dimension_semantics<arbitrary>], iteration_bounds = array<i64: 5>, scalar_prefetch = 0 : i64, scratch_operands = 0 : i64, tpu.core_type = #tpu.core_type<tc>, window_params = [{transform_indices = @transform_0, window_bounds = array<i64: 256, 128>}, {transform_indices = @transform_1, window_bounds = array<i64: 256, 128>}, {transform_indices = @transform_2, window_bounds = array<i64: 256, 128>}, {transform_indices = @transform_3, window_bounds = array<i64: 256, 128>}, {pipeline_mode = #tpu.pipeline_mode<synchronous>, transform_indices = @transform_4, window_bounds = array<i64: 1, 128>}, {pipeline_mode = #tpu.pipeline_mode<synchronous>, transform_indices = @transform_5, window_bounds = array<i64: 128, 128>}, {transform_indices = @transform_6, window_bounds = array<i64: 256, 128>}]} {
    %get3A = arith.constant 0 : index
    %get3A_0 = arith.constant 0 : index
    %get3A_1 = vector.load %arg4[%get3A, %get3A_0] : memref<256x128xf32, #tpu.memory_space<vmem>>, vector<256x128xf32>
    %get3A_2 = arith.constant 0 : index
    %get3A_3 = arith.constant 0 : index
    %get3A_4 = vector.load %arg1[%get3A_2, %get3A_3] : memref<256x128xf32, #tpu.memory_space<vmem>>, vector<256x128xf32>
    %get3A_5 = arith.constant 0 : index
    %get3A_6 = arith.constant 0 : index
    %get3A_7 = vector.load %arg2[%get3A_5, %get3A_6] : memref<256x128xf32, #tpu.memory_space<vmem>>, vector<256x128xf32>
    %add3A = arith.addf %get3A_4, %get3A_7 : vector<256x128xf32>
    %get3A_8 = arith.constant 0 : index
    %get3A_9 = arith.constant 0 : index
    %get3A_10 = vector.load %arg3[%get3A_8, %get3A_9] : memref<256x128xf32, #tpu.memory_space<vmem>>, vector<256x128xf32>
    %add3A_11 = arith.addf %add3A, %get3A_10 : vector<256x128xf32>
    %mul3A = arith.mulf %get3A_1, %add3A_11 : vector<256x128xf32>
    %get3A_12 = arith.constant 0 : index
    %get3A_13 = arith.constant 0 : index
    %get3A_14 = vector.load %arg5[%get3A_12, %get3A_13] : memref<1x128xf32, #tpu.memory_space<vmem>>, vector<1x128xf32>
    %add3A_15 = vector.broadcast %get3A_14 : vector<1x128xf32> to vector<256x128xf32>
    %add3A_16 = arith.addf %mul3A, %add3A_15 : vector<256x128xf32>
    %reduce_max3A = arith.constant dense<0xFF800000> : vector<256xf32>
    %reduce_max3A_17 = vector.multi_reduction <maximumf>, %add3A_16, %reduce_max3A [1] : vector<256x128xf32> to vector<256xf32>
    %broadcast_in_dim3A = vector.shape_cast %reduce_max3A_17 : vector<256xf32> to vector<256x1xf32>
    %sub3A = vector.broadcast %broadcast_in_dim3A : vector<256x1xf32> to vector<256x128xf32>
    %sub3A_18 = arith.subf %add3A_16, %sub3A : vector<256x128xf32>
    %exp3A = math.exp %sub3A_18 : vector<256x128xf32>
    %get3A_19 = arith.constant 0 : index
    %get3A_20 = arith.constant 0 : index
    %get3A_21 = vector.load %arg6[%get3A_19, %get3A_20] : memref<128x128xf32, #tpu.memory_space<vmem>>, vector<128x128xf32>
    %dot_general3A = arith.constant dense<0.000000e+00> : vector<256x128xf32>
    %dot_general3A_22 = tpu.matmul %exp3A, %get3A_21, %dot_general3A {dimension_numbers = #tpu.dot_dimension_numbers<[1], [0], [0], [1], [0, 0, 1, 1], [], []>, transpose_lhs_hint = false} : vector<256x128xf32>, vector<128x128xf32>, vector<256x128xf32> -> vector<256x128xf32>
    %sub3A_23 = vector.broadcast %broadcast_in_dim3A : vector<256x1xf32> to vector<256x128xf32>
    %sub3A_24 = arith.subf %add3A_16, %sub3A_23 : vector<256x128xf32>
    %log3A = math.log %dot_general3A_22 : vector<256x128xf32>
    %sub3A_25 = arith.subf %sub3A_24, %log3A : vector<256x128xf32>
    %swap3A = arith.constant 0 : index
    %swap3A_26 = arith.constant 0 : index
    %swap3A_27 = vector.load %arg7[%swap3A, %swap3A_26] : memref<256x128xf32, #tpu.memory_space<vmem>>, vector<256x128xf32>
    tpu.vector_store %arg7[%swap3A, %swap3A_26], %sub3A_25 {strides = array<i32>} : memref<256x128xf32, #tpu.memory_space<vmem>>, vector<256x128xf32>,
    return
  }
  func.func @transform_0(%arg0: i32) -> (i32, i32) {
    %c0_i32 = arith.constant 0 : i32
    %c0_i32_0 = arith.constant 0 : i32
    return %arg0, %c0_i32 : i32, i32
  }
  func.func @transform_1(%arg0: i32) -> (i32, i32) {
    %add3A = arith.constant 5 : i32
    %add3A_0 = arith.addi %arg0, %add3A : i32
    %c0_i32 = arith.constant 0 : i32
    %c0_i32_1 = arith.constant 0 : i32
    return %add3A_0, %c0_i32 : i32, i32
  }
  func.func @transform_2(%arg0: i32) -> (i32, i32) {
    %c0_i32 = arith.constant 0 : i32
    %c0_i32_0 = arith.constant 0 : i32
    return %arg0, %c0_i32 : i32, i32
  }
  func.func @transform_3(%arg0: i32) -> (i32, i32) {
    %c0_i32 = arith.constant 0 : i32
    %c0_i32_0 = arith.constant 0 : i32
    return %arg0, %c0_i32 : i32, i32
  }
  func.func @transform_4(%arg0: i32) -> (i32, i32) {
    %c0_i32 = arith.constant 0 : i32
    %c0_i32_0 = arith.constant 0 : i32
    %c0_i32_1 = arith.constant 0 : i32
    return %c0_i32, %c0_i32_0 : i32, i32
  }
  func.func @transform_5(%arg0: i32) -> (i32, i32) {
    %c0_i32 = arith.constant 0 : i32
    %c0_i32_0 = arith.constant 0 : i32
    %c0_i32_1 = arith.constant 0 : i32
    return %c0_i32, %c0_i32_0 : i32, i32
  }
  func.func @transform_6(%arg0: i32) -> (i32, i32) {
    %c0_i32 = arith.constant 0 : i32
    %c0_i32_0 = arith.constant 0 : i32
    return %arg0, %c0_i32 : i32, i32
  }
}

</mosaic_0001>

<sc_bundles>
// kernel: kernel.12.cloned.1.call-start
scs
__scs_entry_jumppad:
0x0: {  	(pc) =	sbr.rel $0x88, $3  }
0x1: {  	(tag) =	ssettag $0x0;
	lr =	simm.s32 $0x1  }
0x2: {  	[smem:$0x3F9B] =	sst lr;
	_ =	strace $0xD0000000  }
0x3: {  	_ = 	snop  }
0x4: {  	_ = 	snop  }
0x5: {  	_ = 	snop  }
0x6: {  	_ = 	snop  }
0x7: {  	_ = 	snop  }
__scs_overlays_trampoline_lowered:
0x8: {  	[smem:$0x3FAA] =	sst s0  }
0x9: {  	[smem:$0x3FAB] =	sst s1  }
0xa: {  	[smem:$0x3FAC] =	sst s2  }
0xb: {  	[smem:$0x3FAD] =	sst s3  }
0xc: {  	[smem:$0x3FAE] =	sst s4  }
0xd: {  	[smem:$0x3FAF] =	sst s5  }
0xe: {  	[smem:$0x3FB0] =	sst s6  }
0xf: {  	[smem:$0x3FB1] =	sst s7  }
0x10: {  	[smem:$0x3FB2] =	sst s8  }
0x11: {  	[smem:$0x3FB3] =	sst s9;
	s0 =	simm.s32 @!p0 $0x0  }
0x12: {  	s1 =	sld [smem:$0x3F99];
	s0 =	simm.s32 @p0 $0x1  }
0x13: {  	[smem:$0x3FB4] =	sst s0;
	s0 =	simm.s32 @!p1 $0x0  }
0x14: {  	s2 =	sld [smem:$0x3F98];
	s0 =	simm.s32 @p1 $0x1  }
0x15: {  	[smem:$0x3FB5] =	sst s0;
	s0 =	simm.s32 @!p2 $0x0  }
0x16: {  	s3 =	sld [smem:$0x3FDB];
	s0 =	simm.s32 @p2 $0x1  }
0x17: {  	s4 =	simm.s32 $0x1BF5;
	[smem:$0x3FB7] =	sst s0  }
0x18: {  	s0 =	sld [smem:$0x3F9A];
	_ =	swait.ge [sflag:s4], $0x0  }
0x19: {  	s7 =	sld [smem:$0x3F9B]  }
0x1a: {  	s8 =	sadd.s32 $0xFFFFE003, lr  }
0x1b: {  	s9 =	sadd.s32 $0xFFFFFEF7, lr;
	s5 =	simm.s32 $0xFFFFFFFF;
	p2 =	slt.u32 s8, $0xFFFFF086  }
0x1c: {  	p1 =	slt.u32 s9, $0xF7A;
	s5 =	simm.s32 @!p2 $0x0  }
0x1d: {  	s5 =	simm.s32 @p1 $0x1;
	p0 =	seq.s32 s7, s2  }
0x1e: {  	s7 =	smul.u32 @!p0 $0xF7A, s2;
	p2 =	seq.s32 @!p0 s5, $0x0  }
0x1f: {  	s9 =	smul.u32 $0xF7A, s1;
	s8 =	simm.s32 @!p0 $0x1BF5;
	p2 =	por !p2, p0  }
0x20: {  	[sflag:s8] =	ssyncset.s32 @!p0 $0xFFFFF086;
	s6 =	sadd.s32 @!p0 s3, s7;
	s7 =	simm.s32 @!p0 $0x108  }
0x21: {  	s3 =	sadd.s32 s3, s9;
	s6 =	sadd.s32 @!p0 $0x88, s6;
	s7 =	simm.s32 @p2 $0x1082  }
0x22: {  	[simem:s7], [sflag:s8] =	dma.local @!p0 [hbm:s6], $0xF7A  }
0x23: {  	s9 =	sor.u32 $0xD0000000, s2;
	s6 =	simm.s32 $0x108;
	_ =	swait.ge @!p0 [sflag:s8], $0x0  }
0x24: {  	s3 =	sadd.s32 $0x88, s3;
	s6 =	simm.s32 @!p1 $0x1082;
	[sflag:s4] =	ssyncset.s32 $0xFFFFF086  }
0x25: {  	[simem:s6], [sflag:s4] =	dma.local [hbm:s3], $0xF7A  }
0x26: {  	[smem:$0x3F9B] =	sst s1;
	(tag) =	ssettag s2;
	_ =	strace s9  }
0x27: {  	s1 =	sld [smem:$0x3FAB]  }
0x28: {  	s2 =	sld [smem:$0x3FAC]  }
0x29: {  	s4 =	sld [smem:$0x3FAE]  }
0x2a: {  	p0 =	seq.s32 s5, $0x0;
	s5 =	sld [smem:$0x3FAF]  }
0x2b: {  	s6 =	sld [smem:$0x3FB0]  }
0x2c: {  	s7 =	sld [smem:$0x3FB1]  }
0x2d: {  	s3 =	simm.s32 $0x108;
	s8 =	sld [smem:$0x3FB2]  }
0x2e: {  	s3 =	simm.s32 @!p0 $0x1082;
	s9 =	sld [smem:$0x3FB3]  }
0x2f: {  	lr =	sadd.s32 s0, s3;
	s0 =	sld [smem:$0x3FAA]  }
0x30: {  	s3 =	sld [smem:$0x3FAD]  }
0x31: {  	[smem:$0x3FB6] =	sst s10  }
0x32: {  	s10 =	sld [smem:$0x3FB4];
	_ =	sdelay $0x3  }
0x33: {  	p0 =	seq.s32 s10, $0x1;
	s10 =	sld [smem:$0x3FB6];
	_ =	sdelay $0x3  }
0x34: {  	[smem:$0x3FB6] =	sst s10  }
0x35: {  	s10 =	sld [smem:$0x3FB5];
	_ =	sdelay $0x3  }
0x36: {  	p1 =	seq.s32 s10, $0x1;
	s10 =	sld [smem:$0x3FB6];
	_ =	sdelay $0x3  }
0x37: {  	[smem:$0x3FB6] =	sst s10  }
0x38: {  	s10 =	sld [smem:$0x3FB7]  }
0x39: {  	_ = 	snop;
	(pc) =	sbr.ind lr, $3  }
0x3a: {  	_ = 	snop  }
0x3b: {  	_ = 	snop  }
0x3c: {  	p2 =	seq.s32 s10, $0x1;
	s10 =	sld [smem:$0x3FB6]  }
0x3d: {  	_ =	shalt  }
0x3e: {  	_ =	shalt  }
0x3f: {  	_ =	shalt  }
0x40: {  	_ =	shalt  }
0x41: {  	_ =	shalt  }
0x42: {  	_ =	shalt  }
0x43: {  	_ =	shalt  }
0x44: {  	_ =	shalt  }
0x45: {  	_ =	shalt  }
0x46: {  	_ =	shalt  }
0x47: {  	_ =	shalt  }
0x48: {  	_ =	shalt  }
0x49: {  	_ =	shalt  }
0x4a: {  	_ =	shalt  }
0x4b: {  	_ =	shalt  }
0x4c: {  	_ =	shalt  }
0x4d: {  	_ =	shalt  }
0x4e: {  	_ =	shalt  }
0x4f: {  	_ =	shalt  }
0x50: {  	_ =	shalt  }
0x51: {  	_ =	shalt  }
0x52: {  	_ =	shalt  }
0x53: {  	_ =	shalt  }
0x54: {  	_ =	shalt  }
0x55: {  	_ =	shalt  }
0x56: {  	_ =	shalt  }
0x57: {  	_ =	shalt  }
0x58: {  	_ =	shalt  }
0x59: {  	_ =	shalt  }
0x5a: {  	_ =	shalt  }
0x5b: {  	_ =	shalt  }
0x5c: {  	_ =	shalt  }
0x5d: {  	_ =	shalt  }
0x5e: {  	_ =	shalt  }
0x5f: {  	_ =	shalt  }
0x60: {  	_ =	shalt  }
0x61: {  	_ =	shalt  }
0x62: {  	_ =	shalt  }
0x63: {  	_ =	shalt  }
0x64: {  	_ =	shalt  }
0x65: {  	_ =	shalt  }
0x66: {  	_ =	shalt  }
0x67: {  	_ =	shalt  }
0x68: {  	_ =	shalt  }
0x69: {  	_ =	shalt  }
0x6a: {  	_ =	shalt  }
0x6b: {  	_ =	shalt  }
0x6c: {  	_ =	shalt  }
0x6d: {  	_ =	shalt  }
0x6e: {  	_ =	shalt  }
0x6f: {  	_ =	shalt  }
0x70: {  	_ =	shalt  }
0x71: {  	_ =	shalt  }
0x72: {  	_ =	shalt  }
0x73: {  	_ =	shalt  }
0x74: {  	_ =	shalt  }
0x75: {  	_ =	shalt  }
0x76: {  	_ =	shalt  }
0x77: {  	_ =	shalt  }
0x78: {  	_ =	shalt  }
0x79: {  	_ =	shalt  }
0x7a: {  	_ =	shalt  }
0x7b: {  	_ =	shalt  }
0x7c: {  	_ =	shalt  }
0x7d: {  	_ =	shalt  }
0x7e: {  	_ =	shalt  }
0x7f: {  	_ =	shalt  }
0x80: {  	_ =	shalt  }
0x81: {  	_ =	shalt  }
0x82: {  	_ =	shalt  }
0x83: {  	_ =	shalt  }
0x84: {  	_ =	shalt  }
0x85: {  	_ =	shalt  }
0x86: {  	_ =	shalt  }
0x87: {  	_ =	shalt  }
.Lfunc_end0:
.L_simem_size_0:
called_computation.1_lowered:
.L_overlay_start_0:
0x88: {  	s2 =	sld [smem:$0x3FD9]  }
0x89: {  	s3 =	sld [smem:$0x3FFE];
	_ =	sdelay $0x1  }
0x8a: {  	s1 =	srdreg.scid  }
0x8b: {  	s0 =	sand.u32 $0x1, s1  }
0x8c: {  	s16 =	sshll.u32 s0, $0xA;
	s2 =	sadd.s32 s3, s2  }
0x8d: {  	s2 =	sadd.s32 s2, s16  }
0x8e: {  	[smem:$0x3FC2] =	sst s2  }
0x8f: {  	_ = 	snop  }
0x90: {  	(tm) =	ssettm $0x1  }
0x91: {  	s17 =	sld [smem:$0x3FFB];
	_ =	sdelay $0x3  }
0x92: {  	_ =	strace s17  }
0x93: {  	s2 =	sld [smem:$0x3FFC];
	_ =	sdelay $0x3  }
0x94: {  	_ =	strace s2  }
0x95: {  	s2 =	sld [smem:$0x3FFD];
	_ =	sdelay $0x3  }
0x96: {  	_ =	strace s2  }
0x97: {  	_ =	strace $0x8FFFFFFF  }
0x98: {  	s18 =	sld [smem:$0x3FDB];
	_ =	sdelay $0x1  }
0x99: {  	s19 =	simm.s32 $_scs_section_size  }
0x9a: {  	s4 =	simm.s32 $_size__tile_overlayer_lowered;
	s5 =	simm.s32 $_tile_overlayer_lowered  }
0x9b: {  	s22 =	simm.s32 $0x1BFF;
	s21 =	sshll.u32 s5, $0x1;
	s2 =	sadd.s32 s19, s18  }
0x9c: {  	s6 =	simm.s32 $0x0;
	s20 =	sshll.u32 s4, $0x1;
	s4 =	sadd.s32 s21, s2  }
0x9d: {  	[timem:s6], [sflag:s22] =	dma.local [hbm:s4], s20  }
0x9e: {  	_ =	swait.ge [sflag:s22], s20  }
0x9f: {  	s3 =	ssub.s32 $0x0, s20;
	[sflag:s22] =	ssyncset.done $0x0  }
0xa0: {  	[sflag:s22] =	ssyncadd.s32 s3;
	_ =	sdelay $0x1  }
0xa1: {  	s23 =	simm.s32 $0x1B8B  }
0xa2: {  	_ =	swait.ge [sflag:s23], $0x1  }
0xa3: {  	[sflag:s23] =	ssyncset.done $0x0  }
0xa4: {  	s25 =	simm.s32 $0x1B8E;
	s24 =	sld [smem:$0x3FFE];
	[sflag:s23] =	ssyncadd.s32 $0xFFFFFFFF  }
0xa5: {  	s26 =	simm.s32 $execute0_lowered;
	[smem:$0x3FD2] =	sst s25  }
0xa6: {  	s4 =	sshll.u32 s26, $0x1;
	_ =	strace $0x80000049;
	[dreg:$0x1] =	wrdreg $0xFFFFFFFF  }
0xa7: {  	s28 =	simm.s32 $_size_execute0_lowered;
	s2 =	sadd.s32 s2, s4;
	[dreg:$0x0] =	wrdreg $0x0  }
0xa8: {  	s4 =	sshll.u32 s28, $0x1;
	[dreg:$0x2] =	wrdreg s2  }
0xa9: {  	[dreg:$0x3] =	wrdreg s4  }
0xaa: {  	[dreg:$0x4] =	wrdreg $0xC0  }
0xab: {  	_ =	task [dreg:s6], $0x5FFFF  }
0xac: {  	[dreg:$0x1] =	wrdreg $0xFFFFFFFF  }
0xad: {  	[dreg:$0x0] =	wrdreg $0x60  }
0xae: {  	[dreg:$0x2] =	wrdreg s24  }
0xaf: {  	[dreg:$0x3] =	wrdreg $0x28000  }
0xb0: {  	[dreg:$0x4] =	wrdreg $0x0  }
0xb1: {  	[dreg:$0x5] =	wrdreg $0x9  }
0xb2: {  	_ =	task.clear_ibuf [dreg:s6], $0x6FFFF;
	_ =	strace $0x90000049  }
0xb3: {  	s29 =	simm.s32 $0x9;
	_ =	strace $0x8000004B  }
0xb4: {  	_ =	swait.ge [sflag:s29], $0x1  }
0xb5: {  	[sflag:s29] =	ssyncadd.s32 $0xFFFFFFFF  }
0xb6: {  	_ =	strace $0x9000004B  }
0xb7: {  	_ =	sfence  }
0xb8: {  	s30 =	sld [smem:$0x0];
	_ =	sdelay $0x2  }
0xb9: {  	s31 =	sshll.u32 s1, $0xD;
	s1 =	sshrl.u32 s1, $0x2  }
0xba: {  	s3 =	sand.u32 $0x4000, s31;
	s1 =	sadd.s32 s1, s30  }
0xbb: {  	s0 =	sor.u32 s3, s0;
	s1 =	sshll.u32 s1, $0x11  }
0xbc: {  	s0 =	sor.u32 s1, s0  }
0xbd: {  	s0 =	sadd.s32 $0x8F2B, s0  }
0xbe: {  	[sflag:s0] =	ssyncadd.remote.s32 $0x1  }
0xbf: {  	_ =	sfence.sel $0xFFFF  }
0xc0: {  	[dreg:$0x0] =	wrdreg $0xFFFFFFFF;
	(pc) =	sbr.abs _section_cstart, $3  }
0xc1: {  	[dreg:$0x1] =	wrdreg $0xFFFFFFFF  }
0xc2: {  	_ =	task.clear_ibuf [dreg:s6], $0x2FFFF;
	_ =	strace $0x9FFFFFFF  }
0xc3: {  	(tm) =	ssettm $0x7FFFFFFF  }
tec
execute0_lowered:
.L_overlay_start_1:
0x0: {  	(tag) =	ssettag $0x1  }
0x1: {  	s0 =	rddreg [dreg:$0x0]  }
0x2: {  	s2 =	rddreg [dreg:$0x1]  }
0x3: {  	s3 =	rddreg [dreg:$0x2];
	s8 =	stileid.u32  }
0x4: {  	s4 =	srdreg.scid;
	s6 =	simm.s32 $0x0;
	s18 =	simm.s32 $0x60  }
0x5: {  	s20 =	simm.s32 $0x3;
	s21 =	simm.s32 $0xF000;
	s1 =	smul.u32 $0x2800, s8  }
0x6: {  	s22 =	simm.s32 $0x80;
	s4 =	sand.u32 $0x1, s4;
	s5 =	smul.u32 $0x500, s8  }
0x7: {  	[smem:$0x7FF] =	sst s6;
	s10 =	sadd.s32 $0xD000, s0;
	s11 =	sadd.s32 $0x3000, s0  }
0x8: {  	s29 =	sshll.u32 s8, $0x6;
	s30 =	sshll.u32 s8, $0xA;
	s12 =	smul.u32 $0x600, s8  }
0x9: {  	s25 =	smul.u32 $0x5000, s4;
	_ =	strace $0x8000004A;
	s26 =	ssub.s32 $0x2, s4  }
0xa: {  	p0 =	seq.s32 s4, $0x0;
	s6 =	sor.u32 $0x1C03, s29;
	s9 =	sadd.s32 $0x6000, s30  }
0xb: {  	s7 =	sshrl.u32 s1, $0x3;
	s28 =	sshrl.u32 s26, $0x1;
	s18 =	simm.s32 @!p0 $0x40  }
0xc: {  	s19 =	sadd.s32 s1, s2;
	s8 =	sadd.s32 s10, s9;
	s9 =	sadd.s32 s11, s9  }
0xd: {  	s10 =	sadd.s32 s10, s12;
	s11 =	sadd.s32 s11, s12;
	p0 =	sne.s32 s4, $0x0  }
0xe: {  	s7 =	sadd.s32 s7, s0;
	s5 =	sadd.s32 s5, s25;
	s13 =	ssub.s32 s26, s28  }
0xf: {  	s31 =	sshll.u32 s18, $0x7;
	s18 =	sshll.u32 s18, $0xD;
	s19 =	sshrl.u32 s19, $0x3  }
0x10: {  	s25 =	simm.s32 $0x2;
	s26 =	simm.s32 $0x0;
	s0 =	sadd.s32 s5, s0  }
0x11: {  	s5 =	sadd.s32 $0x17000, s7;
	s7 =	sadd.s32 s1, s3;
	s13 =	smax.u32 s13, $0x1  }
0x12: {  	s14 =	sadd.s32 $0x7E00, s31;
	s15 =	sadd.s32 $0x7E80, s31;
	s16 =	sadd.s32 $0x7F00, s31  }
0x13: {  	v0 =	vimm.f32 $0.0e+00;
	s17 =	sadd.s32 $0x7F80, s31;
	s12 =	sadd.s32 $0x1C000, s0;
	s0 =	simm.s32 $0x1  }
.LBB2_1:
0x14: {  	[spmem:s19], [sflag:s6] =	dma.local [hbm:s5], $0x500  }
0x15: {  	_ =	swait.ge [sflag:s20], $0x500  }
0x16: {  	[sflag:s20] =	ssyncset.done $0x0  }
0x17: {  	s1 =	simm.s32 $0x40;
	s4 =	simm.s32 $0x0;
	[sflag:s20] =	ssyncadd.s32 $0xFFFFFB00  }
.LBB2_2:
0x18: {  	p1 =	sne.s32 s1, $0x9FC0;
	[tilespmem:s4+$0xF000] =	vst v0;
	s4 =	smov.u32 s1;
	s1 =	sadd.s32 $0x40, s1  }
.Ltmp0:
0x19: {  	(pc) =	sbr.rel @p1 .LBB2_2-.Ltmp0, $2  }
0x1a: {  	_ =	sdelay $0x2  }
0x1b: {  	s4 =	sshra.s32 s4, $0x2  }
0x1c: {  	[tilespmem:s4+$0xF000] =	vst v0  }
0x1d: {  	[spmem:s7] =	stream.linear.scatter [tilespmem:s21], [sflag:$0x3], $0x2800, $0x38;
	[tilespmem:$0x11800] =	vst v63  }
0x1e: {  	_ =	swait.ge [sflag:s20], $0x2800  }
0x1f: {  	[sflag:s20] =	ssyncset.done $0x0  }
0x20: {  	s1 =	simm.s32 @p0 $0x0;
	s4 =	simm.s32 @p0 $0x5000;
	[sflag:s20] =	ssyncadd.s32 $0xFFFFD800  }
0x21: {  	[tilespmem:s4], [sflag:$0x3] =	stream.linear.gather @p0 [hbm4b:s8+s1], $0x2000, $0x38;
	[tilespmem:$0x11800] =	vst v63  }
0x22: {  	s4 =	simm.s32 @p0 $0x3  }
0x23: {  	_ =	swait.ge @p0 [sflag:s4], $0x2000  }
0x24: {  	[sflag:s4] =	ssyncset.done @p0 $0x0  }
0x25: {  	s28 =	simm.s32 @p0 $0x8000;
	[sflag:s4] =	ssyncadd.s32 @p0 $0xFFFFE000  }
0x26: {  	[tilespmem:s28], [sflag:$0x3] =	stream.linear.gather @p0 [hbm4b:s9+s1], $0x2000, $0x38;
	[tilespmem:$0x11800] =	vst v63  }
0x27: {  	_ =	swait.ge @p0 [sflag:s4], $0x2000  }
0x28: {  	[sflag:s4] =	ssyncset.done @p0 $0x0  }
0x29: {  	s1 =	simm.s32 @!p0 $0x0;
	[sflag:s4] =	ssyncadd.s32 @p0 $0xFFFFE000;
	s4 =	simm.s32 @!p0 $0x5000  }
0x2a: {  	[tilespmem:s4], [sflag:$0x3] =	stream.linear.gather @!p0 [hbm4b:s10+s1], $0x3000, $0x38;
	[tilespmem:$0x11800] =	vst v63  }
0x2b: {  	s4 =	simm.s32 @!p0 $0x3  }
0x2c: {  	_ =	swait.ge @!p0 [sflag:s4], $0x3000  }
0x2d: {  	[sflag:s4] =	ssyncset.done @!p0 $0x0  }
0x2e: {  	s28 =	simm.s32 @!p0 $0x8000;
	[sflag:s4] =	ssyncadd.s32 @!p0 $0xFFFFD000  }
0x2f: {  	[tilespmem:s28], [sflag:$0x3] =	stream.linear.gather @!p0 [hbm4b:s11+s1], $0x3000, $0x38;
	[tilespmem:$0x11800] =	vst v63  }
0x30: {  	_ =	swait.ge @!p0 [sflag:s4], $0x3000  }
0x31: {  	[sflag:s4] =	ssyncset.done @!p0 $0x0  }
0x32: {  	[sflag:s4] =	ssyncadd.s32 @!p0 $0xFFFFD000  }
0x33: {  	s23 =	simm.s32 $0x5000;
	s24 =	simm.s32 $0xB000;
	[bflag:$0x0] =	sbarrier.arrive $0xFFFF  }
0x34: {  	[tilespmem:s24], [sflag:$0x1] =	stream.indirect.gather [spmem:s2], $0x10, s23, s22, $0xb8;
	[tilespmem:$0x11800] =	vst v63  }
0x35: {  	s29 =	simm.s32 $0x8000;
	s23 =	simm.s32 $0x5080;
	s24 =	simm.s32 $0xB800  }
0x36: {  	[tilespmem:s24], [sflag:$0x1] =	stream.indirect.gather [spmem:s2], $0x10, s23, s22, $0xb8;
	[tilespmem:$0x11800] =	vst v63  }
0x37: {  	p2 =	por $0x1, $0x1;
	s23 =	simm.s32 $0x5100;
	s24 =	simm.s32 $0xC000  }
0x38: {  	[tilespmem:s24], [sflag:$0x1] =	stream.indirect.gather [spmem:s2], $0x10, s23, s22, $0xb8;
	[tilespmem:$0x11800] =	vst v63  }
0x39: {  	s30 =	sand.u32 @!p2 $0xE000, s29;
	s4 =	simm.s32 $0x5180;
	s23 =	simm.s32 $0xC800  }
0x3a: {  	[tilespmem:s23], [sflag:$0x1] =	stream.indirect.gather [spmem:s2], $0x10, s4, s22, $0xb8;
	[tilespmem:$0x11800] =	vst v63  }
0x3b: {  	p1 =	sne.s32 s18, $0xA000;
	s30 =	smov.u32 @p2 s29;
	s4 =	simm.s32 @!p2 $0x2  }
0x3c: {  	s31 =	simm.s32 $0x0;
	s30 =	sshra.s32 s30, $0x2;
	_ =	swait.ge @!p2 [sflag:s4], $0x800  }
0x3d: {  	s28 =	simm.s32 $0xA000;
	s24 =	simm.s32 $0x5200;
	[sflag:s4] =	ssyncset.done @!p2 $0x0  }
.Ltmp1:
0x3e: {  	s23 =	sadd.s32 $0xB000, s30;
	[sflag:s4] =	ssyncadd.s32 @!p2 $0xFFFFF800;
	(pc) =	sbr.rel @!p1 .LBB2_5-.Ltmp1, $4  }
0x3f: {  	[tilespmem:s23], [sflag:$0x1] =	stream.indirect.gather [spmem:s2], $0x10, s24, s22, $0xb8;
	[tilespmem:$0x11800] =	vst v63  }
0x40: {  	s30 =	simm.s32 $0x8080;
	s24 =	sand.u32 $0xE000, s31;
	_ =	swait.ge [sflag:s0], $0x800  }
0x41: {  	s31 =	simm.s32 $0x5280;
	s1 =	sshrl.u32 s24, $0x2;
	[sflag:s0] =	ssyncset.done $0x0  }
0x42: {  	s4 =	sadd.s32 $0xB000, s1;
	s1 =	simm.s32 $0x5;
	[sflag:s0] =	ssyncadd.s32 $0xFFFFF800  }
.LBB2_4:
0x43: {  	[spmem:s3] =	stream.indirect.scatter.add.f32 [tilespmem:s4], [sflag:$0x2], $0x10, s29, s22, $0xb8;
	[tilespmem:$0x11800] =	vst v63  }
0x44: {  	p2 =	slt.u32 s1, $0x8;
	s4 =	smov.u32 s28;
	s28 =	sadd.s32 $0x2000, s28  }
0x45: {  	s23 =	simm.s32 @!p2 $0x2;
	s24 =	sand.u32 @!p2 $0xE000, s4;
	p1 =	sne.s32 s18, s28  }
0x46: {  	s29 =	smov.u32 s30;
	s24 =	smov.u32 @p2 s4;
	_ =	swait.ge @!p2 [sflag:s23], $0x800  }
0x47: {  	s4 =	sadd.s32 $0xFFFF8000, s4;
	s24 =	sshra.s32 s24, $0x2;
	[sflag:s23] =	ssyncset.done @!p2 $0x0  }
.Ltmp2:
0x48: {  	[sflag:s23] =	ssyncadd.s32 @!p2 $0xFFFFF800;
	s23 =	sadd.s32 $0xB000, s24;
	(pc) =	sbr.rel @p1 .LBB2_4-.Ltmp2, $4  }
0x49: {  	[tilespmem:s23], [sflag:$0x1] =	stream.indirect.gather [spmem:s2], $0x10, s31, s22, $0xb8;
	[tilespmem:$0x11800] =	vst v63  }
0x4a: {  	s30 =	sadd.s32 $0x80, s30;
	s4 =	sand.u32 $0xE000, s4;
	_ =	swait.ge [sflag:s0], $0x800  }
0x4b: {  	s4 =	sshrl.u32 s4, $0x2;
	s31 =	sadd.s32 $0x80, s31;
	[sflag:s0] =	ssyncset.done $0x0  }
0x4c: {  	s1 =	sadd.s32 $0x1, s1;
	s4 =	sadd.s32 $0xB000, s4;
	[sflag:s0] =	ssyncadd.s32 $0xFFFFF800  }
.LBB2_5:
0x4d: {  	[spmem:s3] =	stream.indirect.scatter.add.f32 [tilespmem:s4], [sflag:$0x2], $0x10, s29, s22, $0xb8;
	[tilespmem:$0x11800] =	vst v63  }
0x4e: {  	_ =	swait.ge [sflag:s0], $0x800  }
0x4f: {  	[sflag:s0] =	ssyncset.done $0x0  }
0x50: {  	s1 =	simm.s32 $0xD000;
	[sflag:s0] =	ssyncadd.s32 $0xFFFFF800  }
0x51: {  	[spmem:s3] =	stream.indirect.scatter.add.f32 [tilespmem:s1], [sflag:$0x2], $0x10, s14, s22, $0xb8;
	[tilespmem:$0x11800] =	vst v63  }
0x52: {  	_ =	swait.ge [sflag:s0], $0x800  }
0x53: {  	[sflag:s0] =	ssyncset.done $0x0  }
0x54: {  	s28 =	simm.s32 $0xD800;
	[sflag:s0] =	ssyncadd.s32 $0xFFFFF800  }
0x55: {  	[spmem:s3] =	stream.indirect.scatter.add.f32 [tilespmem:s28], [sflag:$0x2], $0x10, s15, s22, $0xb8;
	[tilespmem:$0x11800] =	vst v63  }
0x56: {  	_ =	swait.ge [sflag:s0], $0x800  }
0x57: {  	[sflag:s0] =	ssyncset.done $0x0  }
0x58: {  	s29 =	simm.s32 $0xE000;
	[sflag:s0] =	ssyncadd.s32 $0xFFFFF800  }
0x59: {  	[spmem:s3] =	stream.indirect.scatter.add.f32 [tilespmem:s29], [sflag:$0x2], $0x10, s16, s22, $0xb8;
	[tilespmem:$0x11800] =	vst v63  }
0x5a: {  	_ =	swait.ge [sflag:s0], $0x800  }
0x5b: {  	[sflag:s0] =	ssyncset.done $0x0  }
0x5c: {  	s30 =	simm.s32 $0xE800;
	[sflag:s0] =	ssyncadd.s32 $0xFFFFF800  }
0x5d: {  	[spmem:s3] =	stream.indirect.scatter.add.f32 [tilespmem:s30], [sflag:$0x2], $0x10, s17, s22, $0xb8;
	[tilespmem:$0x11800] =	vst v63  }
0x5e: {  	_ =	swait.ge [sflag:s25], $0x800  }
0x5f: {  	[sflag:s25] =	ssyncset.done $0x0  }
0x60: {  	[sflag:s25] =	ssyncadd.s32 $0xFFFFF800  }
0x61: {  	_ =	swait.ge [sflag:s25], $0x800  }
0x62: {  	[sflag:s25] =	ssyncset.done $0x0  }
0x63: {  	[sflag:s25] =	ssyncadd.s32 $0xFFFFF800  }
0x64: {  	_ =	swait.ge [sflag:s25], $0x800  }
0x65: {  	[sflag:s25] =	ssyncset.done $0x0  }
0x66: {  	[sflag:s25] =	ssyncadd.s32 $0xFFFFF800  }
0x67: {  	_ =	swait.ge [sflag:s25], $0x800  }
0x68: {  	[sflag:s25] =	ssyncset.done $0x0  }
0x69: {  	[sflag:s25] =	ssyncadd.s32 $0xFFFFF800  }
0x6a: {  	_ =	swait.ge [sflag:s25], $0x800  }
0x6b: {  	[sflag:s25] =	ssyncset.done $0x0  }
0x6c: {  	[sflag:s25] =	ssyncadd.s32 $0xFFFFF800  }
0x6d: {  	_ =	swait.ge [sflag:s25], $0x800  }
0x6e: {  	[sflag:s25] =	ssyncset.done $0x0  }
0x6f: {  	[sflag:s25] =	ssyncadd.s32 $0xFFFFF800  }
0x70: {  	_ =	swait.ge [sflag:s25], $0x800  }
0x71: {  	[sflag:s25] =	ssyncset.done $0x0  }
0x72: {  	[sflag:s25] =	ssyncadd.s32 $0xFFFFF800  }
0x73: {  	_ =	swait.ge [sflag:s25], $0x800  }
0x74: {  	[sflag:s25] =	ssyncset.done $0x0  }
0x75: {  	[sflag:s25] =	ssyncadd.s32 $0xFFFFF800  }
0x76: {  	[bflag:$0x0] =	sbarrier.arrive $0xFFFF  }
0x77: {  	[tilespmem:s21], [sflag:$0x3] =	stream.linear.gather [spmem:s7], $0x2800, $0x38;
	[tilespmem:$0x11800] =	vst v63  }
0x78: {  	s26 =	sadd.s32 $0x1, s26;
	_ =	swait.ge [sflag:s20], $0x2800  }
0x79: {  	p1 =	sne.s32 s26, s13;
	[sflag:s20] =	ssyncset.done $0x0  }
.Ltmp3:
0x7a: {  	s31 =	simm.s32 $0x0;
	[sflag:s20] =	ssyncadd.s32 $0xFFFFD800;
	(pc) =	sbr.rel @p1 .LBB2_1-.Ltmp3, $4  }
0x7b: {  	[hbm4b:s12+s31] =	stream.linear.scatter [tilespmem:s21], [sflag:$0x3], $0x2800, $0x38;
	[tilespmem:$0x11800] =	vst v63  }
0x7c: {  	_ =	swait.ge [sflag:s20], $0x2800  }
0x7d: {  	[sflag:s20] =	ssyncset.done $0x0  }
0x7e: {  	[sflag:s20] =	ssyncadd.s32 $0xFFFFD800  }
0x7f: {  	_ =	sfence.sel $0x180000  }
0x80: {  	[bflag:$0x0] =	sbarrier.arrive $0xFFFF  }
0x81: {  	_ =	strace $0x9000004A  }
0x82: {  	s0 =	stileid.u32;
	[bflag:$0x2] =	sbarrier.arrive $0xFFFF  }
0x83: {  	p0 =	sne.s32 s0, $0x0;
	s0 =	rddreg [dreg:$0x3]  }
0x84: {  	s0 =	sadd.s32 @!p0 $0x100000, s0  }
0x85: {  	[sflag:s0] =	ssyncadd.tile.s32 @!p0 $0x1;
	_ =	shalt  }
.Lfunc_end2:
_tile_overlayer_lowered:
.L_overlay_start_2:
0x86: {  	(tag) =	ssettag $0x2  }
0x87: {  	s0 =	rddreg [dreg:$0x0];
	s2 =	stileid.u32  }
0x88: {  	s1 =	rddreg [dreg:$0x1];
	p0 =	sne.s32 s2, $0x0  }
0x89: {  	s3 =	rddreg [dreg:$0x2];
	[bflag:$0x3] =	sbarrier.arrive $0xFFFF;
	s2 =	simm.s32 @!p0 $0x1C03  }
0x8a: {  	[timem:s3], [sflag:s2] =	dma.local @!p0 [hbm:s0], s1  }
0x8b: {  	s0 =	simm.s32 @!p0 $0x3  }
0x8c: {  	_ =	swait.ge @!p0 [sflag:s0], s1  }
0x8d: {  	s1 =	ssub.s32 @!p0 $0x0, s1;
	[sflag:s0] =	ssyncset.done @!p0 $0x0  }
0x8e: {  	[sflag:s0] =	ssyncadd.s32 @!p0 s1  }
0x8f: {  	[bflag:$0x3] =	sbarrier.arrive $0xFFFF  }
0x90: {  	_ =	shalt  }

// kernel: kernel.15.cloned.1.call-start
scs
__scs_entry_jumppad:
0x0: {  	(pc) =	sbr.rel $0x88, $3  }
0x1: {  	(tag) =	ssettag $0x0;
	lr =	simm.s32 $0x1  }
0x2: {  	[smem:$0x3F9B] =	sst lr;
	_ =	strace $0xD0000000  }
0x3: {  	_ = 	snop  }
0x4: {  	_ = 	snop  }
0x5: {  	_ = 	snop  }
0x6: {  	_ = 	snop  }
0x7: {  	_ = 	snop  }
__scs_overlays_trampoline_lowered:
0x8: {  	[smem:$0x3FAA] =	sst s0  }
0x9: {  	[smem:$0x3FAB] =	sst s1  }
0xa: {  	[smem:$0x3FAC] =	sst s2  }
0xb: {  	[smem:$0x3FAD] =	sst s3  }
0xc: {  	[smem:$0x3FAE] =	sst s4  }
0xd: {  	[smem:$0x3FAF] =	sst s5  }
0xe: {  	[smem:$0x3FB0] =	sst s6  }
0xf: {  	[smem:$0x3FB1] =	sst s7  }
0x10: {  	[smem:$0x3FB2] =	sst s8  }
0x11: {  	[smem:$0x3FB3] =	sst s9;
	s0 =	simm.s32 @!p0 $0x0  }
0x12: {  	s1 =	sld [smem:$0x3F99];
	s0 =	simm.s32 @p0 $0x1  }
0x13: {  	[smem:$0x3FB4] =	sst s0;
	s0 =	simm.s32 @!p1 $0x0  }
0x14: {  	s2 =	sld [smem:$0x3F98];
	s0 =	simm.s32 @p1 $0x1  }
0x15: {  	[smem:$0x3FB5] =	sst s0;
	s0 =	simm.s32 @!p2 $0x0  }
0x16: {  	s3 =	sld [smem:$0x3FDB];
	s0 =	simm.s32 @p2 $0x1  }
0x17: {  	s4 =	simm.s32 $0x1BF5;
	[smem:$0x3FB7] =	sst s0  }
0x18: {  	s0 =	sld [smem:$0x3F9A];
	_ =	swait.ge [sflag:s4], $0x0  }
0x19: {  	s7 =	sld [smem:$0x3F9B]  }
0x1a: {  	s8 =	sadd.s32 $0xFFFFE003, lr  }
0x1b: {  	s9 =	sadd.s32 $0xFFFFFEF7, lr;
	s5 =	simm.s32 $0xFFFFFFFF;
	p2 =	slt.u32 s8, $0xFFFFF086  }
0x1c: {  	p1 =	slt.u32 s9, $0xF7A;
	s5 =	simm.s32 @!p2 $0x0  }
0x1d: {  	s5 =	simm.s32 @p1 $0x1;
	p0 =	seq.s32 s7, s2  }
0x1e: {  	s7 =	smul.u32 @!p0 $0xF7A, s2;
	p2 =	seq.s32 @!p0 s5, $0x0  }
0x1f: {  	s9 =	smul.u32 $0xF7A, s1;
	s8 =	simm.s32 @!p0 $0x1BF5;
	p2 =	por !p2, p0  }
0x20: {  	[sflag:s8] =	ssyncset.s32 @!p0 $0xFFFFF086;
	s6 =	sadd.s32 @!p0 s3, s7;
	s7 =	simm.s32 @!p0 $0x108  }
0x21: {  	s3 =	sadd.s32 s3, s9;
	s6 =	sadd.s32 @!p0 $0x88, s6;
	s7 =	simm.s32 @p2 $0x1082  }
0x22: {  	[simem:s7], [sflag:s8] =	dma.local @!p0 [hbm:s6], $0xF7A  }
0x23: {  	s9 =	sor.u32 $0xD0000000, s2;
	s6 =	simm.s32 $0x108;
	_ =	swait.ge @!p0 [sflag:s8], $0x0  }
0x24: {  	s3 =	sadd.s32 $0x88, s3;
	s6 =	simm.s32 @!p1 $0x1082;
	[sflag:s4] =	ssyncset.s32 $0xFFFFF086  }
0x25: {  	[simem:s6], [sflag:s4] =	dma.local [hbm:s3], $0xF7A  }
0x26: {  	[smem:$0x3F9B] =	sst s1;
	(tag) =	ssettag s2;
	_ =	strace s9  }
0x27: {  	s1 =	sld [smem:$0x3FAB]  }
0x28: {  	s2 =	sld [smem:$0x3FAC]  }
0x29: {  	s4 =	sld [smem:$0x3FAE]  }
0x2a: {  	p0 =	seq.s32 s5, $0x0;
	s5 =	sld [smem:$0x3FAF]  }
0x2b: {  	s6 =	sld [smem:$0x3FB0]  }
0x2c: {  	s7 =	sld [smem:$0x3FB1]  }
0x2d: {  	s3 =	simm.s32 $0x108;
	s8 =	sld [smem:$0x3FB2]  }
0x2e: {  	s3 =	simm.s32 @!p0 $0x1082;
	s9 =	sld [smem:$0x3FB3]  }
0x2f: {  	lr =	sadd.s32 s0, s3;
	s0 =	sld [smem:$0x3FAA]  }
0x30: {  	s3 =	sld [smem:$0x3FAD]  }
0x31: {  	[smem:$0x3FB6] =	sst s10  }
0x32: {  	s10 =	sld [smem:$0x3FB4];
	_ =	sdelay $0x3  }
0x33: {  	p0 =	seq.s32 s10, $0x1;
	s10 =	sld [smem:$0x3FB6];
	_ =	sdelay $0x3  }
0x34: {  	[smem:$0x3FB6] =	sst s10  }
0x35: {  	s10 =	sld [smem:$0x3FB5];
	_ =	sdelay $0x3  }
0x36: {  	p1 =	seq.s32 s10, $0x1;
	s10 =	sld [smem:$0x3FB6];
	_ =	sdelay $0x3  }
0x37: {  	[smem:$0x3FB6] =	sst s10  }
0x38: {  	s10 =	sld [smem:$0x3FB7]  }
0x39: {  	_ = 	snop;
	(pc) =	sbr.ind lr, $3  }
0x3a: {  	_ = 	snop  }
0x3b: {  	_ = 	snop  }
0x3c: {  	p2 =	seq.s32 s10, $0x1;
	s10 =	sld [smem:$0x3FB6]  }
0x3d: {  	_ =	shalt  }
0x3e: {  	_ =	shalt  }
0x3f: {  	_ =	shalt  }
0x40: {  	_ =	shalt  }
0x41: {  	_ =	shalt  }
0x42: {  	_ =	shalt  }
0x43: {  	_ =	shalt  }
0x44: {  	_ =	shalt  }
0x45: {  	_ =	shalt  }
0x46: {  	_ =	shalt  }
0x47: {  	_ =	shalt  }
0x48: {  	_ =	shalt  }
0x49: {  	_ =	shalt  }
0x4a: {  	_ =	shalt  }
0x4b: {  	_ =	shalt  }
0x4c: {  	_ =	shalt  }
0x4d: {  	_ =	shalt  }
0x4e: {  	_ =	shalt  }
0x4f: {  	_ =	shalt  }
0x50: {  	_ =	shalt  }
0x51: {  	_ =	shalt  }
0x52: {  	_ =	shalt  }
0x53: {  	_ =	shalt  }
0x54: {  	_ =	shalt  }
0x55: {  	_ =	shalt  }
0x56: {  	_ =	shalt  }
0x57: {  	_ =	shalt  }
0x58: {  	_ =	shalt  }
0x59: {  	_ =	shalt  }
0x5a: {  	_ =	shalt  }
0x5b: {  	_ =	shalt  }
0x5c: {  	_ =	shalt  }
0x5d: {  	_ =	shalt  }
0x5e: {  	_ =	shalt  }
0x5f: {  	_ =	shalt  }
0x60: {  	_ =	shalt  }
0x61: {  	_ =	shalt  }
0x62: {  	_ =	shalt  }
0x63: {  	_ =	shalt  }
0x64: {  	_ =	shalt  }
0x65: {  	_ =	shalt  }
0x66: {  	_ =	shalt  }
0x67: {  	_ =	shalt  }
0x68: {  	_ =	shalt  }
0x69: {  	_ =	shalt  }
0x6a: {  	_ =	shalt  }
0x6b: {  	_ =	shalt  }
0x6c: {  	_ =	shalt  }
0x6d: {  	_ =	shalt  }
0x6e: {  	_ =	shalt  }
0x6f: {  	_ =	shalt  }
0x70: {  	_ =	shalt  }
0x71: {  	_ =	shalt  }
0x72: {  	_ =	shalt  }
0x73: {  	_ =	shalt  }
0x74: {  	_ =	shalt  }
0x75: {  	_ =	shalt  }
0x76: {  	_ =	shalt  }
0x77: {  	_ =	shalt  }
0x78: {  	_ =	shalt  }
0x79: {  	_ =	shalt  }
0x7a: {  	_ =	shalt  }
0x7b: {  	_ =	shalt  }
0x7c: {  	_ =	shalt  }
0x7d: {  	_ =	shalt  }
0x7e: {  	_ =	shalt  }
0x7f: {  	_ =	shalt  }
0x80: {  	_ =	shalt  }
0x81: {  	_ =	shalt  }
0x82: {  	_ =	shalt  }
0x83: {  	_ =	shalt  }
0x84: {  	_ =	shalt  }
0x85: {  	_ =	shalt  }
0x86: {  	_ =	shalt  }
0x87: {  	_ =	shalt  }
.Lfunc_end0:
.L_simem_size_0:
called_computation.2_lowered:
.L_overlay_start_0:
0x88: {  	s2 =	sld [smem:$0x3FD9]  }
0x89: {  	s3 =	sld [smem:$0x3FFE];
	_ =	sdelay $0x1  }
0x8a: {  	s1 =	srdreg.scid  }
0x8b: {  	s0 =	sand.u32 $0x1, s1  }
0x8c: {  	s16 =	sshll.u32 s0, $0xA;
	s2 =	sadd.s32 s3, s2  }
0x8d: {  	s2 =	sadd.s32 s2, s16  }
0x8e: {  	[smem:$0x3FC2] =	sst s2  }
0x8f: {  	_ = 	snop  }
0x90: {  	(tm) =	ssettm $0x1  }
0x91: {  	s17 =	sld [smem:$0x3FFB];
	_ =	sdelay $0x3  }
0x92: {  	_ =	strace s17  }
0x93: {  	s2 =	sld [smem:$0x3FFC];
	_ =	sdelay $0x3  }
0x94: {  	_ =	strace s2  }
0x95: {  	s2 =	sld [smem:$0x3FFD];
	_ =	sdelay $0x3  }
0x96: {  	_ =	strace s2  }
0x97: {  	_ =	strace $0x8FFFFFFF  }
0x98: {  	s18 =	sld [smem:$0x3FDB];
	_ =	sdelay $0x1  }
0x99: {  	s19 =	simm.s32 $_scs_section_size  }
0x9a: {  	s4 =	simm.s32 $_size__tile_overlayer_lowered;
	s5 =	simm.s32 $_tile_overlayer_lowered  }
0x9b: {  	s22 =	simm.s32 $0x1BFF;
	s21 =	sshll.u32 s5, $0x1;
	s2 =	sadd.s32 s19, s18  }
0x9c: {  	s6 =	simm.s32 $0x0;
	s20 =	sshll.u32 s4, $0x1;
	s4 =	sadd.s32 s21, s2  }
0x9d: {  	[timem:s6], [sflag:s22] =	dma.local [hbm:s4], s20  }
0x9e: {  	_ =	swait.ge [sflag:s22], s20  }
0x9f: {  	s3 =	ssub.s32 $0x0, s20;
	[sflag:s22] =	ssyncset.done $0x0  }
0xa0: {  	[sflag:s22] =	ssyncadd.s32 s3;
	_ =	sdelay $0x1  }
0xa1: {  	s23 =	simm.s32 $0x1B8B  }
0xa2: {  	_ =	swait.ge [sflag:s23], $0x1  }
0xa3: {  	[sflag:s23] =	ssyncset.done $0x0  }
0xa4: {  	s25 =	simm.s32 $0x1B8E;
	s24 =	sld [smem:$0x3FFE];
	[sflag:s23] =	ssyncadd.s32 $0xFFFFFFFF  }
0xa5: {  	s26 =	simm.s32 $execute0_lowered;
	[smem:$0x3FD2] =	sst s25  }
0xa6: {  	s4 =	sshll.u32 s26, $0x1;
	_ =	strace $0x8000004C;
	[dreg:$0x1] =	wrdreg $0xFFFFFFFF  }
0xa7: {  	s28 =	simm.s32 $_size_execute0_lowered;
	s2 =	sadd.s32 s2, s4;
	[dreg:$0x0] =	wrdreg $0x0  }
0xa8: {  	s4 =	sshll.u32 s28, $0x1;
	[dreg:$0x2] =	wrdreg s2  }
0xa9: {  	[dreg:$0x3] =	wrdreg s4  }
0xaa: {  	[dreg:$0x4] =	wrdreg $0xC0  }
0xab: {  	_ =	task [dreg:s6], $0x5FFFF  }
0xac: {  	[dreg:$0x1] =	wrdreg $0xFFFFFFFF  }
0xad: {  	[dreg:$0x0] =	wrdreg $0x60  }
0xae: {  	[dreg:$0x2] =	wrdreg s24  }
0xaf: {  	[dreg:$0x3] =	wrdreg $0x28000  }
0xb0: {  	[dreg:$0x4] =	wrdreg $0x0  }
0xb1: {  	[dreg:$0x5] =	wrdreg $0x9  }
0xb2: {  	_ =	task.clear_ibuf [dreg:s6], $0x6FFFF;
	_ =	strace $0x9000004C  }
0xb3: {  	s29 =	simm.s32 $0x9;
	_ =	strace $0x8000004E  }
0xb4: {  	_ =	swait.ge [sflag:s29], $0x1  }
0xb5: {  	[sflag:s29] =	ssyncadd.s32 $0xFFFFFFFF  }
0xb6: {  	_ =	strace $0x9000004E  }
0xb7: {  	_ =	sfence  }
0xb8: {  	s30 =	sld [smem:$0x0];
	_ =	sdelay $0x2  }
0xb9: {  	s31 =	sshll.u32 s1, $0xD;
	s1 =	sshrl.u32 s1, $0x2  }
0xba: {  	s3 =	sand.u32 $0x4000, s31;
	s1 =	sadd.s32 s1, s30  }
0xbb: {  	s0 =	sor.u32 s3, s0;
	s1 =	sshll.u32 s1, $0x11  }
0xbc: {  	s0 =	sor.u32 s1, s0  }
0xbd: {  	s0 =	sadd.s32 $0x8F2B, s0  }
0xbe: {  	[sflag:s0] =	ssyncadd.remote.s32 $0x1  }
0xbf: {  	_ =	sfence.sel $0xFFFF  }
0xc0: {  	[dreg:$0x0] =	wrdreg $0xFFFFFFFF;
	(pc) =	sbr.abs _section_cstart, $3  }
0xc1: {  	[dreg:$0x1] =	wrdreg $0xFFFFFFFF  }
0xc2: {  	_ =	task.clear_ibuf [dreg:s6], $0x2FFFF;
	_ =	strace $0x9FFFFFFF  }
0xc3: {  	(tm) =	ssettm $0x7FFFFFFF  }
tec
execute0_lowered:
.L_overlay_start_1:
0x0: {  	(tag) =	ssettag $0x1  }
0x1: {  	s0 =	rddreg [dreg:$0x0]  }
0x2: {  	s2 =	rddreg [dreg:$0x1]  }
0x3: {  	s3 =	rddreg [dreg:$0x2];
	s8 =	stileid.u32  }
0x4: {  	s4 =	srdreg.scid;
	s6 =	simm.s32 $0x0;
	s18 =	simm.s32 $0x60  }
0x5: {  	s20 =	simm.s32 $0x3;
	s21 =	simm.s32 $0xF000;
	s1 =	smul.u32 $0x2800, s8  }
0x6: {  	s22 =	simm.s32 $0x80;
	s4 =	sand.u32 $0x1, s4;
	s5 =	smul.u32 $0x500, s8  }
0x7: {  	[smem:$0x7FF] =	sst s6;
	s10 =	sadd.s32 $0xD000, s0;
	s11 =	sadd.s32 $0x3000, s0  }
0x8: {  	s29 =	sshll.u32 s8, $0x6;
	s30 =	sshll.u32 s8, $0xA;
	s12 =	smul.u32 $0x600, s8  }
0x9: {  	s25 =	smul.u32 $0x5000, s4;
	_ =	strace $0x8000004D;
	s26 =	ssub.s32 $0x2, s4  }
0xa: {  	p0 =	seq.s32 s4, $0x0;
	s6 =	sor.u32 $0x1C03, s29;
	s9 =	sadd.s32 $0x6000, s30  }
0xb: {  	s7 =	sshrl.u32 s1, $0x3;
	s28 =	sshrl.u32 s26, $0x1;
	s18 =	simm.s32 @!p0 $0x40  }
0xc: {  	s19 =	sadd.s32 s1, s2;
	s8 =	sadd.s32 s10, s9;
	s9 =	sadd.s32 s11, s9  }
0xd: {  	s10 =	sadd.s32 s10, s12;
	s11 =	sadd.s32 s11, s12;
	p0 =	sne.s32 s4, $0x0  }
0xe: {  	s7 =	sadd.s32 s7, s0;
	s5 =	sadd.s32 s5, s25;
	s13 =	ssub.s32 s26, s28  }
0xf: {  	s31 =	sshll.u32 s18, $0x7;
	s18 =	sshll.u32 s18, $0xD;
	s19 =	sshrl.u32 s19, $0x3  }
0x10: {  	s25 =	simm.s32 $0x2;
	s26 =	simm.s32 $0x0;
	s0 =	sadd.s32 s5, s0  }
0x11: {  	s5 =	sadd.s32 $0x17000, s7;
	s7 =	sadd.s32 s1, s3;
	s13 =	smax.u32 s13, $0x1  }
0x12: {  	s14 =	sadd.s32 $0x7E00, s31;
	s15 =	sadd.s32 $0x7E80, s31;
	s16 =	sadd.s32 $0x7F00, s31  }
0x13: {  	v0 =	vimm.f32 $0.0e+00;
	s17 =	sadd.s32 $0x7F80, s31;
	s12 =	sadd.s32 $0x1C000, s0;
	s0 =	simm.s32 $0x1  }
.LBB2_1:
0x14: {  	[spmem:s19], [sflag:s6] =	dma.local [hbm:s5], $0x500  }
0x15: {  	_ =	swait.ge [sflag:s20], $0x500  }
0x16: {  	[sflag:s20] =	ssyncset.done $0x0  }
0x17: {  	s1 =	simm.s32 $0x40;
	s4 =	simm.s32 $0x0;
	[sflag:s20] =	ssyncadd.s32 $0xFFFFFB00  }
.LBB2_2:
0x18: {  	p1 =	sne.s32 s1, $0x9FC0;
	[tilespmem:s4+$0xF000] =	vst v0;
	s4 =	smov.u32 s1;
	s1 =	sadd.s32 $0x40, s1  }
.Ltmp0:
0x19: {  	(pc) =	sbr.rel @p1 .LBB2_2-.Ltmp0, $2  }
0x1a: {  	_ =	sdelay $0x2  }
0x1b: {  	s4 =	sshra.s32 s4, $0x2  }
0x1c: {  	[tilespmem:s4+$0xF000] =	vst v0  }
0x1d: {  	[spmem:s7] =	stream.linear.scatter [tilespmem:s21], [sflag:$0x3], $0x2800, $0x38;
	[tilespmem:$0x11800] =	vst v63  }
0x1e: {  	_ =	swait.ge [sflag:s20], $0x2800  }
0x1f: {  	[sflag:s20] =	ssyncset.done $0x0  }
0x20: {  	s1 =	simm.s32 @p0 $0x0;
	s4 =	simm.s32 @p0 $0x5000;
	[sflag:s20] =	ssyncadd.s32 $0xFFFFD800  }
0x21: {  	[tilespmem:s4], [sflag:$0x3] =	stream.linear.gather @p0 [hbm4b:s8+s1], $0x2000, $0x38;
	[tilespmem:$0x11800] =	vst v63  }
0x22: {  	s4 =	simm.s32 @p0 $0x3  }
0x23: {  	_ =	swait.ge @p0 [sflag:s4], $0x2000  }
0x24: {  	[sflag:s4] =	ssyncset.done @p0 $0x0  }
0x25: {  	s28 =	simm.s32 @p0 $0x8000;
	[sflag:s4] =	ssyncadd.s32 @p0 $0xFFFFE000  }
0x26: {  	[tilespmem:s28], [sflag:$0x3] =	stream.linear.gather @p0 [hbm4b:s9+s1], $0x2000, $0x38;
	[tilespmem:$0x11800] =	vst v63  }
0x27: {  	_ =	swait.ge @p0 [sflag:s4], $0x2000  }
0x28: {  	[sflag:s4] =	ssyncset.done @p0 $0x0  }
0x29: {  	s1 =	simm.s32 @!p0 $0x0;
	[sflag:s4] =	ssyncadd.s32 @p0 $0xFFFFE000;
	s4 =	simm.s32 @!p0 $0x5000  }
0x2a: {  	[tilespmem:s4], [sflag:$0x3] =	stream.linear.gather @!p0 [hbm4b:s10+s1], $0x3000, $0x38;
	[tilespmem:$0x11800] =	vst v63  }
0x2b: {  	s4 =	simm.s32 @!p0 $0x3  }
0x2c: {  	_ =	swait.ge @!p0 [sflag:s4], $0x3000  }
0x2d: {  	[sflag:s4] =	ssyncset.done @!p0 $0x0  }
0x2e: {  	s28 =	simm.s32 @!p0 $0x8000;
	[sflag:s4] =	ssyncadd.s32 @!p0 $0xFFFFD000  }
0x2f: {  	[tilespmem:s28], [sflag:$0x3] =	stream.linear.gather @!p0 [hbm4b:s11+s1], $0x3000, $0x38;
	[tilespmem:$0x11800] =	vst v63  }
0x30: {  	_ =	swait.ge @!p0 [sflag:s4], $0x3000  }
0x31: {  	[sflag:s4] =	ssyncset.done @!p0 $0x0  }
0x32: {  	[sflag:s4] =	ssyncadd.s32 @!p0 $0xFFFFD000  }
0x33: {  	s23 =	simm.s32 $0x5000;
	s24 =	simm.s32 $0xB000;
	[bflag:$0x0] =	sbarrier.arrive $0xFFFF  }
0x34: {  	[tilespmem:s24], [sflag:$0x1] =	stream.indirect.gather [spmem:s2], $0x10, s23, s22, $0xb8;
	[tilespmem:$0x11800] =	vst v63  }
0x35: {  	s29 =	simm.s32 $0x8000;
	s23 =	simm.s32 $0x5080;
	s24 =	simm.s32 $0xB800  }
0x36: {  	[tilespmem:s24], [sflag:$0x1] =	stream.indirect.gather [spmem:s2], $0x10, s23, s22, $0xb8;
	[tilespmem:$0x11800] =	vst v63  }
0x37: {  	p2 =	por $0x1, $0x1;
	s23 =	simm.s32 $0x5100;
	s24 =	simm.s32 $0xC000  }
0x38: {  	[tilespmem:s24], [sflag:$0x1] =	stream.indirect.gather [spmem:s2], $0x10, s23, s22, $0xb8;
	[tilespmem:$0x11800] =	vst v63  }
0x39: {  	s30 =	sand.u32 @!p2 $0xE000, s29;
	s4 =	simm.s32 $0x5180;
	s23 =	simm.s32 $0xC800  }
0x3a: {  	[tilespmem:s23], [sflag:$0x1] =	stream.indirect.gather [spmem:s2], $0x10, s4, s22, $0xb8;
	[tilespmem:$0x11800] =	vst v63  }
0x3b: {  	p1 =	sne.s32 s18, $0xA000;
	s30 =	smov.u32 @p2 s29;
	s4 =	simm.s32 @!p2 $0x2  }
0x3c: {  	s31 =	simm.s32 $0x0;
	s30 =	sshra.s32 s30, $0x2;
	_ =	swait.ge @!p2 [sflag:s4], $0x800  }
0x3d: {  	s28 =	simm.s32 $0xA000;
	s24 =	simm.s32 $0x5200;
	[sflag:s4] =	ssyncset.done @!p2 $0x0  }
.Ltmp1:
0x3e: {  	s23 =	sadd.s32 $0xB000, s30;
	[sflag:s4] =	ssyncadd.s32 @!p2 $0xFFFFF800;
	(pc) =	sbr.rel @!p1 .LBB2_5-.Ltmp1, $4  }
0x3f: {  	[tilespmem:s23], [sflag:$0x1] =	stream.indirect.gather [spmem:s2], $0x10, s24, s22, $0xb8;
	[tilespmem:$0x11800] =	vst v63  }
0x40: {  	s30 =	simm.s32 $0x8080;
	s24 =	sand.u32 $0xE000, s31;
	_ =	swait.ge [sflag:s0], $0x800  }
0x41: {  	s31 =	simm.s32 $0x5280;
	s1 =	sshrl.u32 s24, $0x2;
	[sflag:s0] =	ssyncset.done $0x0  }
0x42: {  	s4 =	sadd.s32 $0xB000, s1;
	s1 =	simm.s32 $0x5;
	[sflag:s0] =	ssyncadd.s32 $0xFFFFF800  }
.LBB2_4:
0x43: {  	[spmem:s3] =	stream.indirect.scatter.add.f32 [tilespmem:s4], [sflag:$0x2], $0x10, s29, s22, $0xb8;
	[tilespmem:$0x11800] =	vst v63  }
0x44: {  	p2 =	slt.u32 s1, $0x8;
	s4 =	smov.u32 s28;
	s28 =	sadd.s32 $0x2000, s28  }
0x45: {  	s23 =	simm.s32 @!p2 $0x2;
	s24 =	sand.u32 @!p2 $0xE000, s4;
	p1 =	sne.s32 s18, s28  }
0x46: {  	s29 =	smov.u32 s30;
	s24 =	smov.u32 @p2 s4;
	_ =	swait.ge @!p2 [sflag:s23], $0x800  }
0x47: {  	s4 =	sadd.s32 $0xFFFF8000, s4;
	s24 =	sshra.s32 s24, $0x2;
	[sflag:s23] =	ssyncset.done @!p2 $0x0  }
.Ltmp2:
0x48: {  	[sflag:s23] =	ssyncadd.s32 @!p2 $0xFFFFF800;
	s23 =	sadd.s32 $0xB000, s24;
	(pc) =	sbr.rel @p1 .LBB2_4-.Ltmp2, $4  }
0x49: {  	[tilespmem:s23], [sflag:$0x1] =	stream.indirect.gather [spmem:s2], $0x10, s31, s22, $0xb8;
	[tilespmem:$0x11800] =	vst v63  }
0x4a: {  	s30 =	sadd.s32 $0x80, s30;
	s4 =	sand.u32 $0xE000, s4;
	_ =	swait.ge [sflag:s0], $0x800  }
0x4b: {  	s4 =	sshrl.u32 s4, $0x2;
	s31 =	sadd.s32 $0x80, s31;
	[sflag:s0] =	ssyncset.done $0x0  }
0x4c: {  	s1 =	sadd.s32 $0x1, s1;
	s4 =	sadd.s32 $0xB000, s4;
	[sflag:s0] =	ssyncadd.s32 $0xFFFFF800  }
.LBB2_5:
0x4d: {  	[spmem:s3] =	stream.indirect.scatter.add.f32 [tilespmem:s4], [sflag:$0x2], $0x10, s29, s22, $0xb8;
	[tilespmem:$0x11800] =	vst v63  }
0x4e: {  	_ =	swait.ge [sflag:s0], $0x800  }
0x4f: {  	[sflag:s0] =	ssyncset.done $0x0  }
0x50: {  	s1 =	simm.s32 $0xD000;
	[sflag:s0] =	ssyncadd.s32 $0xFFFFF800  }
0x51: {  	[spmem:s3] =	stream.indirect.scatter.add.f32 [tilespmem:s1], [sflag:$0x2], $0x10, s14, s22, $0xb8;
	[tilespmem:$0x11800] =	vst v63  }
0x52: {  	_ =	swait.ge [sflag:s0], $0x800  }
0x53: {  	[sflag:s0] =	ssyncset.done $0x0  }
0x54: {  	s28 =	simm.s32 $0xD800;
	[sflag:s0] =	ssyncadd.s32 $0xFFFFF800  }
0x55: {  	[spmem:s3] =	stream.indirect.scatter.add.f32 [tilespmem:s28], [sflag:$0x2], $0x10, s15, s22, $0xb8;
	[tilespmem:$0x11800] =	vst v63  }
0x56: {  	_ =	swait.ge [sflag:s0], $0x800  }
0x57: {  	[sflag:s0] =	ssyncset.done $0x0  }
0x58: {  	s29 =	simm.s32 $0xE000;
	[sflag:s0] =	ssyncadd.s32 $0xFFFFF800  }
0x59: {  	[spmem:s3] =	stream.indirect.scatter.add.f32 [tilespmem:s29], [sflag:$0x2], $0x10, s16, s22, $0xb8;
	[tilespmem:$0x11800] =	vst v63  }
0x5a: {  	_ =	swait.ge [sflag:s0], $0x800  }
0x5b: {  	[sflag:s0] =	ssyncset.done $0x0  }
0x5c: {  	s30 =	simm.s32 $0xE800;
	[sflag:s0] =	ssyncadd.s32 $0xFFFFF800  }
0x5d: {  	[spmem:s3] =	stream.indirect.scatter.add.f32 [tilespmem:s30], [sflag:$0x2], $0x10, s17, s22, $0xb8;
	[tilespmem:$0x11800] =	vst v63  }
0x5e: {  	_ =	swait.ge [sflag:s25], $0x800  }
0x5f: {  	[sflag:s25] =	ssyncset.done $0x0  }
0x60: {  	[sflag:s25] =	ssyncadd.s32 $0xFFFFF800  }
0x61: {  	_ =	swait.ge [sflag:s25], $0x800  }
0x62: {  	[sflag:s25] =	ssyncset.done $0x0  }
0x63: {  	[sflag:s25] =	ssyncadd.s32 $0xFFFFF800  }
0x64: {  	_ =	swait.ge [sflag:s25], $0x800  }
0x65: {  	[sflag:s25] =	ssyncset.done $0x0  }
0x66: {  	[sflag:s25] =	ssyncadd.s32 $0xFFFFF800  }
0x67: {  	_ =	swait.ge [sflag:s25], $0x800  }
0x68: {  	[sflag:s25] =	ssyncset.done $0x0  }
0x69: {  	[sflag:s25] =	ssyncadd.s32 $0xFFFFF800  }
0x6a: {  	_ =	swait.ge [sflag:s25], $0x800  }
0x6b: {  	[sflag:s25] =	ssyncset.done $0x0  }
0x6c: {  	[sflag:s25] =	ssyncadd.s32 $0xFFFFF800  }
0x6d: {  	_ =	swait.ge [sflag:s25], $0x800  }
0x6e: {  	[sflag:s25] =	ssyncset.done $0x0  }
0x6f: {  	[sflag:s25] =	ssyncadd.s32 $0xFFFFF800  }
0x70: {  	_ =	swait.ge [sflag:s25], $0x800  }
0x71: {  	[sflag:s25] =	ssyncset.done $0x0  }
0x72: {  	[sflag:s25] =	ssyncadd.s32 $0xFFFFF800  }
0x73: {  	_ =	swait.ge [sflag:s25], $0x800  }
0x74: {  	[sflag:s25] =	ssyncset.done $0x0  }
0x75: {  	[sflag:s25] =	ssyncadd.s32 $0xFFFFF800  }
0x76: {  	[bflag:$0x0] =	sbarrier.arrive $0xFFFF  }
0x77: {  	[tilespmem:s21], [sflag:$0x3] =	stream.linear.gather [spmem:s7], $0x2800, $0x38;
	[tilespmem:$0x11800] =	vst v63  }
0x78: {  	s26 =	sadd.s32 $0x1, s26;
	_ =	swait.ge [sflag:s20], $0x2800  }
0x79: {  	p1 =	sne.s32 s26, s13;
	[sflag:s20] =	ssyncset.done $0x0  }
.Ltmp3:
0x7a: {  	s31 =	simm.s32 $0x0;
	[sflag:s20] =	ssyncadd.s32 $0xFFFFD800;
	(pc) =	sbr.rel @p1 .LBB2_1-.Ltmp3, $4  }
0x7b: {  	[hbm4b:s12+s31] =	stream.linear.scatter [tilespmem:s21], [sflag:$0x3], $0x2800, $0x38;
	[tilespmem:$0x11800] =	vst v63  }
0x7c: {  	_ =	swait.ge [sflag:s20], $0x2800  }
0x7d: {  	[sflag:s20] =	ssyncset.done $0x0  }
0x7e: {  	[sflag:s20] =	ssyncadd.s32 $0xFFFFD800  }
0x7f: {  	_ =	sfence.sel $0x180000  }
0x80: {  	[bflag:$0x0] =	sbarrier.arrive $0xFFFF  }
0x81: {  	_ =	strace $0x9000004D  }
0x82: {  	s0 =	stileid.u32;
	[bflag:$0x2] =	sbarrier.arrive $0xFFFF  }
0x83: {  	p0 =	sne.s32 s0, $0x0;
	s0 =	rddreg [dreg:$0x3]  }
0x84: {  	s0 =	sadd.s32 @!p0 $0x100000, s0  }
0x85: {  	[sflag:s0] =	ssyncadd.tile.s32 @!p0 $0x1;
	_ =	shalt  }
.Lfunc_end2:
_tile_overlayer_lowered:
.L_overlay_start_2:
0x86: {  	(tag) =	ssettag $0x2  }
0x87: {  	s0 =	rddreg [dreg:$0x0];
	s2 =	stileid.u32  }
0x88: {  	s1 =	rddreg [dreg:$0x1];
	p0 =	sne.s32 s2, $0x0  }
0x89: {  	s3 =	rddreg [dreg:$0x2];
	[bflag:$0x3] =	sbarrier.arrive $0xFFFF;
	s2 =	simm.s32 @!p0 $0x1C03  }
0x8a: {  	[timem:s3], [sflag:s2] =	dma.local @!p0 [hbm:s0], s1  }
0x8b: {  	s0 =	simm.s32 @!p0 $0x3  }
0x8c: {  	_ =	swait.ge @!p0 [sflag:s0], s1  }
0x8d: {  	s1 =	ssub.s32 @!p0 $0x0, s1;
	[sflag:s0] =	ssyncset.done @!p0 $0x0  }
0x8e: {  	[sflag:s0] =	ssyncadd.s32 @!p0 s1  }
0x8f: {  	[bflag:$0x3] =	sbarrier.arrive $0xFFFF  }
0x90: {  	_ =	shalt  }

// kernel: kernel.9.cloned.1.call-start
scs
__scs_entry_jumppad:
0x0: {  	(pc) =	sbr.rel $0x88, $3  }
0x1: {  	(tag) =	ssettag $0x0;
	lr =	simm.s32 $0x1  }
0x2: {  	[smem:$0x3F9B] =	sst lr;
	_ =	strace $0xD0000000  }
0x3: {  	_ = 	snop  }
0x4: {  	_ = 	snop  }
0x5: {  	_ = 	snop  }
0x6: {  	_ = 	snop  }
0x7: {  	_ = 	snop  }
__scs_overlays_trampoline_lowered:
0x8: {  	[smem:$0x3FAA] =	sst s0  }
0x9: {  	[smem:$0x3FAB] =	sst s1  }
0xa: {  	[smem:$0x3FAC] =	sst s2  }
0xb: {  	[smem:$0x3FAD] =	sst s3  }
0xc: {  	[smem:$0x3FAE] =	sst s4  }
0xd: {  	[smem:$0x3FAF] =	sst s5  }
0xe: {  	[smem:$0x3FB0] =	sst s6  }
0xf: {  	[smem:$0x3FB1] =	sst s7  }
0x10: {  	[smem:$0x3FB2] =	sst s8  }
0x11: {  	[smem:$0x3FB3] =	sst s9;
	s0 =	simm.s32 @!p0 $0x0  }
0x12: {  	s1 =	sld [smem:$0x3F99];
	s0 =	simm.s32 @p0 $0x1  }
0x13: {  	[smem:$0x3FB4] =	sst s0;
	s0 =	simm.s32 @!p1 $0x0  }
0x14: {  	s2 =	sld [smem:$0x3F98];
	s0 =	simm.s32 @p1 $0x1  }
0x15: {  	[smem:$0x3FB5] =	sst s0;
	s0 =	simm.s32 @!p2 $0x0  }
0x16: {  	s3 =	sld [smem:$0x3FDB];
	s0 =	simm.s32 @p2 $0x1  }
0x17: {  	s4 =	simm.s32 $0x1BF5;
	[smem:$0x3FB7] =	sst s0  }
0x18: {  	s0 =	sld [smem:$0x3F9A];
	_ =	swait.ge [sflag:s4], $0x0  }
0x19: {  	s7 =	sld [smem:$0x3F9B]  }
0x1a: {  	s8 =	sadd.s32 $0xFFFFE003, lr  }
0x1b: {  	s9 =	sadd.s32 $0xFFFFFEF7, lr;
	s5 =	simm.s32 $0xFFFFFFFF;
	p2 =	slt.u32 s8, $0xFFFFF086  }
0x1c: {  	p1 =	slt.u32 s9, $0xF7A;
	s5 =	simm.s32 @!p2 $0x0  }
0x1d: {  	s5 =	simm.s32 @p1 $0x1;
	p0 =	seq.s32 s7, s2  }
0x1e: {  	s7 =	smul.u32 @!p0 $0xF7A, s2;
	p2 =	seq.s32 @!p0 s5, $0x0  }
0x1f: {  	s9 =	smul.u32 $0xF7A, s1;
	s8 =	simm.s32 @!p0 $0x1BF5;
	p2 =	por !p2, p0  }
0x20: {  	[sflag:s8] =	ssyncset.s32 @!p0 $0xFFFFF086;
	s6 =	sadd.s32 @!p0 s3, s7;
	s7 =	simm.s32 @!p0 $0x108  }
0x21: {  	s3 =	sadd.s32 s3, s9;
	s6 =	sadd.s32 @!p0 $0x88, s6;
	s7 =	simm.s32 @p2 $0x1082  }
0x22: {  	[simem:s7], [sflag:s8] =	dma.local @!p0 [hbm:s6], $0xF7A  }
0x23: {  	s9 =	sor.u32 $0xD0000000, s2;
	s6 =	simm.s32 $0x108;
	_ =	swait.ge @!p0 [sflag:s8], $0x0  }
0x24: {  	s3 =	sadd.s32 $0x88, s3;
	s6 =	simm.s32 @!p1 $0x1082;
	[sflag:s4] =	ssyncset.s32 $0xFFFFF086  }
0x25: {  	[simem:s6], [sflag:s4] =	dma.local [hbm:s3], $0xF7A  }
0x26: {  	[smem:$0x3F9B] =	sst s1;
	(tag) =	ssettag s2;
	_ =	strace s9  }
0x27: {  	s1 =	sld [smem:$0x3FAB]  }
0x28: {  	s2 =	sld [smem:$0x3FAC]  }
0x29: {  	s4 =	sld [smem:$0x3FAE]  }
0x2a: {  	p0 =	seq.s32 s5, $0x0;
	s5 =	sld [smem:$0x3FAF]  }
0x2b: {  	s6 =	sld [smem:$0x3FB0]  }
0x2c: {  	s7 =	sld [smem:$0x3FB1]  }
0x2d: {  	s3 =	simm.s32 $0x108;
	s8 =	sld [smem:$0x3FB2]  }
0x2e: {  	s3 =	simm.s32 @!p0 $0x1082;
	s9 =	sld [smem:$0x3FB3]  }
0x2f: {  	lr =	sadd.s32 s0, s3;
	s0 =	sld [smem:$0x3FAA]  }
0x30: {  	s3 =	sld [smem:$0x3FAD]  }
0x31: {  	[smem:$0x3FB6] =	sst s10  }
0x32: {  	s10 =	sld [smem:$0x3FB4];
	_ =	sdelay $0x3  }
0x33: {  	p0 =	seq.s32 s10, $0x1;
	s10 =	sld [smem:$0x3FB6];
	_ =	sdelay $0x3  }
0x34: {  	[smem:$0x3FB6] =	sst s10  }
0x35: {  	s10 =	sld [smem:$0x3FB5];
	_ =	sdelay $0x3  }
0x36: {  	p1 =	seq.s32 s10, $0x1;
	s10 =	sld [smem:$0x3FB6];
	_ =	sdelay $0x3  }
0x37: {  	[smem:$0x3FB6] =	sst s10  }
0x38: {  	s10 =	sld [smem:$0x3FB7]  }
0x39: {  	_ = 	snop;
	(pc) =	sbr.ind lr, $3  }
0x3a: {  	_ = 	snop  }
0x3b: {  	_ = 	snop  }
0x3c: {  	p2 =	seq.s32 s10, $0x1;
	s10 =	sld [smem:$0x3FB6]  }
0x3d: {  	_ =	shalt  }
0x3e: {  	_ =	shalt  }
0x3f: {  	_ =	shalt  }
0x40: {  	_ =	shalt  }
0x41: {  	_ =	shalt  }
0x42: {  	_ =	shalt  }
0x43: {  	_ =	shalt  }
0x44: {  	_ =	shalt  }
0x45: {  	_ =	shalt  }
0x46: {  	_ =	shalt  }
0x47: {  	_ =	shalt  }
0x48: {  	_ =	shalt  }
0x49: {  	_ =	shalt  }
0x4a: {  	_ =	shalt  }
0x4b: {  	_ =	shalt  }
0x4c: {  	_ =	shalt  }
0x4d: {  	_ =	shalt  }
0x4e: {  	_ =	shalt  }
0x4f: {  	_ =	shalt  }
0x50: {  	_ =	shalt  }
0x51: {  	_ =	shalt  }
0x52: {  	_ =	shalt  }
0x53: {  	_ =	shalt  }
0x54: {  	_ =	shalt  }
0x55: {  	_ =	shalt  }
0x56: {  	_ =	shalt  }
0x57: {  	_ =	shalt  }
0x58: {  	_ =	shalt  }
0x59: {  	_ =	shalt  }
0x5a: {  	_ =	shalt  }
0x5b: {  	_ =	shalt  }
0x5c: {  	_ =	shalt  }
0x5d: {  	_ =	shalt  }
0x5e: {  	_ =	shalt  }
0x5f: {  	_ =	shalt  }
0x60: {  	_ =	shalt  }
0x61: {  	_ =	shalt  }
0x62: {  	_ =	shalt  }
0x63: {  	_ =	shalt  }
0x64: {  	_ =	shalt  }
0x65: {  	_ =	shalt  }
0x66: {  	_ =	shalt  }
0x67: {  	_ =	shalt  }
0x68: {  	_ =	shalt  }
0x69: {  	_ =	shalt  }
0x6a: {  	_ =	shalt  }
0x6b: {  	_ =	shalt  }
0x6c: {  	_ =	shalt  }
0x6d: {  	_ =	shalt  }
0x6e: {  	_ =	shalt  }
0x6f: {  	_ =	shalt  }
0x70: {  	_ =	shalt  }
0x71: {  	_ =	shalt  }
0x72: {  	_ =	shalt  }
0x73: {  	_ =	shalt  }
0x74: {  	_ =	shalt  }
0x75: {  	_ =	shalt  }
0x76: {  	_ =	shalt  }
0x77: {  	_ =	shalt  }
0x78: {  	_ =	shalt  }
0x79: {  	_ =	shalt  }
0x7a: {  	_ =	shalt  }
0x7b: {  	_ =	shalt  }
0x7c: {  	_ =	shalt  }
0x7d: {  	_ =	shalt  }
0x7e: {  	_ =	shalt  }
0x7f: {  	_ =	shalt  }
0x80: {  	_ =	shalt  }
0x81: {  	_ =	shalt  }
0x82: {  	_ =	shalt  }
0x83: {  	_ =	shalt  }
0x84: {  	_ =	shalt  }
0x85: {  	_ =	shalt  }
0x86: {  	_ =	shalt  }
0x87: {  	_ =	shalt  }
.Lfunc_end0:
.L_simem_size_0:
called_computation_lowered:
.L_overlay_start_0:
0x88: {  	s2 =	sld [smem:$0x3FD9]  }
0x89: {  	s3 =	sld [smem:$0x3FFE];
	_ =	sdelay $0x1  }
0x8a: {  	s1 =	srdreg.scid  }
0x8b: {  	s0 =	sand.u32 $0x1, s1  }
0x8c: {  	s16 =	sshll.u32 s0, $0xA;
	s2 =	sadd.s32 s3, s2  }
0x8d: {  	s2 =	sadd.s32 s2, s16  }
0x8e: {  	[smem:$0x3FC2] =	sst s2  }
0x8f: {  	_ = 	snop  }
0x90: {  	(tm) =	ssettm $0x1  }
0x91: {  	s17 =	sld [smem:$0x3FFB];
	_ =	sdelay $0x3  }
0x92: {  	_ =	strace s17  }
0x93: {  	s2 =	sld [smem:$0x3FFC];
	_ =	sdelay $0x3  }
0x94: {  	_ =	strace s2  }
0x95: {  	s2 =	sld [smem:$0x3FFD];
	_ =	sdelay $0x3  }
0x96: {  	_ =	strace s2  }
0x97: {  	_ =	strace $0x8FFFFFFF  }
0x98: {  	s18 =	sld [smem:$0x3FDB];
	_ =	sdelay $0x1  }
0x99: {  	s19 =	simm.s32 $_scs_section_size  }
0x9a: {  	s4 =	simm.s32 $_size__tile_overlayer_lowered;
	s5 =	simm.s32 $_tile_overlayer_lowered  }
0x9b: {  	s22 =	simm.s32 $0x1BFF;
	s21 =	sshll.u32 s5, $0x1;
	s2 =	sadd.s32 s19, s18  }
0x9c: {  	s6 =	simm.s32 $0x0;
	s20 =	sshll.u32 s4, $0x1;
	s4 =	sadd.s32 s21, s2  }
0x9d: {  	[timem:s6], [sflag:s22] =	dma.local [hbm:s4], s20  }
0x9e: {  	_ =	swait.ge [sflag:s22], s20  }
0x9f: {  	s3 =	ssub.s32 $0x0, s20;
	[sflag:s22] =	ssyncset.done $0x0  }
0xa0: {  	[sflag:s22] =	ssyncadd.s32 s3;
	_ =	sdelay $0x1  }
0xa1: {  	s23 =	simm.s32 $0x1B8B  }
0xa2: {  	_ =	swait.ge [sflag:s23], $0x1  }
0xa3: {  	[sflag:s23] =	ssyncset.done $0x0  }
0xa4: {  	s25 =	simm.s32 $0x1B8E;
	s24 =	sld [smem:$0x3FFE];
	[sflag:s23] =	ssyncadd.s32 $0xFFFFFFFF  }
0xa5: {  	s26 =	simm.s32 $execute0_lowered;
	[smem:$0x3FD2] =	sst s25  }
0xa6: {  	s4 =	sshll.u32 s26, $0x1;
	_ =	strace $0x80000046;
	[dreg:$0x1] =	wrdreg $0xFFFFFFFF  }
0xa7: {  	s28 =	simm.s32 $_size_execute0_lowered;
	s2 =	sadd.s32 s2, s4;
	[dreg:$0x0] =	wrdreg $0x0  }
0xa8: {  	s4 =	sshll.u32 s28, $0x1;
	[dreg:$0x2] =	wrdreg s2  }
0xa9: {  	[dreg:$0x3] =	wrdreg s4  }
0xaa: {  	[dreg:$0x4] =	wrdreg $0xC0  }
0xab: {  	_ =	task [dreg:s6], $0x5FFFF  }
0xac: {  	[dreg:$0x1] =	wrdreg $0xFFFFFFFF  }
0xad: {  	[dreg:$0x0] =	wrdreg $0x60  }
0xae: {  	[dreg:$0x2] =	wrdreg s24  }
0xaf: {  	[dreg:$0x3] =	wrdreg $0x0  }
0xb0: {  	[dreg:$0x4] =	wrdreg $0x9  }
0xb1: {  	_ =	task.clear_ibuf [dreg:s6], $0x5FFFF;
	_ =	strace $0x90000046  }
0xb2: {  	s29 =	simm.s32 $0x9;
	_ =	strace $0x80000048  }
0xb3: {  	_ =	swait.ge [sflag:s29], $0x1  }
0xb4: {  	[sflag:s29] =	ssyncadd.s32 $0xFFFFFFFF  }
0xb5: {  	_ =	strace $0x90000048  }
0xb6: {  	_ =	sfence  }
0xb7: {  	s30 =	sld [smem:$0x0];
	_ =	sdelay $0x2  }
0xb8: {  	s31 =	sshll.u32 s1, $0xD;
	s1 =	sshrl.u32 s1, $0x2  }
0xb9: {  	s3 =	sand.u32 $0x4000, s31;
	s1 =	sadd.s32 s1, s30  }
0xba: {  	s0 =	sor.u32 s3, s0;
	s1 =	sshll.u32 s1, $0x11  }
0xbb: {  	s0 =	sor.u32 s1, s0  }
0xbc: {  	s0 =	sadd.s32 $0x8F2B, s0  }
0xbd: {  	[sflag:s0] =	ssyncadd.remote.s32 $0x1  }
0xbe: {  	_ =	sfence.sel $0xFFFF  }
0xbf: {  	[dreg:$0x0] =	wrdreg $0xFFFFFFFF;
	(pc) =	sbr.abs _section_cstart, $3  }
0xc0: {  	[dreg:$0x1] =	wrdreg $0xFFFFFFFF  }
0xc1: {  	_ =	task.clear_ibuf [dreg:s6], $0x2FFFF;
	_ =	strace $0x9FFFFFFF  }
0xc2: {  	(tm) =	ssettm $0x7FFFFFFF  }
0xc3: {  	_ =	shalt  }
tec
execute0_lowered:
.L_overlay_start_1:
0x0: {  	(tag) =	ssettag $0x1  }
0x1: {  	s4 =	rddreg [dreg:$0x0];
	s1 =	srdreg.scid  }
0x2: {  	s0 =	stileid.u32;
	s2 =	rddreg [dreg:$0x1]  }
0x3: {  	s3 =	simm.s32 $0x0;
	s12 =	simm.s32 $0x80;
	s13 =	simm.s32 $0x4A80  }
0x4: {  	s14 =	simm.s32 $0x1;
	s15 =	simm.s32 $0x4D90;
	s16 =	simm.s32 $0x0  }
0x5: {  	s10 =	sand.u32 $0x1, s1;
	s5 =	smul.u32 $0x280, s0;
	s1 =	rddreg [dreg:$0x2]  }
0x6: {  	[smem:$0x7FF] =	sst s3;
	s8 =	sadd.s32 $0x3000, s4;
	s31 =	smul.u32 $0x900, s0  }
0x7: {  	s30 =	sshll.u32 s0, $0x8;
	s6 =	smul.u32 $0x2800, s10;
	s7 =	ssub.s32 $0x2, s10  }
0x8: {  	_ =	strace $0x80000047;
	p0 =	seq.s32 s10, $0x0;
	s9 =	sshrl.u32 s7, $0x1  }
0x9: {  	s6 =	sadd.s32 s5, s6;
	s9 =	ssub.s32 s7, s9;
	s5 =	sadd.s32 s5, s2  }
0xa: {  	s7 =	sadd.s32 s8, s31;
	s6 =	sshll.u32 s6, $0x1;
	s9 =	smax.u32 s9, $0x1  }
0xb: {  	s11 =	sadd.s32 s6, s4;
	s4 =	simm.s32 $0x90;
	s6 =	sadd.s32 s30, s8  }
0xc: {  	s4 =	simm.s32 @!p0 $0x10;
	s6 =	sadd.s32 $0x9000, s6;
	s8 =	sadd.s32 $0x17000, s11  }
0xd: {  	v0 =	vimm.f32 $1.000000000e+00;
	v1 =	vimm.f32 $0.0e+00;
	p0 =	sne.s32 s10, $0x0;
	s10 =	simm.s32 $0x4B00;
	s11 =	simm.s32 $0x2  }
.LBB2_1:
0xe: {  	[tilespmem:$0x4A80] =	vst v0  }
0xf: {  	[tilespmem:$0x4A90] =	vst v0  }
0x10: {  	[tilespmem:$0x4AA0] =	vst v0  }
0x11: {  	[tilespmem:$0x4AB0] =	vst v0  }
0x12: {  	[tilespmem:$0x4AC0] =	vst v0  }
0x13: {  	[tilespmem:$0x4AD0] =	vst v0  }
0x14: {  	[tilespmem:$0x4AE0] =	vst v0  }
0x15: {  	[tilespmem:$0x4AF0] =	vst v0  }
0x16: {  	[tilespmem:$0x4B00] =	vst v1  }
0x17: {  	[tilespmem:$0x4B10] =	vst v1  }
0x18: {  	[tilespmem:$0x4B20] =	vst v1  }
0x19: {  	[tilespmem:$0x4B30] =	vst v1  }
0x1a: {  	[tilespmem:$0x4B40] =	vst v1  }
0x1b: {  	[tilespmem:$0x4B50] =	vst v1  }
0x1c: {  	[tilespmem:$0x4B60] =	vst v1  }
0x1d: {  	[tilespmem:$0x4B70] =	vst v1  }
0x1e: {  	[tilespmem:$0x4B80] =	vst v1  }
0x1f: {  	[tilespmem:$0x4B90] =	vst v1  }
0x20: {  	[tilespmem:$0x4BA0] =	vst v1  }
0x21: {  	[tilespmem:$0x4BB0] =	vst v1  }
0x22: {  	[tilespmem:$0x4BC0] =	vst v1  }
0x23: {  	[tilespmem:$0x4BD0] =	vst v1  }
0x24: {  	[tilespmem:$0x4BE0] =	vst v1  }
0x25: {  	[tilespmem:$0x4BF0] =	vst v1  }
0x26: {  	[tilespmem:$0x4C00] =	vst v1  }
0x27: {  	[tilespmem:$0x4C10] =	vst v1  }
0x28: {  	[tilespmem:$0x4C20] =	vst v1  }
0x29: {  	[tilespmem:$0x4C30] =	vst v1  }
0x2a: {  	[tilespmem:$0x4C40] =	vst v1  }
0x2b: {  	[tilespmem:$0x4C50] =	vst v1  }
0x2c: {  	[tilespmem:$0x4C60] =	vst v1  }
0x2d: {  	[tilespmem:$0x4C70] =	vst v1  }
0x2e: {  	[tilespmem:$0x4C80] =	vst v1  }
0x2f: {  	[tilespmem:$0x4C90] =	vst v1  }
0x30: {  	[tilespmem:$0x4CA0] =	vst v1  }
0x31: {  	[tilespmem:$0x4CB0] =	vst v1  }
0x32: {  	[tilespmem:$0x4CC0] =	vst v1  }
0x33: {  	[tilespmem:$0x4CD0] =	vst v1  }
0x34: {  	[tilespmem:$0x4CE0] =	vst v1  }
0x35: {  	[tilespmem:$0x4CF0] =	vst v1  }
0x36: {  	[tilespmem:$0x4D00] =	vst v1  }
0x37: {  	[tilespmem:$0x4D10] =	vst v1  }
0x38: {  	[tilespmem:$0x4D20] =	vst v1  }
0x39: {  	[tilespmem:$0x4D30] =	vst v1  }
0x3a: {  	[tilespmem:$0x4D40] =	vst v1  }
0x3b: {  	[tilespmem:$0x4D50] =	vst v1  }
0x3c: {  	[tilespmem:$0x4D60] =	vst v1  }
0x3d: {  	[tilespmem:$0x4D70] =	vst v1  }
0x3e: {  	[tilespmem:$0x4D80] =	vst v1  }
0x3f: {  	[spmem:s5] =	stream.linear.scatter [tilespmem:s10], [sflag:$0x2], $0x280, $0x38;
	[tilespmem:$0x7590] =	vst v63  }
0x40: {  	_ =	swait.ge [sflag:s11], $0x280  }
0x41: {  	[sflag:s11] =	ssyncset.done $0x0  }
0x42: {  	s17 =	simm.s32 @p0 $0x0;
	s18 =	simm.s32 @p0 $0x280;
	[sflag:s11] =	ssyncadd.s32 $0xFFFFFD80  }
0x43: {  	[tilespmem:s18], [sflag:$0x2] =	stream.linear.gather @p0 [hbm4b:s6+s17], $0x800, $0x38;
	[tilespmem:$0x7590] =	vst v63  }
0x44: {  	s17 =	simm.s32 @p0 $0x2  }
0x45: {  	_ =	swait.ge @p0 [sflag:s17], $0x800  }
0x46: {  	[sflag:s17] =	ssyncset.done @p0 $0x0  }
0x47: {  	s18 =	simm.s32 @!p0 $0x280;
	[sflag:s17] =	ssyncadd.s32 @p0 $0xFFFFF800;
	s17 =	simm.s32 @!p0 $0x0  }
0x48: {  	[tilespmem:s18], [sflag:$0x2] =	stream.linear.gather @!p0 [hbm4b:s7+s17], $0x4800, $0x38;
	[tilespmem:$0x7590] =	vst v63  }
0x49: {  	s17 =	simm.s32 @!p0 $0x2  }
0x4a: {  	_ =	swait.ge @!p0 [sflag:s17], $0x4800  }
0x4b: {  	p2 =	sne.s32 s4, $0x1;
	[sflag:s17] =	ssyncset.done @!p0 $0x0  }
.Ltmp0:
0x4c: {  	p1 =	por $0x1, $0x1;
	[sflag:s17] =	ssyncadd.s32 @!p0 $0xFFFFB800;
	(pc) =	sbr.rel @!p2 .LBB2_3-.Ltmp0, $4  }
0x4d: {  	s19 =	simm.s32 @!p1 $0x1;
	s17 =	simm.s32 $0x280;
	[bflag:$0x0] =	sbarrier.arrive $0xFFFF  }
0x4e: {  	[spmem:s2] =	stream.indirect.scatter.add.f32 [tilespmem:s13], [sflag:$0x1], $0x1, s17, s12, $0xb8;
	[tilespmem:$0x7590] =	vst v63  }
0x4f: {  	_ =	swait.ge @!p1 [sflag:s19], $0x80  }
0x50: {  	s18 =	simm.s32 $0x1;
	[sflag:s19] =	ssyncset.done @!p1 $0x0  }
.LBB2_2:
0x51: {  	[sflag:s19] =	ssyncadd.s32 @!p1 $0xFFFFFF80  }
0x52: {  	s17 =	sadd.s32 $0x80, s17;
	s19 =	smov.u32 s18;
	s18 =	sadd.s32 $0x1, s18  }
0x53: {  	p2 =	sne.s32 s4, s18  }
0x54: {  	[spmem:s2] =	stream.indirect.scatter.add.f32 [tilespmem:s13], [sflag:$0x1], $0x1, s17, s12, $0xb8;
	[tilespmem:$0x7590] =	vst v63  }
.Ltmp1:
0x55: {  	_ = 	snop;
	(pc) =	sbr.rel @p2 .LBB2_2-.Ltmp1, $4  }
0x56: {  	p1 =	slt.u32 s19, $0x8  }
0x57: {  	s19 =	simm.s32 @!p1 $0x1  }
0x58: {  	_ =	swait.ge @!p1 [sflag:s19], $0x80  }
0x59: {  	[sflag:s19] =	ssyncset.done @!p1 $0x0  }
.LBB2_3:
0x5a: {  	[sflag:s19] =	ssyncadd.s32 @!p1 $0xFFFFFF80  }
0x5b: {  	_ =	swait.ge [sflag:s14], $0x80  }
0x5c: {  	[sflag:s14] =	ssyncset.done $0x0  }
0x5d: {  	[sflag:s14] =	ssyncadd.s32 $0xFFFFFF80  }
0x5e: {  	_ =	swait.ge [sflag:s14], $0x80  }
0x5f: {  	[sflag:s14] =	ssyncset.done $0x0  }
0x60: {  	[sflag:s14] =	ssyncadd.s32 $0xFFFFFF80  }
0x61: {  	_ =	swait.ge [sflag:s14], $0x80  }
0x62: {  	[sflag:s14] =	ssyncset.done $0x0  }
0x63: {  	[sflag:s14] =	ssyncadd.s32 $0xFFFFFF80  }
0x64: {  	_ =	swait.ge [sflag:s14], $0x80  }
0x65: {  	[sflag:s14] =	ssyncset.done $0x0  }
0x66: {  	[sflag:s14] =	ssyncadd.s32 $0xFFFFFF80  }
0x67: {  	_ =	swait.ge [sflag:s14], $0x80  }
0x68: {  	[sflag:s14] =	ssyncset.done $0x0  }
0x69: {  	[sflag:s14] =	ssyncadd.s32 $0xFFFFFF80  }
0x6a: {  	_ =	swait.ge [sflag:s14], $0x80  }
0x6b: {  	[sflag:s14] =	ssyncset.done $0x0  }
0x6c: {  	[sflag:s14] =	ssyncadd.s32 $0xFFFFFF80  }
0x6d: {  	_ =	swait.ge [sflag:s14], $0x80  }
0x6e: {  	[sflag:s14] =	ssyncset.done $0x0  }
0x6f: {  	[sflag:s14] =	ssyncadd.s32 $0xFFFFFF80  }
0x70: {  	_ =	swait.ge [sflag:s14], $0x80  }
0x71: {  	[sflag:s14] =	ssyncset.done $0x0  }
0x72: {  	[sflag:s14] =	ssyncadd.s32 $0xFFFFFF80  }
0x73: {  	[bflag:$0x0] =	sbarrier.arrive $0xFFFF  }
0x74: {  	[tilespmem:s10], [sflag:$0x2] =	stream.linear.gather [spmem:s5], $0x280, $0x38;
	[tilespmem:$0x7590] =	vst v63  }
0x75: {  	_ =	swait.ge [sflag:s11], $0x280  }
0x76: {  	[sflag:s11] =	ssyncset.done $0x0  }
0x77: {  	s17 =	simm.s32 $0x0;
	[sflag:s11] =	ssyncadd.s32 $0xFFFFFD80  }
0x78: {  	v2 =	vld.msk [tilespmem:s17+$0x4B00 ss:$0x0], $0xffff;
	_ =	sdelay $0x3  }
0x79: {  	s17 =	simm.s32 $0x4D90  }
0x7a: {  	s19 =	simm.s32 $0x1;
	s18 =	simm.s32 $0x8;
	[tilespmem:s17+$0x0] =	vst v2  }
.LBB2_4:
0x7b: {  	p1 =	sne.s32 s18, $0x9FC;
	v2 =	vld.msk [tilespmem:s19+$0x4B00 ss:$0x0], $0xffff;
	_ =	sdelay $0x1  }
.Ltmp2:
0x7c: {  	(pc) =	sbr.rel @p1 .LBB2_4-.Ltmp2, $3  }
0x7d: {  	_ =	sdelay $0x1  }
0x7e: {  	s17 =	sadd.s32 $0x10, s17  }
0x7f: {  	s19 =	sshra.s32 s18, $0x2;
	s18 =	sadd.s32 $0x4, s18;
	[tilespmem:s17+$0x0] =	vst v2  }
0x80: {  	v2 =	vld.msk [tilespmem:s19+$0x4B00 ss:$0x0], $0xffff;
	_ =	sdelay $0x2  }
0x81: {  	s16 =	sadd.s32 $0x1, s16  }
0x82: {  	s17 =	sadd.s32 $0x10, s17;
	p1 =	sne.s32 s16, s9  }
.Ltmp3:
0x83: {  	[tilespmem:s17+$0x0] =	vst v2;
	(pc) =	sbr.rel @p1 .LBB2_1-.Ltmp3, $4  }
0x84: {  	[hbm4b:s8+s3] =	stream.linear.scatter [tilespmem:s15], [sflag:$0x2], $0x2800, $0x38;
	[tilespmem:$0x7590] =	vst v63  }
0x85: {  	_ =	swait.ge [sflag:s11], $0x2800  }
0x86: {  	[sflag:s11] =	ssyncset.done $0x0  }
0x87: {  	[sflag:s11] =	ssyncadd.s32 $0xFFFFD800  }
0x88: {  	_ =	sfence.sel $0x180000  }
0x89: {  	[bflag:$0x0] =	sbarrier.arrive $0xFFFF  }
0x8a: {  	p0 =	sne.s32 s0, $0x0;
	_ =	strace $0x90000047  }
0x8b: {  	s0 =	sadd.s32 @!p0 $0x100000, s1;
	[bflag:$0x2] =	sbarrier.arrive $0xFFFF  }
0x8c: {  	[sflag:s0] =	ssyncadd.tile.s32 @!p0 $0x1;
	_ =	shalt  }
.Lfunc_end2:
_tile_overlayer_lowered:
.L_overlay_start_2:
0x8d: {  	(tag) =	ssettag $0x2  }
0x8e: {  	s0 =	rddreg [dreg:$0x0];
	s2 =	stileid.u32  }
0x8f: {  	s1 =	rddreg [dreg:$0x1];
	p0 =	sne.s32 s2, $0x0  }
0x90: {  	s3 =	rddreg [dreg:$0x2];
	[bflag:$0x3] =	sbarrier.arrive $0xFFFF;
	s2 =	simm.s32 @!p0 $0x1C02  }
0x91: {  	[timem:s3], [sflag:s2] =	dma.local @!p0 [hbm:s0], s1  }
0x92: {  	s0 =	simm.s32 @!p0 $0x2  }
0x93: {  	_ =	swait.ge @!p0 [sflag:s0], s1  }
0x94: {  	s1 =	ssub.s32 @!p0 $0x0, s1;
	[sflag:s0] =	ssyncset.done @!p0 $0x0  }
0x95: {  	[sflag:s0] =	ssyncadd.s32 @!p0 s1  }
0x96: {  	[bflag:$0x3] =	sbarrier.arrive $0xFFFF  }
0x97: {  	_ =	shalt  }

</sc_bundles>
